<compile_context>
chip_gen: v7x
topology: tpu7x:2x2x1
jax: 0.10.2.dev20260603
libtpu: 0.0.44.dev20260713+nightly
codegen_flags: <defaults>
</compile_context>

<pallas_src>
import functools

import jax
import jax.numpy as jnp
import numpy as np
from jax import lax
from jax.experimental import pallas as pl
from jax.experimental.pallas import tpu as pltpu
from jax.experimental.pallas import tpu_sc as plsc
from jax.experimental.pallas import tpu as pltpu

EPS = float(np.finfo(np.float32).eps)
NS = 2000
NSP = 2048
NCHUNK = 16
NL = 128
Y0 = 0.9999
STEP = 2.0 * Y0 / (NS - 1)
RSQRT2PI = float(1.0 / np.sqrt(2.0 * np.pi))


def _tables():
    i = np.minimum(np.arange(NSP), NS - 1).astype(np.float64)
    x = (i * STEP - Y0).astype(np.float32)
    t = 0.5 * np.log((1.0 + x) / (1.0 - x) + EPS, dtype=np.float32)
    coef = (RSQRT2PI / (1.0 - x * x)).astype(np.float32)
    lcoef = np.log(coef).astype(np.float32)
    lcoef[NS:] = -np.inf
    return (jnp.asarray(t.astype(np.float32)).reshape(NSP, 1),
            jnp.asarray(lcoef).reshape(NSP, 1))


def _body(t_ref, c_ref, mean_ref, std_ref, u_ref, val_ref, prob_ref):
    f32 = jnp.float32
    i32 = jnp.int32

    t = t_ref[...]
    lcoef = c_ref[...]
    mean = mean_ref[0]
    std = std_ref[0] + EPS
    u = u_ref[0]
    r = 1.0 / std
    a = -0.5 * r * r

    z = t - mean
    raw = jnp.exp(z * z * a + lcoef) * r

    cs = [jnp.sum(raw[g * NL:(g + 1) * NL, :], axis=0, keepdims=True)
          for g in range(NCHUNK)]
    s = cs[0]
    for g in range(1, NCHUNK):
        s = s + cs[g]
    up = u * (s + EPS)

    acc = jnp.zeros_like(s)
    gst = jnp.zeros(s.shape, i32)
    off = jnp.zeros_like(s)
    for g in range(NCHUNK):
        acc = acc + cs[g]
        m = acc <= up
        gst = gst + m.astype(i32)
        off = off + jnp.where(m, cs[g], 0.0)
    found = gst < NCHUNK
    gs = jnp.minimum(gst, NCHUNK - 1)

    sel = jnp.where(gs == 0, raw[0:NL, :], 0.0)
    for g in range(1, NCHUNK):
        sel = sel + jnp.where(gs == g, raw[g * NL:(g + 1) * NL, :], 0.0)

    ltri = (jax.lax.broadcasted_iota(i32, (NL, NL), 0)
            >= jax.lax.broadcasted_iota(i32, (NL, NL), 1)).astype(f32)
    within = jax.lax.dot_general(ltri, sel, (((1,), (0,)), ((), ())),
                                 preferred_element_type=f32,
                                 precision=jax.lax.Precision.HIGHEST)
    cdfsel = within + off
    cnt = jnp.sum((cdfsel <= up).astype(i32), axis=0, keepdims=True)

    idx = jnp.where(found, gst * NL + cnt, 0)
    idx = jnp.minimum(idx, NS - 1)
    val_ref[0] = idx.astype(f32) * STEP - Y0

    sub = jax.lax.broadcasted_iota(i32, (NL, 1), 0)
    praw = jnp.sum(jnp.where(sub == cnt, sel, 0.0), axis=0, keepdims=True)
    p0 = raw[0:1, :]
    prob_ref[0] = jnp.where(found, praw, p0) / (s + EPS)


def _tc_part(m, s, u, rows):
    rb = 1024
    nb = rows // rb
    m = m.reshape(nb, 1, rb)
    s = s.reshape(nb, 1, rb)
    u = u.reshape(nb, 1, rb)
    t_tab, c_tab = _tables()
    tab = pl.BlockSpec((NSP, 1), lambda i: (0, 0))
    col = pl.BlockSpec((1, 1, rb), lambda i: (i, 0, 0))
    vals, probs = pl.pallas_call(
        _body,
        grid=(nb,),
        in_specs=[tab, tab, col, col, col],
        out_specs=[col, col],
        out_shape=[
            jax.ShapeDtypeStruct((nb, 1, rb), jnp.float32),
            jax.ShapeDtypeStruct((nb, 1, rb), jnp.float32),
        ],
    )(t_tab, c_tab, m, s, u)
    return vals.reshape(rows), probs.reshape(rows)


R_SC = 2048
NW = 32
RPT = R_SC // NW
NSUP = 8
NCH = 16
L = 16
RPAD = RPT + L


def _tables_1d():
    i = np.minimum(np.arange(NSP), NS - 1).astype(np.float64)
    x = (i * STEP - Y0).astype(np.float32)
    t = 0.5 * np.log((1.0 + x) / (1.0 - x) + EPS, dtype=np.float32)
    coef = (RSQRT2PI / (1.0 - x * x)).astype(np.float32)
    lcoef = np.log(coef).astype(np.float32)
    lcoef[NS:] = -1.0e4
    return jnp.asarray(t), jnp.asarray(lcoef)


def _lanesum(v):
    t0 = (((v[0] + v[1]) + (v[2] + v[3])) + ((v[4] + v[5]) + (v[6] + v[7])))
    t1 = (((v[8] + v[9]) + (v[10] + v[11]))
          + ((v[12] + v[13]) + (v[14] + v[15])))
    return t0 + t1


_mesh = plsc.VectorSubcoreMesh(core_axis_name="c", subcore_axis_name="s")


@functools.partial(
    pl.kernel, mesh=_mesh,
    out_type=[jax.ShapeDtypeStruct((R_SC,), jnp.float32),
              jax.ShapeDtypeStruct((R_SC,), jnp.float32)],
    scratch_types=[pltpu.VMEM((NSP,), jnp.float32),
                   pltpu.VMEM((NSP,), jnp.float32),
                   pltpu.VMEM((RPAD,), jnp.float32),
                   pltpu.VMEM((RPAD,), jnp.float32),
                   pltpu.VMEM((RPAD,), jnp.float32),
                   pltpu.VMEM((NSP,), jnp.float32),
                   pltpu.VMEM((RPAD,), jnp.float32),
                   pltpu.VMEM((RPAD,), jnp.float32)],
)
def _sc_sample(t_hbm, lc_hbm, mean_hbm, std_hbm, u_hbm, val_hbm, prob_hbm,
               t_v, lc_v, mean_v, std_v, u_v, pbuf, ov_v, op_v):
    f32 = jnp.float32
    i32 = jnp.int32
    wid = lax.axis_index("s") * 2 + lax.axis_index("c")
    base = wid * RPT
    pltpu.sync_copy(t_hbm, t_v)
    pltpu.sync_copy(lc_hbm, lc_v)
    pltpu.sync_copy(mean_hbm.at[pl.ds(base, RPAD)], mean_v)
    pltpu.sync_copy(std_hbm.at[pl.ds(base, RPAD)], std_v)
    pltpu.sync_copy(u_hbm.at[pl.ds(base, RPAD)], u_v)
    lanes = lax.iota(jnp.int32, L)
    lane0 = lanes == 0

    def row(i, _):
        mean_s = mean_v[pl.ds(i, L)][0]
        stdv = std_v[pl.ds(i, L)] + EPS
        std_s = stdv[0]
        u_s = u_v[pl.ds(i, L)][0]
        r = (1.0 / stdv)[0]
        an = -0.5 * r * r

        tots = []
        for g1 in range(NSUP):
            def chunk(c, acc, g1=g1):
                o = g1 * (NCH * L) + c * L
                z = t_v[pl.ds(o, L)] - mean_s
                p = jnp.exp(z * z * an + lc_v[pl.ds(o, L)])
                pbuf[pl.ds(o, L)] = p
                return acc + p
            accv = lax.fori_loop(0, NCH, chunk, jnp.zeros((L,), f32))
            tots.append(_lanesum(accv))

        sp = tots[0]
        for g1 in range(1, NSUP):
            sp = sp + tots[g1]
        s = r * sp
        upp = u_s * (s + EPS) * std_s

        pfx = jnp.zeros((), f32)
        g1s = jnp.zeros((), i32)
        off1 = jnp.zeros((), f32)
        for g1 in range(NSUP):
            pfx = pfx + tots[g1]
            m = pfx <= upp
            g1s = g1s + m.astype(i32)
            off1 = jnp.where(m, pfx, off1)
        found = g1s < NSUP
        g1c = jnp.minimum(g1s, NSUP - 1)

        def walk2(c, st):
            pfx2, gsel, off = st
            pv = pbuf[pl.ds(g1c * (NCH * L) + c * L, L)]
            p2 = pfx2 + _lanesum(pv)
            m2 = p2 <= upp
            return (p2, gsel + m2.astype(i32), jnp.where(m2, p2, off))
        _, g2s, off2 = lax.fori_loop(0, NCH, walk2,
                                     (off1, jnp.zeros((), i32), off1))
        g2c = jnp.minimum(g2s, NCH - 1)

        pv = pbuf[pl.ds(g1c * (NCH * L) + g2c * L, L)]
        pfx3 = off2
        cnt = jnp.zeros((), i32)
        psel = jnp.zeros((), f32)
        done = jnp.zeros((), jnp.bool_)
        for c in range(L):
            pe = pv[c]
            pfx3 = pfx3 + pe
            m3 = pfx3 <= upp
            cnt = cnt + m3.astype(i32)
            take = jnp.logical_and(jnp.logical_not(m3),
                                   jnp.logical_not(done))
            psel = jnp.where(take, pe, psel)
            done = jnp.logical_or(done, jnp.logical_not(m3))
        idxr = g1c * (NCH * L) + g2c * L + cnt
        idx = jnp.where(found, jnp.minimum(idxr, NS - 1), 0)
        val = idx.astype(f32) * STEP - Y0
        p0 = pbuf[pl.ds(0, L)][0]
        pnum = jnp.where(found, psel, p0) * r

        wv = ov_v[pl.ds(i, L)]
        ov_v[pl.ds(i, L)] = jnp.where(lane0, val, wv)
        wp = op_v[pl.ds(i, L)]
        op_v[pl.ds(i, L)] = (jnp.where(lane0, pnum, wp)
                             / jnp.where(lane0, s + EPS, 1.0))
        return 0

    lax.fori_loop(0, RPT, row, 0)
    pltpu.sync_copy(ov_v.at[pl.ds(0, RPT)], val_hbm.at[pl.ds(base, RPT)])
    pltpu.sync_copy(op_v.at[pl.ds(0, RPT)], prob_hbm.at[pl.ds(base, RPT)])


def _sc_part(m, s, u):
    t_tab, lc_tab = _tables_1d()
    vals, probs = _sc_sample(t_tab, lc_tab, jnp.pad(m, (0, L)),
                             jnp.pad(s, (0, L)), jnp.pad(u, (0, L)))
    return vals, probs


TC_ROWS = 16384 - R_SC


@functools.partial(jax.jit, static_argnames=())
def kernel(mean, std, uniform_samples):
    b, a = mean.shape
    rows = b * a
    m = mean.reshape(rows)
    s = std.reshape(rows)
    u = uniform_samples.reshape(rows)
    tv, tp = _tc_part(m[:TC_ROWS], s[:TC_ROWS], u[:TC_ROWS], TC_ROWS)
    sv, sp_ = _sc_part(m[TC_ROWS:], s[TC_ROWS:], u[TC_ROWS:])
    vals = jnp.concatenate([tv, sv]).reshape(b, a)
    probs = jnp.concatenate([tp, sp_]).reshape(b, a)
    return vals, probs

# --- scband reference (transcript-rebuilt; emitter-appended) ---
"""Pipeline reference for scband-custom-distribution-6837587935978 (READ-ONLY COPY).

The authoritative reference and input builder live on the scoring server;
editing this copy changes nothing except your own understanding.
"""

import jax, jax.numpy as jnp
import numpy as np

EPS = float(np.finfo(np.float32).eps)
B, A, NS, Y0 = 1024, 16, 2000, 0.9999


def setup_inputs(seed: int = 0) -> dict:
    key = jax.random.key(seed)
    k1, k2, k3 = jax.random.split(key, 3)
    mean = jax.random.normal(k1, (B, A), dtype=jnp.float32)
    std = jax.random.uniform(k2, (B, A), dtype=jnp.float32)
    uniform_samples = jax.random.uniform(k3, (B, A, 1), dtype=jnp.float32)
    return {"mean": mean, "std": std, "uniform_samples": uniform_samples}


def reference(mean, std, uniform_samples):
    # std gets +eps in __init__
    std = std + EPS
    batch_size, action_dim = mean.shape
    sample_range = jnp.linspace(-Y0, Y0, NS, dtype=jnp.float32)
    sample_range = jnp.broadcast_to(sample_range[None, None, :], (batch_size, action_dim, NS))
    log_term = (0.5 * jnp.log((1.0 + sample_range) / (1.0 - sample_range) + EPS) - mean[:, :, None]) ** 2 / (-2.0 * std[:, :, None] ** 2)
    probs = (1.0 / (1.0 - sample_range ** 2)) * (1.0 / (2.0 * jnp.pi * std[:, :, None] ** 2) ** 0.5) * jnp.exp(log_term)
    probs = probs / (probs.sum(axis=2, keepdims=True) + EPS)
    cdf = jnp.cumsum(probs, axis=2)
    sample_idx = jnp.argmax((uniform_samples < cdf).astype(jnp.int32), axis=2)
    sampled_values = jnp.take_along_axis(sample_range, sample_idx[:, :, None], axis=2)[:, :, 0]
    sampled_probs = jnp.take_along_axis(probs, sample_idx[:, :, None], axis=2)[:, :, 0]
    return (sampled_values, sampled_probs)

if __name__ == "__main__":
    import jax
    _d = setup_inputs()
    print(jax.jit(kernel)(*tuple(_d.values())))

</pallas_src>

<mosaic_0001>
#map = affine_map<(d0, d1) -> (0)>
module attributes {stable_mosaic.version = 14 : i64} {
  func.func @_sc_sample(%arg0: i32, %arg1: i32, %arg2: memref<2048xf32, #tpu.memory_space<hbm>>, %arg3: memref<2048xf32, #tpu.memory_space<hbm>>, %arg4: memref<2064xf32, #tpu.memory_space<hbm>>, %arg5: memref<2064xf32, #tpu.memory_space<hbm>>, %arg6: memref<2064xf32, #tpu.memory_space<hbm>>, %arg7: memref<2048xf32, #tpu.memory_space<hbm>>, %arg8: memref<2048xf32, #tpu.memory_space<hbm>>, %arg9: memref<2048xf32, #tpu.memory_space<vmem>>, %arg10: memref<2048xf32, #tpu.memory_space<vmem>>, %arg11: memref<80xf32, #tpu.memory_space<vmem>>, %arg12: memref<80xf32, #tpu.memory_space<vmem>>, %arg13: memref<80xf32, #tpu.memory_space<vmem>>, %arg14: memref<2048xf32, #tpu.memory_space<vmem>>, %arg15: memref<80xf32, #tpu.memory_space<vmem>>, %arg16: memref<80xf32, #tpu.memory_space<vmem>>) attributes {dimension_semantics = [#tpu.dimension_semantics<core_parallel>, #tpu.dimension_semantics<subcore_parallel>], iteration_bounds = array<i64: 2, 16>, scalar_prefetch = 0 : i64, scratch_operands = 8 : i64, tpu.core_type = #tpu.core_type<sc_vector_subcore>, window_params = [{transform_indices = #map}, {transform_indices = #map}, {transform_indices = #map}, {transform_indices = #map}, {transform_indices = #map}, {transform_indices = #map}, {transform_indices = #map}]} {
    %mul3A = arith.constant 2 : i32
    %mul3A_0 = arith.muli %arg1, %mul3A : i32
    %add3A = arith.addi %mul3A_0, %arg0 : i32
    %mul3A_1 = arith.constant 64 : i32
    %mul3A_2 = arith.muli %add3A, %mul3A_1 : i32
    "tpu.region"() ({
      %run_scoped3A = tpu.sem_alloc : memref<!tpu.dma_semaphore, #tpu.memory_space<semaphore_mem>>
      tpu.enqueue_dma source(%arg2 : memref<2048xf32, #tpu.memory_space<hbm>>) target(%arg9 : memref<2048xf32, #tpu.memory_space<vmem>>) target_semaphore(%run_scoped3A : memref<!tpu.dma_semaphore, #tpu.memory_space<semaphore_mem>>)
      tpu.wait_dma2 semaphore(%run_scoped3A : memref<!tpu.dma_semaphore, #tpu.memory_space<semaphore_mem>>) src(%arg2 : memref<2048xf32, #tpu.memory_space<hbm>>) dst(%arg9 : memref<2048xf32, #tpu.memory_space<vmem>>)
      tpu.yield
    }) : () -> ()
    "tpu.region"() ({
      %run_scoped3A = tpu.sem_alloc : memref<!tpu.dma_semaphore, #tpu.memory_space<semaphore_mem>>
      tpu.enqueue_dma source(%arg3 : memref<2048xf32, #tpu.memory_space<hbm>>) target(%arg10 : memref<2048xf32, #tpu.memory_space<vmem>>) target_semaphore(%run_scoped3A : memref<!tpu.dma_semaphore, #tpu.memory_space<semaphore_mem>>)
      tpu.wait_dma2 semaphore(%run_scoped3A : memref<!tpu.dma_semaphore, #tpu.memory_space<semaphore_mem>>) src(%arg3 : memref<2048xf32, #tpu.memory_space<hbm>>) dst(%arg10 : memref<2048xf32, #tpu.memory_space<vmem>>)
      tpu.yield
    }) : () -> ()
    "tpu.region"() ({
      %run_scoped3A = tpu.sem_alloc : memref<!tpu.dma_semaphore, #tpu.memory_space<semaphore_mem>>
      %dma_start3A = tpu.memref_slice %arg4[%mul3A_2] : memref<2064xf32, #tpu.memory_space<hbm>> -> memref<80xf32, #tpu.memory_space<hbm>>
      %dma_start3A_11 = tpu.memref_slice %arg4[%mul3A_2] : memref<2064xf32, #tpu.memory_space<hbm>> -> memref<80xf32, #tpu.memory_space<hbm>>
      tpu.enqueue_dma source(%dma_start3A_11 : memref<80xf32, #tpu.memory_space<hbm>>) target(%arg11 : memref<80xf32, #tpu.memory_space<vmem>>) target_semaphore(%run_scoped3A : memref<!tpu.dma_semaphore, #tpu.memory_space<semaphore_mem>>)
      %dma_wait3A = tpu.memref_slice %arg4[%mul3A_2] : memref<2064xf32, #tpu.memory_space<hbm>> -> memref<80xf32, #tpu.memory_space<hbm>>
      %dma_wait3A_12 = tpu.memref_slice %arg4[%mul3A_2] : memref<2064xf32, #tpu.memory_space<hbm>> -> memref<80xf32, #tpu.memory_space<hbm>>
      tpu.wait_dma2 semaphore(%run_scoped3A : memref<!tpu.dma_semaphore, #tpu.memory_space<semaphore_mem>>) src(%dma_wait3A_12 : memref<80xf32, #tpu.memory_space<hbm>>) dst(%arg11 : memref<80xf32, #tpu.memory_space<vmem>>)
      tpu.yield
    }) : () -> ()
    "tpu.region"() ({
      %run_scoped3A = tpu.sem_alloc : memref<!tpu.dma_semaphore, #tpu.memory_space<semaphore_mem>>
      %dma_start3A = tpu.memref_slice %arg5[%mul3A_2] : memref<2064xf32, #tpu.memory_space<hbm>> -> memref<80xf32, #tpu.memory_space<hbm>>
      %dma_start3A_11 = tpu.memref_slice %arg5[%mul3A_2] : memref<2064xf32, #tpu.memory_space<hbm>> -> memref<80xf32, #tpu.memory_space<hbm>>
      tpu.enqueue_dma source(%dma_start3A_11 : memref<80xf32, #tpu.memory_space<hbm>>) target(%arg12 : memref<80xf32, #tpu.memory_space<vmem>>) target_semaphore(%run_scoped3A : memref<!tpu.dma_semaphore, #tpu.memory_space<semaphore_mem>>)
      %dma_wait3A = tpu.memref_slice %arg5[%mul3A_2] : memref<2064xf32, #tpu.memory_space<hbm>> -> memref<80xf32, #tpu.memory_space<hbm>>
      %dma_wait3A_12 = tpu.memref_slice %arg5[%mul3A_2] : memref<2064xf32, #tpu.memory_space<hbm>> -> memref<80xf32, #tpu.memory_space<hbm>>
      tpu.wait_dma2 semaphore(%run_scoped3A : memref<!tpu.dma_semaphore, #tpu.memory_space<semaphore_mem>>) src(%dma_wait3A_12 : memref<80xf32, #tpu.memory_space<hbm>>) dst(%arg12 : memref<80xf32, #tpu.memory_space<vmem>>)
      tpu.yield
    }) : () -> ()
    "tpu.region"() ({
      %run_scoped3A = tpu.sem_alloc : memref<!tpu.dma_semaphore, #tpu.memory_space<semaphore_mem>>
      %dma_start3A = tpu.memref_slice %arg6[%mul3A_2] : memref<2064xf32, #tpu.memory_space<hbm>> -> memref<80xf32, #tpu.memory_space<hbm>>
      %dma_start3A_11 = tpu.memref_slice %arg6[%mul3A_2] : memref<2064xf32, #tpu.memory_space<hbm>> -> memref<80xf32, #tpu.memory_space<hbm>>
      tpu.enqueue_dma source(%dma_start3A_11 : memref<80xf32, #tpu.memory_space<hbm>>) target(%arg13 : memref<80xf32, #tpu.memory_space<vmem>>) target_semaphore(%run_scoped3A : memref<!tpu.dma_semaphore, #tpu.memory_space<semaphore_mem>>)
      %dma_wait3A = tpu.memref_slice %arg6[%mul3A_2] : memref<2064xf32, #tpu.memory_space<hbm>> -> memref<80xf32, #tpu.memory_space<hbm>>
      %dma_wait3A_12 = tpu.memref_slice %arg6[%mul3A_2] : memref<2064xf32, #tpu.memory_space<hbm>> -> memref<80xf32, #tpu.memory_space<hbm>>
      tpu.wait_dma2 semaphore(%run_scoped3A : memref<!tpu.dma_semaphore, #tpu.memory_space<semaphore_mem>>) src(%dma_wait3A_12 : memref<80xf32, #tpu.memory_space<hbm>>) dst(%arg13 : memref<80xf32, #tpu.memory_space<vmem>>)
      tpu.yield
    }) : () -> ()
    %iota3A = tpu.iota {dimensions = array<i32: 0>} : vector<16xi32>
    %eq3A = arith.constant 0 : i32
    %eq3A_3 = vector.broadcast %eq3A : i32 to vector<16xi32>
    %eq3A_4 = arith.cmpi eq, %iota3A, %eq3A_3 : vector<16xi32>
    %scan3A = arith.constant 0 : i32
    %scan3A_5 = arith.constant 0 : i32
    %scan3A_6 = arith.constant 64 : i32
    %scan3A_7 = arith.addi %scan3A_5, %scan3A_6 : i32
    %scan3A_8 = arith.constant 1 : i32
    %scan3A_9 = scf.for %scan3A_11 = %scan3A_5 to %scan3A_7 step %scan3A_8 iter_args(%scan3A_12 = %scan3A) -> (i32)  : i32 {
      %get3A = arith.index_cast %scan3A_11 : i32 to index
      %get3A_13 = tpu.vector_load %arg11[%get3A] {strides = array<i32>} : memref<80xf32, #tpu.memory_space<vmem>>, vector<16xf32>,
      %get3A_14 = vector.shape_cast %get3A_13 : vector<16xf32> to vector<16xf32>
      %slice3A = vector.extract_strided_slice %get3A_14 {offsets = [0], sizes = [1], strides = [1]} : vector<16xf32> to vector<1xf32>
      %squeeze3A = vector.extract %slice3A[0] : f32 from vector<1xf32>
      %get3A_15 = arith.index_cast %scan3A_11 : i32 to index
      %get3A_16 = tpu.vector_load %arg12[%get3A_15] {strides = array<i32>} : memref<80xf32, #tpu.memory_space<vmem>>, vector<16xf32>,
      %get3A_17 = vector.shape_cast %get3A_16 : vector<16xf32> to vector<16xf32>
      %add3A_18 = arith.constant 1.1920929E-7 : f32
      %add3A_19 = vector.broadcast %add3A_18 : f32 to vector<16xf32>
      %add3A_20 = arith.addf %get3A_17, %add3A_19 : vector<16xf32>
      %slice3A_21 = vector.extract_strided_slice %add3A_20 {offsets = [0], sizes = [1], strides = [1]} : vector<16xf32> to vector<1xf32>
      %squeeze3A_22 = vector.extract %slice3A_21[0] : f32 from vector<1xf32>
      %get3A_23 = arith.index_cast %scan3A_11 : i32 to index
      %get3A_24 = tpu.vector_load %arg13[%get3A_23] {strides = array<i32>} : memref<80xf32, #tpu.memory_space<vmem>>, vector<16xf32>,
      %get3A_25 = vector.shape_cast %get3A_24 : vector<16xf32> to vector<16xf32>
      %slice3A_26 = vector.extract_strided_slice %get3A_25 {offsets = [0], sizes = [1], strides = [1]} : vector<16xf32> to vector<1xf32>
      %squeeze3A_27 = vector.extract %slice3A_26[0] : f32 from vector<1xf32>
      %div3A = arith.constant 1.000000e+00 : f32
      %div3A_28 = vector.broadcast %div3A : f32 to vector<16xf32>
      %div3A_29 = arith.divf %div3A_28, %add3A_20 : vector<16xf32>
      %slice3A_30 = vector.extract_strided_slice %div3A_29 {offsets = [0], sizes = [1], strides = [1]} : vector<16xf32> to vector<1xf32>
      %squeeze3A_31 = vector.extract %slice3A_30[0] : f32 from vector<1xf32>
      %mul3A_32 = arith.constant -5.000000e-01 : f32
      %mul3A_33 = arith.mulf %mul3A_32, %squeeze3A_31 : f32
      %mul3A_34 = arith.mulf %mul3A_33, %squeeze3A_31 : f32
      %broadcast_in_dim3A = arith.constant 0.000000e+00 : f32
      %broadcast_in_dim3A_35 = vector.broadcast %broadcast_in_dim3A : f32 to vector<16xf32>
      %scan3A_36 = arith.constant 0 : i32
      %scan3A_37 = arith.constant 16 : i32
      %scan3A_38 = arith.addi %scan3A_36, %scan3A_37 : i32
      %scan3A_39 = arith.constant 1 : i32
      %scan3A_40 = scf.for %scan3A_831 = %scan3A_36 to %scan3A_38 step %scan3A_39 iter_args(%scan3A_832 = %broadcast_in_dim3A_35) -> (vector<16xf32>)  : i32 {
        %mul3A_833 = arith.constant 16 : i32
        %mul3A_834 = arith.muli %scan3A_831, %mul3A_833 : i32
        %add3A_835 = arith.constant 0 : i32
        %add3A_836 = arith.addi %add3A_835, %mul3A_834 : i32
        %get3A_837 = arith.index_cast %add3A_836 : i32 to index
        %get3A_838 = tpu.vector_load %arg9[%get3A_837] {strides = array<i32>} : memref<2048xf32, #tpu.memory_space<vmem>>, vector<16xf32>,
        %get3A_839 = vector.shape_cast %get3A_838 : vector<16xf32> to vector<16xf32>
        %sub3A_840 = vector.broadcast %squeeze3A : f32 to vector<16xf32>
        %sub3A_841 = arith.subf %get3A_839, %sub3A_840 : vector<16xf32>
        %mul3A_842 = arith.mulf %sub3A_841, %sub3A_841 : vector<16xf32>
        %mul3A_843 = vector.broadcast %mul3A_34 : f32 to vector<16xf32>
        %mul3A_844 = arith.mulf %mul3A_842, %mul3A_843 : vector<16xf32>
        %get3A_845 = arith.index_cast %add3A_836 : i32 to index
        %get3A_846 = tpu.vector_load %arg10[%get3A_845] {strides = array<i32>} : memref<2048xf32, #tpu.memory_space<vmem>>, vector<16xf32>,
        %get3A_847 = vector.shape_cast %get3A_846 : vector<16xf32> to vector<16xf32>
        %add3A_848 = arith.addf %mul3A_844, %get3A_847 : vector<16xf32>
        %exp3A = math.exp %add3A_848 : vector<16xf32>
        %swap3A_849 = arith.index_cast %add3A_836 : i32 to index
        %swap3A_850 = tpu.vector_load %arg14[%swap3A_849] {strides = array<i32>} : memref<2048xf32, #tpu.memory_space<vmem>>, vector<16xf32>,
        %swap3A_851 = vector.shape_cast %swap3A_850 : vector<16xf32> to vector<16xf32>
        %swap3A_852 = vector.shape_cast %exp3A : vector<16xf32> to vector<16xf32>
        tpu.vector_store %arg14[%swap3A_849], %swap3A_852 {strides = array<i32>} : memref<2048xf32, #tpu.memory_space<vmem>>, vector<16xf32>,
        %add3A_853 = arith.addf %scan3A_832, %exp3A : vector<16xf32>
        scf.yield %add3A_853 : vector<16xf32>
      }
      %scan3A_41 = arith.constant 16 : i32
      %slice3A_42 = vector.extract_strided_slice %scan3A_40 {offsets = [0], sizes = [1], strides = [1]} : vector<16xf32> to vector<1xf32>
      %squeeze3A_43 = vector.extract %slice3A_42[0] : f32 from vector<1xf32>
      %slice3A_44 = vector.extract_strided_slice %scan3A_40 {offsets = [1], sizes = [1], strides = [1]} : vector<16xf32> to vector<1xf32>
      %squeeze3A_45 = vector.extract %slice3A_44[0] : f32 from vector<1xf32>
      %add3A_46 = arith.addf %squeeze3A_43, %squeeze3A_45 : f32
      %slice3A_47 = vector.extract_strided_slice %scan3A_40 {offsets = [2], sizes = [1], strides = [1]} : vector<16xf32> to vector<1xf32>
      %squeeze3A_48 = vector.extract %slice3A_47[0] : f32 from vector<1xf32>
      %slice3A_49 = vector.extract_strided_slice %scan3A_40 {offsets = [3], sizes = [1], strides = [1]} : vector<16xf32> to vector<1xf32>
      %squeeze3A_50 = vector.extract %slice3A_49[0] : f32 from vector<1xf32>
      %add3A_51 = arith.addf %squeeze3A_48, %squeeze3A_50 : f32
      %add3A_52 = arith.addf %add3A_46, %add3A_51 : f32
      %slice3A_53 = vector.extract_strided_slice %scan3A_40 {offsets = [4], sizes = [1], strides = [1]} : vector<16xf32> to vector<1xf32>
      %squeeze3A_54 = vector.extract %slice3A_53[0] : f32 from vector<1xf32>
      %slice3A_55 = vector.extract_strided_slice %scan3A_40 {offsets = [5], sizes = [1], strides = [1]} : vector<16xf32> to vector<1xf32>
      %squeeze3A_56 = vector.extract %slice3A_55[0] : f32 from vector<1xf32>
      %add3A_57 = arith.addf %squeeze3A_54, %squeeze3A_56 : f32
      %slice3A_58 = vector.extract_strided_slice %scan3A_40 {offsets = [6], sizes = [1], strides = [1]} : vector<16xf32> to vector<1xf32>
      %squeeze3A_59 = vector.extract %slice3A_58[0] : f32 from vector<1xf32>
      %slice3A_60 = vector.extract_strided_slice %scan3A_40 {offsets = [7], sizes = [1], strides = [1]} : vector<16xf32> to vector<1xf32>
      %squeeze3A_61 = vector.extract %slice3A_60[0] : f32 from vector<1xf32>
      %add3A_62 = arith.addf %squeeze3A_59, %squeeze3A_61 : f32
      %add3A_63 = arith.addf %add3A_57, %add3A_62 : f32
      %add3A_64 = arith.addf %add3A_52, %add3A_63 : f32
      %slice3A_65 = vector.extract_strided_slice %scan3A_40 {offsets = [8], sizes = [1], strides = [1]} : vector<16xf32> to vector<1xf32>
      %squeeze3A_66 = vector.extract %slice3A_65[0] : f32 from vector<1xf32>
      %slice3A_67 = vector.extract_strided_slice %scan3A_40 {offsets = [9], sizes = [1], strides = [1]} : vector<16xf32> to vector<1xf32>
      %squeeze3A_68 = vector.extract %slice3A_67[0] : f32 from vector<1xf32>
      %add3A_69 = arith.addf %squeeze3A_66, %squeeze3A_68 : f32
      %slice3A_70 = vector.extract_strided_slice %scan3A_40 {offsets = [10], sizes = [1], strides = [1]} : vector<16xf32> to vector<1xf32>
      %squeeze3A_71 = vector.extract %slice3A_70[0] : f32 from vector<1xf32>
      %slice3A_72 = vector.extract_strided_slice %scan3A_40 {offsets = [11], sizes = [1], strides = [1]} : vector<16xf32> to vector<1xf32>
      %squeeze3A_73 = vector.extract %slice3A_72[0] : f32 from vector<1xf32>
      %add3A_74 = arith.addf %squeeze3A_71, %squeeze3A_73 : f32
      %add3A_75 = arith.addf %add3A_69, %add3A_74 : f32
      %slice3A_76 = vector.extract_strided_slice %scan3A_40 {offsets = [12], sizes = [1], strides = [1]} : vector<16xf32> to vector<1xf32>
      %squeeze3A_77 = vector.extract %slice3A_76[0] : f32 from vector<1xf32>
      %slice3A_78 = vector.extract_strided_slice %scan3A_40 {offsets = [13], sizes = [1], strides = [1]} : vector<16xf32> to vector<1xf32>
      %squeeze3A_79 = vector.extract %slice3A_78[0] : f32 from vector<1xf32>
      %add3A_80 = arith.addf %squeeze3A_77, %squeeze3A_79 : f32
      %slice3A_81 = vector.extract_strided_slice %scan3A_40 {offsets = [14], sizes = [1], strides = [1]} : vector<16xf32> to vector<1xf32>
      %squeeze3A_82 = vector.extract %slice3A_81[0] : f32 from vector<1xf32>
      %slice3A_83 = vector.extract_strided_slice %scan3A_40 {offsets = [15], sizes = [1], strides = [1]} : vector<16xf32> to vector<1xf32>
      %squeeze3A_84 = vector.extract %slice3A_83[0] : f32 from vector<1xf32>
      %add3A_85 = arith.addf %squeeze3A_82, %squeeze3A_84 : f32
      %add3A_86 = arith.addf %add3A_80, %add3A_85 : f32
      %add3A_87 = arith.addf %add3A_75, %add3A_86 : f32
      %add3A_88 = arith.addf %add3A_64, %add3A_87 : f32
      %broadcast_in_dim3A_89 = arith.constant 0.000000e+00 : f32
      %broadcast_in_dim3A_90 = vector.broadcast %broadcast_in_dim3A_89 : f32 to vector<16xf32>
      %scan3A_91 = arith.constant 0 : i32
      %scan3A_92 = arith.constant 16 : i32
      %scan3A_93 = arith.addi %scan3A_91, %scan3A_92 : i32
      %scan3A_94 = arith.constant 1 : i32
      %scan3A_95 = scf.for %scan3A_831 = %scan3A_91 to %scan3A_93 step %scan3A_94 iter_args(%scan3A_832 = %broadcast_in_dim3A_90) -> (vector<16xf32>)  : i32 {
        %mul3A_833 = arith.constant 16 : i32
        %mul3A_834 = arith.muli %scan3A_831, %mul3A_833 : i32
        %add3A_835 = arith.constant 256 : i32
        %add3A_836 = arith.addi %add3A_835, %mul3A_834 : i32
        %get3A_837 = arith.index_cast %add3A_836 : i32 to index
        %get3A_838 = tpu.vector_load %arg9[%get3A_837] {strides = array<i32>} : memref<2048xf32, #tpu.memory_space<vmem>>, vector<16xf32>,
        %get3A_839 = vector.shape_cast %get3A_838 : vector<16xf32> to vector<16xf32>
        %sub3A_840 = vector.broadcast %squeeze3A : f32 to vector<16xf32>
        %sub3A_841 = arith.subf %get3A_839, %sub3A_840 : vector<16xf32>
        %mul3A_842 = arith.mulf %sub3A_841, %sub3A_841 : vector<16xf32>
        %mul3A_843 = vector.broadcast %mul3A_34 : f32 to vector<16xf32>
        %mul3A_844 = arith.mulf %mul3A_842, %mul3A_843 : vector<16xf32>
        %get3A_845 = arith.index_cast %add3A_836 : i32 to index
        %get3A_846 = tpu.vector_load %arg10[%get3A_845] {strides = array<i32>} : memref<2048xf32, #tpu.memory_space<vmem>>, vector<16xf32>,
        %get3A_847 = vector.shape_cast %get3A_846 : vector<16xf32> to vector<16xf32>
        %add3A_848 = arith.addf %mul3A_844, %get3A_847 : vector<16xf32>
        %exp3A = math.exp %add3A_848 : vector<16xf32>
        %swap3A_849 = arith.index_cast %add3A_836 : i32 to index
        %swap3A_850 = tpu.vector_load %arg14[%swap3A_849] {strides = array<i32>} : memref<2048xf32, #tpu.memory_space<vmem>>, vector<16xf32>,
        %swap3A_851 = vector.shape_cast %swap3A_850 : vector<16xf32> to vector<16xf32>
        %swap3A_852 = vector.shape_cast %exp3A : vector<16xf32> to vector<16xf32>
        tpu.vector_store %arg14[%swap3A_849], %swap3A_852 {strides = array<i32>} : memref<2048xf32, #tpu.memory_space<vmem>>, vector<16xf32>,
        %add3A_853 = arith.addf %scan3A_832, %exp3A : vector<16xf32>
        scf.yield %add3A_853 : vector<16xf32>
      }
      %scan3A_96 = arith.constant 16 : i32
      %slice3A_97 = vector.extract_strided_slice %scan3A_95 {offsets = [0], sizes = [1], strides = [1]} : vector<16xf32> to vector<1xf32>
      %squeeze3A_98 = vector.extract %slice3A_97[0] : f32 from vector<1xf32>
      %slice3A_99 = vector.extract_strided_slice %scan3A_95 {offsets = [1], sizes = [1], strides = [1]} : vector<16xf32> to vector<1xf32>
      %squeeze3A_100 = vector.extract %slice3A_99[0] : f32 from vector<1xf32>
      %add3A_101 = arith.addf %squeeze3A_98, %squeeze3A_100 : f32
      %slice3A_102 = vector.extract_strided_slice %scan3A_95 {offsets = [2], sizes = [1], strides = [1]} : vector<16xf32> to vector<1xf32>
      %squeeze3A_103 = vector.extract %slice3A_102[0] : f32 from vector<1xf32>
      %slice3A_104 = vector.extract_strided_slice %scan3A_95 {offsets = [3], sizes = [1], strides = [1]} : vector<16xf32> to vector<1xf32>
      %squeeze3A_105 = vector.extract %slice3A_104[0] : f32 from vector<1xf32>
      %add3A_106 = arith.addf %squeeze3A_103, %squeeze3A_105 : f32
      %add3A_107 = arith.addf %add3A_101, %add3A_106 : f32
      %slice3A_108 = vector.extract_strided_slice %scan3A_95 {offsets = [4], sizes = [1], strides = [1]} : vector<16xf32> to vector<1xf32>
      %squeeze3A_109 = vector.extract %slice3A_108[0] : f32 from vector<1xf32>
      %slice3A_110 = vector.extract_strided_slice %scan3A_95 {offsets = [5], sizes = [1], strides = [1]} : vector<16xf32> to vector<1xf32>
      %squeeze3A_111 = vector.extract %slice3A_110[0] : f32 from vector<1xf32>
      %add3A_112 = arith.addf %squeeze3A_109, %squeeze3A_111 : f32
      %slice3A_113 = vector.extract_strided_slice %scan3A_95 {offsets = [6], sizes = [1], strides = [1]} : vector<16xf32> to vector<1xf32>
      %squeeze3A_114 = vector.extract %slice3A_113[0] : f32 from vector<1xf32>
      %slice3A_115 = vector.extract_strided_slice %scan3A_95 {offsets = [7], sizes = [1], strides = [1]} : vector<16xf32> to vector<1xf32>
      %squeeze3A_116 = vector.extract %slice3A_115[0] : f32 from vector<1xf32>
      %add3A_117 = arith.addf %squeeze3A_114, %squeeze3A_116 : f32
      %add3A_118 = arith.addf %add3A_112, %add3A_117 : f32
      %add3A_119 = arith.addf %add3A_107, %add3A_118 : f32
      %slice3A_120 = vector.extract_strided_slice %scan3A_95 {offsets = [8], sizes = [1], strides = [1]} : vector<16xf32> to vector<1xf32>
      %squeeze3A_121 = vector.extract %slice3A_120[0] : f32 from vector<1xf32>
      %slice3A_122 = vector.extract_strided_slice %scan3A_95 {offsets = [9], sizes = [1], strides = [1]} : vector<16xf32> to vector<1xf32>
      %squeeze3A_123 = vector.extract %slice3A_122[0] : f32 from vector<1xf32>
      %add3A_124 = arith.addf %squeeze3A_121, %squeeze3A_123 : f32
      %slice3A_125 = vector.extract_strided_slice %scan3A_95 {offsets = [10], sizes = [1], strides = [1]} : vector<16xf32> to vector<1xf32>
      %squeeze3A_126 = vector.extract %slice3A_125[0] : f32 from vector<1xf32>
      %slice3A_127 = vector.extract_strided_slice %scan3A_95 {offsets = [11], sizes = [1], strides = [1]} : vector<16xf32> to vector<1xf32>
      %squeeze3A_128 = vector.extract %slice3A_127[0] : f32 from vector<1xf32>
      %add3A_129 = arith.addf %squeeze3A_126, %squeeze3A_128 : f32
      %add3A_130 = arith.addf %add3A_124, %add3A_129 : f32
      %slice3A_131 = vector.extract_strided_slice %scan3A_95 {offsets = [12], sizes = [1], strides = [1]} : vector<16xf32> to vector<1xf32>
      %squeeze3A_132 = vector.extract %slice3A_131[0] : f32 from vector<1xf32>
      %slice3A_133 = vector.extract_strided_slice %scan3A_95 {offsets = [13], sizes = [1], strides = [1]} : vector<16xf32> to vector<1xf32>
      %squeeze3A_134 = vector.extract %slice3A_133[0] : f32 from vector<1xf32>
      %add3A_135 = arith.addf %squeeze3A_132, %squeeze3A_134 : f32
      %slice3A_136 = vector.extract_strided_slice %scan3A_95 {offsets = [14], sizes = [1], strides = [1]} : vector<16xf32> to vector<1xf32>
      %squeeze3A_137 = vector.extract %slice3A_136[0] : f32 from vector<1xf32>
      %slice3A_138 = vector.extract_strided_slice %scan3A_95 {offsets = [15], sizes = [1], strides = [1]} : vector<16xf32> to vector<1xf32>
      %squeeze3A_139 = vector.extract %slice3A_138[0] : f32 from vector<1xf32>
      %add3A_140 = arith.addf %squeeze3A_137, %squeeze3A_139 : f32
      %add3A_141 = arith.addf %add3A_135, %add3A_140 : f32
      %add3A_142 = arith.addf %add3A_130, %add3A_141 : f32
      %add3A_143 = arith.addf %add3A_119, %add3A_142 : f32
      %broadcast_in_dim3A_144 = arith.constant 0.000000e+00 : f32
      %broadcast_in_dim3A_145 = vector.broadcast %broadcast_in_dim3A_144 : f32 to vector<16xf32>
      %scan3A_146 = arith.constant 0 : i32
      %scan3A_147 = arith.constant 16 : i32
      %scan3A_148 = arith.addi %scan3A_146, %scan3A_147 : i32
      %scan3A_149 = arith.constant 1 : i32
      %scan3A_150 = scf.for %scan3A_831 = %scan3A_146 to %scan3A_148 step %scan3A_149 iter_args(%scan3A_832 = %broadcast_in_dim3A_145) -> (vector<16xf32>)  : i32 {
        %mul3A_833 = arith.constant 16 : i32
        %mul3A_834 = arith.muli %scan3A_831, %mul3A_833 : i32
        %add3A_835 = arith.constant 512 : i32
        %add3A_836 = arith.addi %add3A_835, %mul3A_834 : i32
        %get3A_837 = arith.index_cast %add3A_836 : i32 to index
        %get3A_838 = tpu.vector_load %arg9[%get3A_837] {strides = array<i32>} : memref<2048xf32, #tpu.memory_space<vmem>>, vector<16xf32>,
        %get3A_839 = vector.shape_cast %get3A_838 : vector<16xf32> to vector<16xf32>
        %sub3A_840 = vector.broadcast %squeeze3A : f32 to vector<16xf32>
        %sub3A_841 = arith.subf %get3A_839, %sub3A_840 : vector<16xf32>
        %mul3A_842 = arith.mulf %sub3A_841, %sub3A_841 : vector<16xf32>
        %mul3A_843 = vector.broadcast %mul3A_34 : f32 to vector<16xf32>
        %mul3A_844 = arith.mulf %mul3A_842, %mul3A_843 : vector<16xf32>
        %get3A_845 = arith.index_cast %add3A_836 : i32 to index
        %get3A_846 = tpu.vector_load %arg10[%get3A_845] {strides = array<i32>} : memref<2048xf32, #tpu.memory_space<vmem>>, vector<16xf32>,
        %get3A_847 = vector.shape_cast %get3A_846 : vector<16xf32> to vector<16xf32>
        %add3A_848 = arith.addf %mul3A_844, %get3A_847 : vector<16xf32>
        %exp3A = math.exp %add3A_848 : vector<16xf32>
        %swap3A_849 = arith.index_cast %add3A_836 : i32 to index
        %swap3A_850 = tpu.vector_load %arg14[%swap3A_849] {strides = array<i32>} : memref<2048xf32, #tpu.memory_space<vmem>>, vector<16xf32>,
        %swap3A_851 = vector.shape_cast %swap3A_850 : vector<16xf32> to vector<16xf32>
        %swap3A_852 = vector.shape_cast %exp3A : vector<16xf32> to vector<16xf32>
        tpu.vector_store %arg14[%swap3A_849], %swap3A_852 {strides = array<i32>} : memref<2048xf32, #tpu.memory_space<vmem>>, vector<16xf32>,
        %add3A_853 = arith.addf %scan3A_832, %exp3A : vector<16xf32>
        scf.yield %add3A_853 : vector<16xf32>
      }
      %scan3A_151 = arith.constant 16 : i32
      %slice3A_152 = vector.extract_strided_slice %scan3A_150 {offsets = [0], sizes = [1], strides = [1]} : vector<16xf32> to vector<1xf32>
      %squeeze3A_153 = vector.extract %slice3A_152[0] : f32 from vector<1xf32>
      %slice3A_154 = vector.extract_strided_slice %scan3A_150 {offsets = [1], sizes = [1], strides = [1]} : vector<16xf32> to vector<1xf32>
      %squeeze3A_155 = vector.extract %slice3A_154[0] : f32 from vector<1xf32>
      %add3A_156 = arith.addf %squeeze3A_153, %squeeze3A_155 : f32
      %slice3A_157 = vector.extract_strided_slice %scan3A_150 {offsets = [2], sizes = [1], strides = [1]} : vector<16xf32> to vector<1xf32>
      %squeeze3A_158 = vector.extract %slice3A_157[0] : f32 from vector<1xf32>
      %slice3A_159 = vector.extract_strided_slice %scan3A_150 {offsets = [3], sizes = [1], strides = [1]} : vector<16xf32> to vector<1xf32>
      %squeeze3A_160 = vector.extract %slice3A_159[0] : f32 from vector<1xf32>
      %add3A_161 = arith.addf %squeeze3A_158, %squeeze3A_160 : f32
      %add3A_162 = arith.addf %add3A_156, %add3A_161 : f32
      %slice3A_163 = vector.extract_strided_slice %scan3A_150 {offsets = [4], sizes = [1], strides = [1]} : vector<16xf32> to vector<1xf32>
      %squeeze3A_164 = vector.extract %slice3A_163[0] : f32 from vector<1xf32>
      %slice3A_165 = vector.extract_strided_slice %scan3A_150 {offsets = [5], sizes = [1], strides = [1]} : vector<16xf32> to vector<1xf32>
      %squeeze3A_166 = vector.extract %slice3A_165[0] : f32 from vector<1xf32>
      %add3A_167 = arith.addf %squeeze3A_164, %squeeze3A_166 : f32
      %slice3A_168 = vector.extract_strided_slice %scan3A_150 {offsets = [6], sizes = [1], strides = [1]} : vector<16xf32> to vector<1xf32>
      %squeeze3A_169 = vector.extract %slice3A_168[0] : f32 from vector<1xf32>
      %slice3A_170 = vector.extract_strided_slice %scan3A_150 {offsets = [7], sizes = [1], strides = [1]} : vector<16xf32> to vector<1xf32>
      %squeeze3A_171 = vector.extract %slice3A_170[0] : f32 from vector<1xf32>
      %add3A_172 = arith.addf %squeeze3A_169, %squeeze3A_171 : f32
      %add3A_173 = arith.addf %add3A_167, %add3A_172 : f32
      %add3A_174 = arith.addf %add3A_162, %add3A_173 : f32
      %slice3A_175 = vector.extract_strided_slice %scan3A_150 {offsets = [8], sizes = [1], strides = [1]} : vector<16xf32> to vector<1xf32>
      %squeeze3A_176 = vector.extract %slice3A_175[0] : f32 from vector<1xf32>
      %slice3A_177 = vector.extract_strided_slice %scan3A_150 {offsets = [9], sizes = [1], strides = [1]} : vector<16xf32> to vector<1xf32>
      %squeeze3A_178 = vector.extract %slice3A_177[0] : f32 from vector<1xf32>
      %add3A_179 = arith.addf %squeeze3A_176, %squeeze3A_178 : f32
      %slice3A_180 = vector.extract_strided_slice %scan3A_150 {offsets = [10], sizes = [1], strides = [1]} : vector<16xf32> to vector<1xf32>
      %squeeze3A_181 = vector.extract %slice3A_180[0] : f32 from vector<1xf32>
      %slice3A_182 = vector.extract_strided_slice %scan3A_150 {offsets = [11], sizes = [1], strides = [1]} : vector<16xf32> to vector<1xf32>
      %squeeze3A_183 = vector.extract %slice3A_182[0] : f32 from vector<1xf32>
      %add3A_184 = arith.addf %squeeze3A_181, %squeeze3A_183 : f32
      %add3A_185 = arith.addf %add3A_179, %add3A_184 : f32
      %slice3A_186 = vector.extract_strided_slice %scan3A_150 {offsets = [12], sizes = [1], strides = [1]} : vector<16xf32> to vector<1xf32>
      %squeeze3A_187 = vector.extract %slice3A_186[0] : f32 from vector<1xf32>
      %slice3A_188 = vector.extract_strided_slice %scan3A_150 {offsets = [13], sizes = [1], strides = [1]} : vector<16xf32> to vector<1xf32>
      %squeeze3A_189 = vector.extract %slice3A_188[0] : f32 from vector<1xf32>
      %add3A_190 = arith.addf %squeeze3A_187, %squeeze3A_189 : f32
      %slice3A_191 = vector.extract_strided_slice %scan3A_150 {offsets = [14], sizes = [1], strides = [1]} : vector<16xf32> to vector<1xf32>
      %squeeze3A_192 = vector.extract %slice3A_191[0] : f32 from vector<1xf32>
      %slice3A_193 = vector.extract_strided_slice %scan3A_150 {offsets = [15], sizes = [1], strides = [1]} : vector<16xf32> to vector<1xf32>
      %squeeze3A_194 = vector.extract %slice3A_193[0] : f32 from vector<1xf32>
      %add3A_195 = arith.addf %squeeze3A_192, %squeeze3A_194 : f32
      %add3A_196 = arith.addf %add3A_190, %add3A_195 : f32
      %add3A_197 = arith.addf %add3A_185, %add3A_196 : f32
      %add3A_198 = arith.addf %add3A_174, %add3A_197 : f32
      %broadcast_in_dim3A_199 = arith.constant 0.000000e+00 : f32
      %broadcast_in_dim3A_200 = vector.broadcast %broadcast_in_dim3A_199 : f32 to vector<16xf32>
      %scan3A_201 = arith.constant 0 : i32
      %scan3A_202 = arith.constant 16 : i32
      %scan3A_203 = arith.addi %scan3A_201, %scan3A_202 : i32
      %scan3A_204 = arith.constant 1 : i32
      %scan3A_205 = scf.for %scan3A_831 = %scan3A_201 to %scan3A_203 step %scan3A_204 iter_args(%scan3A_832 = %broadcast_in_dim3A_200) -> (vector<16xf32>)  : i32 {
        %mul3A_833 = arith.constant 16 : i32
        %mul3A_834 = arith.muli %scan3A_831, %mul3A_833 : i32
        %add3A_835 = arith.constant 768 : i32
        %add3A_836 = arith.addi %add3A_835, %mul3A_834 : i32
        %get3A_837 = arith.index_cast %add3A_836 : i32 to index
        %get3A_838 = tpu.vector_load %arg9[%get3A_837] {strides = array<i32>} : memref<2048xf32, #tpu.memory_space<vmem>>, vector<16xf32>,
        %get3A_839 = vector.shape_cast %get3A_838 : vector<16xf32> to vector<16xf32>
        %sub3A_840 = vector.broadcast %squeeze3A : f32 to vector<16xf32>
        %sub3A_841 = arith.subf %get3A_839, %sub3A_840 : vector<16xf32>
        %mul3A_842 = arith.mulf %sub3A_841, %sub3A_841 : vector<16xf32>
        %mul3A_843 = vector.broadcast %mul3A_34 : f32 to vector<16xf32>
        %mul3A_844 = arith.mulf %mul3A_842, %mul3A_843 : vector<16xf32>
        %get3A_845 = arith.index_cast %add3A_836 : i32 to index
        %get3A_846 = tpu.vector_load %arg10[%get3A_845] {strides = array<i32>} : memref<2048xf32, #tpu.memory_space<vmem>>, vector<16xf32>,
        %get3A_847 = vector.shape_cast %get3A_846 : vector<16xf32> to vector<16xf32>
        %add3A_848 = arith.addf %mul3A_844, %get3A_847 : vector<16xf32>
        %exp3A = math.exp %add3A_848 : vector<16xf32>
        %swap3A_849 = arith.index_cast %add3A_836 : i32 to index
        %swap3A_850 = tpu.vector_load %arg14[%swap3A_849] {strides = array<i32>} : memref<2048xf32, #tpu.memory_space<vmem>>, vector<16xf32>,
        %swap3A_851 = vector.shape_cast %swap3A_850 : vector<16xf32> to vector<16xf32>
        %swap3A_852 = vector.shape_cast %exp3A : vector<16xf32> to vector<16xf32>
        tpu.vector_store %arg14[%swap3A_849], %swap3A_852 {strides = array<i32>} : memref<2048xf32, #tpu.memory_space<vmem>>, vector<16xf32>,
        %add3A_853 = arith.addf %scan3A_832, %exp3A : vector<16xf32>
        scf.yield %add3A_853 : vector<16xf32>
      }
      %scan3A_206 = arith.constant 16 : i32
      %slice3A_207 = vector.extract_strided_slice %scan3A_205 {offsets = [0], sizes = [1], strides = [1]} : vector<16xf32> to vector<1xf32>
      %squeeze3A_208 = vector.extract %slice3A_207[0] : f32 from vector<1xf32>
      %slice3A_209 = vector.extract_strided_slice %scan3A_205 {offsets = [1], sizes = [1], strides = [1]} : vector<16xf32> to vector<1xf32>
      %squeeze3A_210 = vector.extract %slice3A_209[0] : f32 from vector<1xf32>
      %add3A_211 = arith.addf %squeeze3A_208, %squeeze3A_210 : f32
      %slice3A_212 = vector.extract_strided_slice %scan3A_205 {offsets = [2], sizes = [1], strides = [1]} : vector<16xf32> to vector<1xf32>
      %squeeze3A_213 = vector.extract %slice3A_212[0] : f32 from vector<1xf32>
      %slice3A_214 = vector.extract_strided_slice %scan3A_205 {offsets = [3], sizes = [1], strides = [1]} : vector<16xf32> to vector<1xf32>
      %squeeze3A_215 = vector.extract %slice3A_214[0] : f32 from vector<1xf32>
      %add3A_216 = arith.addf %squeeze3A_213, %squeeze3A_215 : f32
      %add3A_217 = arith.addf %add3A_211, %add3A_216 : f32
      %slice3A_218 = vector.extract_strided_slice %scan3A_205 {offsets = [4], sizes = [1], strides = [1]} : vector<16xf32> to vector<1xf32>
      %squeeze3A_219 = vector.extract %slice3A_218[0] : f32 from vector<1xf32>
      %slice3A_220 = vector.extract_strided_slice %scan3A_205 {offsets = [5], sizes = [1], strides = [1]} : vector<16xf32> to vector<1xf32>
      %squeeze3A_221 = vector.extract %slice3A_220[0] : f32 from vector<1xf32>
      %add3A_222 = arith.addf %squeeze3A_219, %squeeze3A_221 : f32
      %slice3A_223 = vector.extract_strided_slice %scan3A_205 {offsets = [6], sizes = [1], strides = [1]} : vector<16xf32> to vector<1xf32>
      %squeeze3A_224 = vector.extract %slice3A_223[0] : f32 from vector<1xf32>
      %slice3A_225 = vector.extract_strided_slice %scan3A_205 {offsets = [7], sizes = [1], strides = [1]} : vector<16xf32> to vector<1xf32>
      %squeeze3A_226 = vector.extract %slice3A_225[0] : f32 from vector<1xf32>
      %add3A_227 = arith.addf %squeeze3A_224, %squeeze3A_226 : f32
      %add3A_228 = arith.addf %add3A_222, %add3A_227 : f32
      %add3A_229 = arith.addf %add3A_217, %add3A_228 : f32
      %slice3A_230 = vector.extract_strided_slice %scan3A_205 {offsets = [8], sizes = [1], strides = [1]} : vector<16xf32> to vector<1xf32>
      %squeeze3A_231 = vector.extract %slice3A_230[0] : f32 from vector<1xf32>
      %slice3A_232 = vector.extract_strided_slice %scan3A_205 {offsets = [9], sizes = [1], strides = [1]} : vector<16xf32> to vector<1xf32>
      %squeeze3A_233 = vector.extract %slice3A_232[0] : f32 from vector<1xf32>
      %add3A_234 = arith.addf %squeeze3A_231, %squeeze3A_233 : f32
      %slice3A_235 = vector.extract_strided_slice %scan3A_205 {offsets = [10], sizes = [1], strides = [1]} : vector<16xf32> to vector<1xf32>
      %squeeze3A_236 = vector.extract %slice3A_235[0] : f32 from vector<1xf32>
      %slice3A_237 = vector.extract_strided_slice %scan3A_205 {offsets = [11], sizes = [1], strides = [1]} : vector<16xf32> to vector<1xf32>
      %squeeze3A_238 = vector.extract %slice3A_237[0] : f32 from vector<1xf32>
      %add3A_239 = arith.addf %squeeze3A_236, %squeeze3A_238 : f32
      %add3A_240 = arith.addf %add3A_234, %add3A_239 : f32
      %slice3A_241 = vector.extract_strided_slice %scan3A_205 {offsets = [12], sizes = [1], strides = [1]} : vector<16xf32> to vector<1xf32>
      %squeeze3A_242 = vector.extract %slice3A_241[0] : f32 from vector<1xf32>
      %slice3A_243 = vector.extract_strided_slice %scan3A_205 {offsets = [13], sizes = [1], strides = [1]} : vector<16xf32> to vector<1xf32>
      %squeeze3A_244 = vector.extract %slice3A_243[0] : f32 from vector<1xf32>
      %add3A_245 = arith.addf %squeeze3A_242, %squeeze3A_244 : f32
      %slice3A_246 = vector.extract_strided_slice %scan3A_205 {offsets = [14], sizes = [1], strides = [1]} : vector<16xf32> to vector<1xf32>
      %squeeze3A_247 = vector.extract %slice3A_246[0] : f32 from vector<1xf32>
      %slice3A_248 = vector.extract_strided_slice %scan3A_205 {offsets = [15], sizes = [1], strides = [1]} : vector<16xf32> to vector<1xf32>
      %squeeze3A_249 = vector.extract %slice3A_248[0] : f32 from vector<1xf32>
      %add3A_250 = arith.addf %squeeze3A_247, %squeeze3A_249 : f32
      %add3A_251 = arith.addf %add3A_245, %add3A_250 : f32
      %add3A_252 = arith.addf %add3A_240, %add3A_251 : f32
      %add3A_253 = arith.addf %add3A_229, %add3A_252 : f32
      %broadcast_in_dim3A_254 = arith.constant 0.000000e+00 : f32
      %broadcast_in_dim3A_255 = vector.broadcast %broadcast_in_dim3A_254 : f32 to vector<16xf32>
      %scan3A_256 = arith.constant 0 : i32
      %scan3A_257 = arith.constant 16 : i32
      %scan3A_258 = arith.addi %scan3A_256, %scan3A_257 : i32
      %scan3A_259 = arith.constant 1 : i32
      %scan3A_260 = scf.for %scan3A_831 = %scan3A_256 to %scan3A_258 step %scan3A_259 iter_args(%scan3A_832 = %broadcast_in_dim3A_255) -> (vector<16xf32>)  : i32 {
        %mul3A_833 = arith.constant 16 : i32
        %mul3A_834 = arith.muli %scan3A_831, %mul3A_833 : i32
        %add3A_835 = arith.constant 1024 : i32
        %add3A_836 = arith.addi %add3A_835, %mul3A_834 : i32
        %get3A_837 = arith.index_cast %add3A_836 : i32 to index
        %get3A_838 = tpu.vector_load %arg9[%get3A_837] {strides = array<i32>} : memref<2048xf32, #tpu.memory_space<vmem>>, vector<16xf32>,
        %get3A_839 = vector.shape_cast %get3A_838 : vector<16xf32> to vector<16xf32>
        %sub3A_840 = vector.broadcast %squeeze3A : f32 to vector<16xf32>
        %sub3A_841 = arith.subf %get3A_839, %sub3A_840 : vector<16xf32>
        %mul3A_842 = arith.mulf %sub3A_841, %sub3A_841 : vector<16xf32>
        %mul3A_843 = vector.broadcast %mul3A_34 : f32 to vector<16xf32>
        %mul3A_844 = arith.mulf %mul3A_842, %mul3A_843 : vector<16xf32>
        %get3A_845 = arith.index_cast %add3A_836 : i32 to index
        %get3A_846 = tpu.vector_load %arg10[%get3A_845] {strides = array<i32>} : memref<2048xf32, #tpu.memory_space<vmem>>, vector<16xf32>,
        %get3A_847 = vector.shape_cast %get3A_846 : vector<16xf32> to vector<16xf32>
        %add3A_848 = arith.addf %mul3A_844, %get3A_847 : vector<16xf32>
        %exp3A = math.exp %add3A_848 : vector<16xf32>
        %swap3A_849 = arith.index_cast %add3A_836 : i32 to index
        %swap3A_850 = tpu.vector_load %arg14[%swap3A_849] {strides = array<i32>} : memref<2048xf32, #tpu.memory_space<vmem>>, vector<16xf32>,
        %swap3A_851 = vector.shape_cast %swap3A_850 : vector<16xf32> to vector<16xf32>
        %swap3A_852 = vector.shape_cast %exp3A : vector<16xf32> to vector<16xf32>
        tpu.vector_store %arg14[%swap3A_849], %swap3A_852 {strides = array<i32>} : memref<2048xf32, #tpu.memory_space<vmem>>, vector<16xf32>,
        %add3A_853 = arith.addf %scan3A_832, %exp3A : vector<16xf32>
        scf.yield %add3A_853 : vector<16xf32>
      }
      %scan3A_261 = arith.constant 16 : i32
      %slice3A_262 = vector.extract_strided_slice %scan3A_260 {offsets = [0], sizes = [1], strides = [1]} : vector<16xf32> to vector<1xf32>
      %squeeze3A_263 = vector.extract %slice3A_262[0] : f32 from vector<1xf32>
      %slice3A_264 = vector.extract_strided_slice %scan3A_260 {offsets = [1], sizes = [1], strides = [1]} : vector<16xf32> to vector<1xf32>
      %squeeze3A_265 = vector.extract %slice3A_264[0] : f32 from vector<1xf32>
      %add3A_266 = arith.addf %squeeze3A_263, %squeeze3A_265 : f32
      %slice3A_267 = vector.extract_strided_slice %scan3A_260 {offsets = [2], sizes = [1], strides = [1]} : vector<16xf32> to vector<1xf32>
      %squeeze3A_268 = vector.extract %slice3A_267[0] : f32 from vector<1xf32>
      %slice3A_269 = vector.extract_strided_slice %scan3A_260 {offsets = [3], sizes = [1], strides = [1]} : vector<16xf32> to vector<1xf32>
      %squeeze3A_270 = vector.extract %slice3A_269[0] : f32 from vector<1xf32>
      %add3A_271 = arith.addf %squeeze3A_268, %squeeze3A_270 : f32
      %add3A_272 = arith.addf %add3A_266, %add3A_271 : f32
      %slice3A_273 = vector.extract_strided_slice %scan3A_260 {offsets = [4], sizes = [1], strides = [1]} : vector<16xf32> to vector<1xf32>
      %squeeze3A_274 = vector.extract %slice3A_273[0] : f32 from vector<1xf32>
      %slice3A_275 = vector.extract_strided_slice %scan3A_260 {offsets = [5], sizes = [1], strides = [1]} : vector<16xf32> to vector<1xf32>
      %squeeze3A_276 = vector.extract %slice3A_275[0] : f32 from vector<1xf32>
      %add3A_277 = arith.addf %squeeze3A_274, %squeeze3A_276 : f32
      %slice3A_278 = vector.extract_strided_slice %scan3A_260 {offsets = [6], sizes = [1], strides = [1]} : vector<16xf32> to vector<1xf32>
      %squeeze3A_279 = vector.extract %slice3A_278[0] : f32 from vector<1xf32>
      %slice3A_280 = vector.extract_strided_slice %scan3A_260 {offsets = [7], sizes = [1], strides = [1]} : vector<16xf32> to vector<1xf32>
      %squeeze3A_281 = vector.extract %slice3A_280[0] : f32 from vector<1xf32>
      %add3A_282 = arith.addf %squeeze3A_279, %squeeze3A_281 : f32
      %add3A_283 = arith.addf %add3A_277, %add3A_282 : f32
      %add3A_284 = arith.addf %add3A_272, %add3A_283 : f32
      %slice3A_285 = vector.extract_strided_slice %scan3A_260 {offsets = [8], sizes = [1], strides = [1]} : vector<16xf32> to vector<1xf32>
      %squeeze3A_286 = vector.extract %slice3A_285[0] : f32 from vector<1xf32>
      %slice3A_287 = vector.extract_strided_slice %scan3A_260 {offsets = [9], sizes = [1], strides = [1]} : vector<16xf32> to vector<1xf32>
      %squeeze3A_288 = vector.extract %slice3A_287[0] : f32 from vector<1xf32>
      %add3A_289 = arith.addf %squeeze3A_286, %squeeze3A_288 : f32
      %slice3A_290 = vector.extract_strided_slice %scan3A_260 {offsets = [10], sizes = [1], strides = [1]} : vector<16xf32> to vector<1xf32>
      %squeeze3A_291 = vector.extract %slice3A_290[0] : f32 from vector<1xf32>
      %slice3A_292 = vector.extract_strided_slice %scan3A_260 {offsets = [11], sizes = [1], strides = [1]} : vector<16xf32> to vector<1xf32>
      %squeeze3A_293 = vector.extract %slice3A_292[0] : f32 from vector<1xf32>
      %add3A_294 = arith.addf %squeeze3A_291, %squeeze3A_293 : f32
      %add3A_295 = arith.addf %add3A_289, %add3A_294 : f32
      %slice3A_296 = vector.extract_strided_slice %scan3A_260 {offsets = [12], sizes = [1], strides = [1]} : vector<16xf32> to vector<1xf32>
      %squeeze3A_297 = vector.extract %slice3A_296[0] : f32 from vector<1xf32>
      %slice3A_298 = vector.extract_strided_slice %scan3A_260 {offsets = [13], sizes = [1], strides = [1]} : vector<16xf32> to vector<1xf32>
      %squeeze3A_299 = vector.extract %slice3A_298[0] : f32 from vector<1xf32>
      %add3A_300 = arith.addf %squeeze3A_297, %squeeze3A_299 : f32
      %slice3A_301 = vector.extract_strided_slice %scan3A_260 {offsets = [14], sizes = [1], strides = [1]} : vector<16xf32> to vector<1xf32>
      %squeeze3A_302 = vector.extract %slice3A_301[0] : f32 from vector<1xf32>
      %slice3A_303 = vector.extract_strided_slice %scan3A_260 {offsets = [15], sizes = [1], strides = [1]} : vector<16xf32> to vector<1xf32>
      %squeeze3A_304 = vector.extract %slice3A_303[0] : f32 from vector<1xf32>
      %add3A_305 = arith.addf %squeeze3A_302, %squeeze3A_304 : f32
      %add3A_306 = arith.addf %add3A_300, %add3A_305 : f32
      %add3A_307 = arith.addf %add3A_295, %add3A_306 : f32
      %add3A_308 = arith.addf %add3A_284, %add3A_307 : f32
      %broadcast_in_dim3A_309 = arith.constant 0.000000e+00 : f32
      %broadcast_in_dim3A_310 = vector.broadcast %broadcast_in_dim3A_309 : f32 to vector<16xf32>
      %scan3A_311 = arith.constant 0 : i32
      %scan3A_312 = arith.constant 16 : i32
      %scan3A_313 = arith.addi %scan3A_311, %scan3A_312 : i32
      %scan3A_314 = arith.constant 1 : i32
      %scan3A_315 = scf.for %scan3A_831 = %scan3A_311 to %scan3A_313 step %scan3A_314 iter_args(%scan3A_832 = %broadcast_in_dim3A_310) -> (vector<16xf32>)  : i32 {
        %mul3A_833 = arith.constant 16 : i32
        %mul3A_834 = arith.muli %scan3A_831, %mul3A_833 : i32
        %add3A_835 = arith.constant 1280 : i32
        %add3A_836 = arith.addi %add3A_835, %mul3A_834 : i32
        %get3A_837 = arith.index_cast %add3A_836 : i32 to index
        %get3A_838 = tpu.vector_load %arg9[%get3A_837] {strides = array<i32>} : memref<2048xf32, #tpu.memory_space<vmem>>, vector<16xf32>,
        %get3A_839 = vector.shape_cast %get3A_838 : vector<16xf32> to vector<16xf32>
        %sub3A_840 = vector.broadcast %squeeze3A : f32 to vector<16xf32>
        %sub3A_841 = arith.subf %get3A_839, %sub3A_840 : vector<16xf32>
        %mul3A_842 = arith.mulf %sub3A_841, %sub3A_841 : vector<16xf32>
        %mul3A_843 = vector.broadcast %mul3A_34 : f32 to vector<16xf32>
        %mul3A_844 = arith.mulf %mul3A_842, %mul3A_843 : vector<16xf32>
        %get3A_845 = arith.index_cast %add3A_836 : i32 to index
        %get3A_846 = tpu.vector_load %arg10[%get3A_845] {strides = array<i32>} : memref<2048xf32, #tpu.memory_space<vmem>>, vector<16xf32>,
        %get3A_847 = vector.shape_cast %get3A_846 : vector<16xf32> to vector<16xf32>
        %add3A_848 = arith.addf %mul3A_844, %get3A_847 : vector<16xf32>
        %exp3A = math.exp %add3A_848 : vector<16xf32>
        %swap3A_849 = arith.index_cast %add3A_836 : i32 to index
        %swap3A_850 = tpu.vector_load %arg14[%swap3A_849] {strides = array<i32>} : memref<2048xf32, #tpu.memory_space<vmem>>, vector<16xf32>,
        %swap3A_851 = vector.shape_cast %swap3A_850 : vector<16xf32> to vector<16xf32>
        %swap3A_852 = vector.shape_cast %exp3A : vector<16xf32> to vector<16xf32>
        tpu.vector_store %arg14[%swap3A_849], %swap3A_852 {strides = array<i32>} : memref<2048xf32, #tpu.memory_space<vmem>>, vector<16xf32>,
        %add3A_853 = arith.addf %scan3A_832, %exp3A : vector<16xf32>
        scf.yield %add3A_853 : vector<16xf32>
      }
      %scan3A_316 = arith.constant 16 : i32
      %slice3A_317 = vector.extract_strided_slice %scan3A_315 {offsets = [0], sizes = [1], strides = [1]} : vector<16xf32> to vector<1xf32>
      %squeeze3A_318 = vector.extract %slice3A_317[0] : f32 from vector<1xf32>
      %slice3A_319 = vector.extract_strided_slice %scan3A_315 {offsets = [1], sizes = [1], strides = [1]} : vector<16xf32> to vector<1xf32>
      %squeeze3A_320 = vector.extract %slice3A_319[0] : f32 from vector<1xf32>
      %add3A_321 = arith.addf %squeeze3A_318, %squeeze3A_320 : f32
      %slice3A_322 = vector.extract_strided_slice %scan3A_315 {offsets = [2], sizes = [1], strides = [1]} : vector<16xf32> to vector<1xf32>
      %squeeze3A_323 = vector.extract %slice3A_322[0] : f32 from vector<1xf32>
      %slice3A_324 = vector.extract_strided_slice %scan3A_315 {offsets = [3], sizes = [1], strides = [1]} : vector<16xf32> to vector<1xf32>
      %squeeze3A_325 = vector.extract %slice3A_324[0] : f32 from vector<1xf32>
      %add3A_326 = arith.addf %squeeze3A_323, %squeeze3A_325 : f32
      %add3A_327 = arith.addf %add3A_321, %add3A_326 : f32
      %slice3A_328 = vector.extract_strided_slice %scan3A_315 {offsets = [4], sizes = [1], strides = [1]} : vector<16xf32> to vector<1xf32>
      %squeeze3A_329 = vector.extract %slice3A_328[0] : f32 from vector<1xf32>
      %slice3A_330 = vector.extract_strided_slice %scan3A_315 {offsets = [5], sizes = [1], strides = [1]} : vector<16xf32> to vector<1xf32>
      %squeeze3A_331 = vector.extract %slice3A_330[0] : f32 from vector<1xf32>
      %add3A_332 = arith.addf %squeeze3A_329, %squeeze3A_331 : f32
      %slice3A_333 = vector.extract_strided_slice %scan3A_315 {offsets = [6], sizes = [1], strides = [1]} : vector<16xf32> to vector<1xf32>
      %squeeze3A_334 = vector.extract %slice3A_333[0] : f32 from vector<1xf32>
      %slice3A_335 = vector.extract_strided_slice %scan3A_315 {offsets = [7], sizes = [1], strides = [1]} : vector<16xf32> to vector<1xf32>
      %squeeze3A_336 = vector.extract %slice3A_335[0] : f32 from vector<1xf32>
      %add3A_337 = arith.addf %squeeze3A_334, %squeeze3A_336 : f32
      %add3A_338 = arith.addf %add3A_332, %add3A_337 : f32
      %add3A_339 = arith.addf %add3A_327, %add3A_338 : f32
      %slice3A_340 = vector.extract_strided_slice %scan3A_315 {offsets = [8], sizes = [1], strides = [1]} : vector<16xf32> to vector<1xf32>
      %squeeze3A_341 = vector.extract %slice3A_340[0] : f32 from vector<1xf32>
      %slice3A_342 = vector.extract_strided_slice %scan3A_315 {offsets = [9], sizes = [1], strides = [1]} : vector<16xf32> to vector<1xf32>
      %squeeze3A_343 = vector.extract %slice3A_342[0] : f32 from vector<1xf32>
      %add3A_344 = arith.addf %squeeze3A_341, %squeeze3A_343 : f32
      %slice3A_345 = vector.extract_strided_slice %scan3A_315 {offsets = [10], sizes = [1], strides = [1]} : vector<16xf32> to vector<1xf32>
      %squeeze3A_346 = vector.extract %slice3A_345[0] : f32 from vector<1xf32>
      %slice3A_347 = vector.extract_strided_slice %scan3A_315 {offsets = [11], sizes = [1], strides = [1]} : vector<16xf32> to vector<1xf32>
      %squeeze3A_348 = vector.extract %slice3A_347[0] : f32 from vector<1xf32>
      %add3A_349 = arith.addf %squeeze3A_346, %squeeze3A_348 : f32
      %add3A_350 = arith.addf %add3A_344, %add3A_349 : f32
      %slice3A_351 = vector.extract_strided_slice %scan3A_315 {offsets = [12], sizes = [1], strides = [1]} : vector<16xf32> to vector<1xf32>
      %squeeze3A_352 = vector.extract %slice3A_351[0] : f32 from vector<1xf32>
      %slice3A_353 = vector.extract_strided_slice %scan3A_315 {offsets = [13], sizes = [1], strides = [1]} : vector<16xf32> to vector<1xf32>
      %squeeze3A_354 = vector.extract %slice3A_353[0] : f32 from vector<1xf32>
      %add3A_355 = arith.addf %squeeze3A_352, %squeeze3A_354 : f32
      %slice3A_356 = vector.extract_strided_slice %scan3A_315 {offsets = [14], sizes = [1], strides = [1]} : vector<16xf32> to vector<1xf32>
      %squeeze3A_357 = vector.extract %slice3A_356[0] : f32 from vector<1xf32>
      %slice3A_358 = vector.extract_strided_slice %scan3A_315 {offsets = [15], sizes = [1], strides = [1]} : vector<16xf32> to vector<1xf32>
      %squeeze3A_359 = vector.extract %slice3A_358[0] : f32 from vector<1xf32>
      %add3A_360 = arith.addf %squeeze3A_357, %squeeze3A_359 : f32
      %add3A_361 = arith.addf %add3A_355, %add3A_360 : f32
      %add3A_362 = arith.addf %add3A_350, %add3A_361 : f32
      %add3A_363 = arith.addf %add3A_339, %add3A_362 : f32
      %broadcast_in_dim3A_364 = arith.constant 0.000000e+00 : f32
      %broadcast_in_dim3A_365 = vector.broadcast %broadcast_in_dim3A_364 : f32 to vector<16xf32>
      %scan3A_366 = arith.constant 0 : i32
      %scan3A_367 = arith.constant 16 : i32
      %scan3A_368 = arith.addi %scan3A_366, %scan3A_367 : i32
      %scan3A_369 = arith.constant 1 : i32
      %scan3A_370 = scf.for %scan3A_831 = %scan3A_366 to %scan3A_368 step %scan3A_369 iter_args(%scan3A_832 = %broadcast_in_dim3A_365) -> (vector<16xf32>)  : i32 {
        %mul3A_833 = arith.constant 16 : i32
        %mul3A_834 = arith.muli %scan3A_831, %mul3A_833 : i32
        %add3A_835 = arith.constant 1536 : i32
        %add3A_836 = arith.addi %add3A_835, %mul3A_834 : i32
        %get3A_837 = arith.index_cast %add3A_836 : i32 to index
        %get3A_838 = tpu.vector_load %arg9[%get3A_837] {strides = array<i32>} : memref<2048xf32, #tpu.memory_space<vmem>>, vector<16xf32>,
        %get3A_839 = vector.shape_cast %get3A_838 : vector<16xf32> to vector<16xf32>
        %sub3A_840 = vector.broadcast %squeeze3A : f32 to vector<16xf32>
        %sub3A_841 = arith.subf %get3A_839, %sub3A_840 : vector<16xf32>
        %mul3A_842 = arith.mulf %sub3A_841, %sub3A_841 : vector<16xf32>
        %mul3A_843 = vector.broadcast %mul3A_34 : f32 to vector<16xf32>
        %mul3A_844 = arith.mulf %mul3A_842, %mul3A_843 : vector<16xf32>
        %get3A_845 = arith.index_cast %add3A_836 : i32 to index
        %get3A_846 = tpu.vector_load %arg10[%get3A_845] {strides = array<i32>} : memref<2048xf32, #tpu.memory_space<vmem>>, vector<16xf32>,
        %get3A_847 = vector.shape_cast %get3A_846 : vector<16xf32> to vector<16xf32>
        %add3A_848 = arith.addf %mul3A_844, %get3A_847 : vector<16xf32>
        %exp3A = math.exp %add3A_848 : vector<16xf32>
        %swap3A_849 = arith.index_cast %add3A_836 : i32 to index
        %swap3A_850 = tpu.vector_load %arg14[%swap3A_849] {strides = array<i32>} : memref<2048xf32, #tpu.memory_space<vmem>>, vector<16xf32>,
        %swap3A_851 = vector.shape_cast %swap3A_850 : vector<16xf32> to vector<16xf32>
        %swap3A_852 = vector.shape_cast %exp3A : vector<16xf32> to vector<16xf32>
        tpu.vector_store %arg14[%swap3A_849], %swap3A_852 {strides = array<i32>} : memref<2048xf32, #tpu.memory_space<vmem>>, vector<16xf32>,
        %add3A_853 = arith.addf %scan3A_832, %exp3A : vector<16xf32>
        scf.yield %add3A_853 : vector<16xf32>
      }
      %scan3A_371 = arith.constant 16 : i32
      %slice3A_372 = vector.extract_strided_slice %scan3A_370 {offsets = [0], sizes = [1], strides = [1]} : vector<16xf32> to vector<1xf32>
      %squeeze3A_373 = vector.extract %slice3A_372[0] : f32 from vector<1xf32>
      %slice3A_374 = vector.extract_strided_slice %scan3A_370 {offsets = [1], sizes = [1], strides = [1]} : vector<16xf32> to vector<1xf32>
      %squeeze3A_375 = vector.extract %slice3A_374[0] : f32 from vector<1xf32>
      %add3A_376 = arith.addf %squeeze3A_373, %squeeze3A_375 : f32
      %slice3A_377 = vector.extract_strided_slice %scan3A_370 {offsets = [2], sizes = [1], strides = [1]} : vector<16xf32> to vector<1xf32>
      %squeeze3A_378 = vector.extract %slice3A_377[0] : f32 from vector<1xf32>
      %slice3A_379 = vector.extract_strided_slice %scan3A_370 {offsets = [3], sizes = [1], strides = [1]} : vector<16xf32> to vector<1xf32>
      %squeeze3A_380 = vector.extract %slice3A_379[0] : f32 from vector<1xf32>
      %add3A_381 = arith.addf %squeeze3A_378, %squeeze3A_380 : f32
      %add3A_382 = arith.addf %add3A_376, %add3A_381 : f32
      %slice3A_383 = vector.extract_strided_slice %scan3A_370 {offsets = [4], sizes = [1], strides = [1]} : vector<16xf32> to vector<1xf32>
      %squeeze3A_384 = vector.extract %slice3A_383[0] : f32 from vector<1xf32>
      %slice3A_385 = vector.extract_strided_slice %scan3A_370 {offsets = [5], sizes = [1], strides = [1]} : vector<16xf32> to vector<1xf32>
      %squeeze3A_386 = vector.extract %slice3A_385[0] : f32 from vector<1xf32>
      %add3A_387 = arith.addf %squeeze3A_384, %squeeze3A_386 : f32
      %slice3A_388 = vector.extract_strided_slice %scan3A_370 {offsets = [6], sizes = [1], strides = [1]} : vector<16xf32> to vector<1xf32>
      %squeeze3A_389 = vector.extract %slice3A_388[0] : f32 from vector<1xf32>
      %slice3A_390 = vector.extract_strided_slice %scan3A_370 {offsets = [7], sizes = [1], strides = [1]} : vector<16xf32> to vector<1xf32>
      %squeeze3A_391 = vector.extract %slice3A_390[0] : f32 from vector<1xf32>
      %add3A_392 = arith.addf %squeeze3A_389, %squeeze3A_391 : f32
      %add3A_393 = arith.addf %add3A_387, %add3A_392 : f32
      %add3A_394 = arith.addf %add3A_382, %add3A_393 : f32
      %slice3A_395 = vector.extract_strided_slice %scan3A_370 {offsets = [8], sizes = [1], strides = [1]} : vector<16xf32> to vector<1xf32>
      %squeeze3A_396 = vector.extract %slice3A_395[0] : f32 from vector<1xf32>
      %slice3A_397 = vector.extract_strided_slice %scan3A_370 {offsets = [9], sizes = [1], strides = [1]} : vector<16xf32> to vector<1xf32>
      %squeeze3A_398 = vector.extract %slice3A_397[0] : f32 from vector<1xf32>
      %add3A_399 = arith.addf %squeeze3A_396, %squeeze3A_398 : f32
      %slice3A_400 = vector.extract_strided_slice %scan3A_370 {offsets = [10], sizes = [1], strides = [1]} : vector<16xf32> to vector<1xf32>
      %squeeze3A_401 = vector.extract %slice3A_400[0] : f32 from vector<1xf32>
      %slice3A_402 = vector.extract_strided_slice %scan3A_370 {offsets = [11], sizes = [1], strides = [1]} : vector<16xf32> to vector<1xf32>
      %squeeze3A_403 = vector.extract %slice3A_402[0] : f32 from vector<1xf32>
      %add3A_404 = arith.addf %squeeze3A_401, %squeeze3A_403 : f32
      %add3A_405 = arith.addf %add3A_399, %add3A_404 : f32
      %slice3A_406 = vector.extract_strided_slice %scan3A_370 {offsets = [12], sizes = [1], strides = [1]} : vector<16xf32> to vector<1xf32>
      %squeeze3A_407 = vector.extract %slice3A_406[0] : f32 from vector<1xf32>
      %slice3A_408 = vector.extract_strided_slice %scan3A_370 {offsets = [13], sizes = [1], strides = [1]} : vector<16xf32> to vector<1xf32>
      %squeeze3A_409 = vector.extract %slice3A_408[0] : f32 from vector<1xf32>
      %add3A_410 = arith.addf %squeeze3A_407, %squeeze3A_409 : f32
      %slice3A_411 = vector.extract_strided_slice %scan3A_370 {offsets = [14], sizes = [1], strides = [1]} : vector<16xf32> to vector<1xf32>
      %squeeze3A_412 = vector.extract %slice3A_411[0] : f32 from vector<1xf32>
      %slice3A_413 = vector.extract_strided_slice %scan3A_370 {offsets = [15], sizes = [1], strides = [1]} : vector<16xf32> to vector<1xf32>
      %squeeze3A_414 = vector.extract %slice3A_413[0] : f32 from vector<1xf32>
      %add3A_415 = arith.addf %squeeze3A_412, %squeeze3A_414 : f32
      %add3A_416 = arith.addf %add3A_410, %add3A_415 : f32
      %add3A_417 = arith.addf %add3A_405, %add3A_416 : f32
      %add3A_418 = arith.addf %add3A_394, %add3A_417 : f32
      %broadcast_in_dim3A_419 = arith.constant 0.000000e+00 : f32
      %broadcast_in_dim3A_420 = vector.broadcast %broadcast_in_dim3A_419 : f32 to vector<16xf32>
      %scan3A_421 = arith.constant 0 : i32
      %scan3A_422 = arith.constant 16 : i32
      %scan3A_423 = arith.addi %scan3A_421, %scan3A_422 : i32
      %scan3A_424 = arith.constant 1 : i32
      %scan3A_425 = scf.for %scan3A_831 = %scan3A_421 to %scan3A_423 step %scan3A_424 iter_args(%scan3A_832 = %broadcast_in_dim3A_420) -> (vector<16xf32>)  : i32 {
        %mul3A_833 = arith.constant 16 : i32
        %mul3A_834 = arith.muli %scan3A_831, %mul3A_833 : i32
        %add3A_835 = arith.constant 1792 : i32
        %add3A_836 = arith.addi %add3A_835, %mul3A_834 : i32
        %get3A_837 = arith.index_cast %add3A_836 : i32 to index
        %get3A_838 = tpu.vector_load %arg9[%get3A_837] {strides = array<i32>} : memref<2048xf32, #tpu.memory_space<vmem>>, vector<16xf32>,
        %get3A_839 = vector.shape_cast %get3A_838 : vector<16xf32> to vector<16xf32>
        %sub3A_840 = vector.broadcast %squeeze3A : f32 to vector<16xf32>
        %sub3A_841 = arith.subf %get3A_839, %sub3A_840 : vector<16xf32>
        %mul3A_842 = arith.mulf %sub3A_841, %sub3A_841 : vector<16xf32>
        %mul3A_843 = vector.broadcast %mul3A_34 : f32 to vector<16xf32>
        %mul3A_844 = arith.mulf %mul3A_842, %mul3A_843 : vector<16xf32>
        %get3A_845 = arith.index_cast %add3A_836 : i32 to index
        %get3A_846 = tpu.vector_load %arg10[%get3A_845] {strides = array<i32>} : memref<2048xf32, #tpu.memory_space<vmem>>, vector<16xf32>,
        %get3A_847 = vector.shape_cast %get3A_846 : vector<16xf32> to vector<16xf32>
        %add3A_848 = arith.addf %mul3A_844, %get3A_847 : vector<16xf32>
        %exp3A = math.exp %add3A_848 : vector<16xf32>
        %swap3A_849 = arith.index_cast %add3A_836 : i32 to index
        %swap3A_850 = tpu.vector_load %arg14[%swap3A_849] {strides = array<i32>} : memref<2048xf32, #tpu.memory_space<vmem>>, vector<16xf32>,
        %swap3A_851 = vector.shape_cast %swap3A_850 : vector<16xf32> to vector<16xf32>
        %swap3A_852 = vector.shape_cast %exp3A : vector<16xf32> to vector<16xf32>
        tpu.vector_store %arg14[%swap3A_849], %swap3A_852 {strides = array<i32>} : memref<2048xf32, #tpu.memory_space<vmem>>, vector<16xf32>,
        %add3A_853 = arith.addf %scan3A_832, %exp3A : vector<16xf32>
        scf.yield %add3A_853 : vector<16xf32>
      }
      %scan3A_426 = arith.constant 16 : i32
      %slice3A_427 = vector.extract_strided_slice %scan3A_425 {offsets = [0], sizes = [1], strides = [1]} : vector<16xf32> to vector<1xf32>
      %squeeze3A_428 = vector.extract %slice3A_427[0] : f32 from vector<1xf32>
      %slice3A_429 = vector.extract_strided_slice %scan3A_425 {offsets = [1], sizes = [1], strides = [1]} : vector<16xf32> to vector<1xf32>
      %squeeze3A_430 = vector.extract %slice3A_429[0] : f32 from vector<1xf32>
      %add3A_431 = arith.addf %squeeze3A_428, %squeeze3A_430 : f32
      %slice3A_432 = vector.extract_strided_slice %scan3A_425 {offsets = [2], sizes = [1], strides = [1]} : vector<16xf32> to vector<1xf32>
      %squeeze3A_433 = vector.extract %slice3A_432[0] : f32 from vector<1xf32>
      %slice3A_434 = vector.extract_strided_slice %scan3A_425 {offsets = [3], sizes = [1], strides = [1]} : vector<16xf32> to vector<1xf32>
      %squeeze3A_435 = vector.extract %slice3A_434[0] : f32 from vector<1xf32>
      %add3A_436 = arith.addf %squeeze3A_433, %squeeze3A_435 : f32
      %add3A_437 = arith.addf %add3A_431, %add3A_436 : f32
      %slice3A_438 = vector.extract_strided_slice %scan3A_425 {offsets = [4], sizes = [1], strides = [1]} : vector<16xf32> to vector<1xf32>
      %squeeze3A_439 = vector.extract %slice3A_438[0] : f32 from vector<1xf32>
      %slice3A_440 = vector.extract_strided_slice %scan3A_425 {offsets = [5], sizes = [1], strides = [1]} : vector<16xf32> to vector<1xf32>
      %squeeze3A_441 = vector.extract %slice3A_440[0] : f32 from vector<1xf32>
      %add3A_442 = arith.addf %squeeze3A_439, %squeeze3A_441 : f32
      %slice3A_443 = vector.extract_strided_slice %scan3A_425 {offsets = [6], sizes = [1], strides = [1]} : vector<16xf32> to vector<1xf32>
      %squeeze3A_444 = vector.extract %slice3A_443[0] : f32 from vector<1xf32>
      %slice3A_445 = vector.extract_strided_slice %scan3A_425 {offsets = [7], sizes = [1], strides = [1]} : vector<16xf32> to vector<1xf32>
      %squeeze3A_446 = vector.extract %slice3A_445[0] : f32 from vector<1xf32>
      %add3A_447 = arith.addf %squeeze3A_444, %squeeze3A_446 : f32
      %add3A_448 = arith.addf %add3A_442, %add3A_447 : f32
      %add3A_449 = arith.addf %add3A_437, %add3A_448 : f32
      %slice3A_450 = vector.extract_strided_slice %scan3A_425 {offsets = [8], sizes = [1], strides = [1]} : vector<16xf32> to vector<1xf32>
      %squeeze3A_451 = vector.extract %slice3A_450[0] : f32 from vector<1xf32>
      %slice3A_452 = vector.extract_strided_slice %scan3A_425 {offsets = [9], sizes = [1], strides = [1]} : vector<16xf32> to vector<1xf32>
      %squeeze3A_453 = vector.extract %slice3A_452[0] : f32 from vector<1xf32>
      %add3A_454 = arith.addf %squeeze3A_451, %squeeze3A_453 : f32
      %slice3A_455 = vector.extract_strided_slice %scan3A_425 {offsets = [10], sizes = [1], strides = [1]} : vector<16xf32> to vector<1xf32>
      %squeeze3A_456 = vector.extract %slice3A_455[0] : f32 from vector<1xf32>
      %slice3A_457 = vector.extract_strided_slice %scan3A_425 {offsets = [11], sizes = [1], strides = [1]} : vector<16xf32> to vector<1xf32>
      %squeeze3A_458 = vector.extract %slice3A_457[0] : f32 from vector<1xf32>
      %add3A_459 = arith.addf %squeeze3A_456, %squeeze3A_458 : f32
      %add3A_460 = arith.addf %add3A_454, %add3A_459 : f32
      %slice3A_461 = vector.extract_strided_slice %scan3A_425 {offsets = [12], sizes = [1], strides = [1]} : vector<16xf32> to vector<1xf32>
      %squeeze3A_462 = vector.extract %slice3A_461[0] : f32 from vector<1xf32>
      %slice3A_463 = vector.extract_strided_slice %scan3A_425 {offsets = [13], sizes = [1], strides = [1]} : vector<16xf32> to vector<1xf32>
      %squeeze3A_464 = vector.extract %slice3A_463[0] : f32 from vector<1xf32>
      %add3A_465 = arith.addf %squeeze3A_462, %squeeze3A_464 : f32
      %slice3A_466 = vector.extract_strided_slice %scan3A_425 {offsets = [14], sizes = [1], strides = [1]} : vector<16xf32> to vector<1xf32>
      %squeeze3A_467 = vector.extract %slice3A_466[0] : f32 from vector<1xf32>
      %slice3A_468 = vector.extract_strided_slice %scan3A_425 {offsets = [15], sizes = [1], strides = [1]} : vector<16xf32> to vector<1xf32>
      %squeeze3A_469 = vector.extract %slice3A_468[0] : f32 from vector<1xf32>
      %add3A_470 = arith.addf %squeeze3A_467, %squeeze3A_469 : f32
      %add3A_471 = arith.addf %add3A_465, %add3A_470 : f32
      %add3A_472 = arith.addf %add3A_460, %add3A_471 : f32
      %add3A_473 = arith.addf %add3A_449, %add3A_472 : f32
      %add3A_474 = arith.addf %add3A_88, %add3A_143 : f32
      %add3A_475 = arith.addf %add3A_474, %add3A_198 : f32
      %add3A_476 = arith.addf %add3A_475, %add3A_253 : f32
      %add3A_477 = arith.addf %add3A_476, %add3A_308 : f32
      %add3A_478 = arith.addf %add3A_477, %add3A_363 : f32
      %add3A_479 = arith.addf %add3A_478, %add3A_418 : f32
      %add3A_480 = arith.addf %add3A_479, %add3A_473 : f32
      %mul3A_481 = arith.mulf %squeeze3A_31, %add3A_480 : f32
      %add3A_482 = arith.constant 1.1920929E-7 : f32
      %add3A_483 = arith.addf %mul3A_481, %add3A_482 : f32
      %mul3A_484 = arith.mulf %squeeze3A_27, %add3A_483 : f32
      %mul3A_485 = arith.mulf %mul3A_484, %squeeze3A_22 : f32
      %add3A_486 = arith.constant 0.000000e+00 : f32
      %add3A_487 = arith.addf %add3A_486, %add3A_88 : f32
      %le3A = arith.cmpf ole, %add3A_487, %mul3A_485 : f32
      %convert_element_type3A = arith.extui %le3A : i1 to i32
      %add3A_488 = arith.constant 0 : i32
      %add3A_489 = arith.addi %add3A_488, %convert_element_type3A : i32
      %jit3A = arith.constant 0.000000e+00 : f32
      %select_n3A = arith.select %le3A, %add3A_487, %jit3A : f32
      %add3A_490 = arith.addf %add3A_487, %add3A_143 : f32
      %le3A_491 = arith.cmpf ole, %add3A_490, %mul3A_485 : f32
      %convert_element_type3A_492 = arith.extui %le3A_491 : i1 to i32
      %add3A_493 = arith.addi %add3A_489, %convert_element_type3A_492 : i32
      %select_n3A_494 = arith.select %le3A_491, %add3A_490, %select_n3A : f32
      %add3A_495 = arith.addf %add3A_490, %add3A_198 : f32
      %le3A_496 = arith.cmpf ole, %add3A_495, %mul3A_485 : f32
      %convert_element_type3A_497 = arith.extui %le3A_496 : i1 to i32
      %add3A_498 = arith.addi %add3A_493, %convert_element_type3A_497 : i32
      %select_n3A_499 = arith.select %le3A_496, %add3A_495, %select_n3A_494 : f32
      %add3A_500 = arith.addf %add3A_495, %add3A_253 : f32
      %le3A_501 = arith.cmpf ole, %add3A_500, %mul3A_485 : f32
      %convert_element_type3A_502 = arith.extui %le3A_501 : i1 to i32
      %add3A_503 = arith.addi %add3A_498, %convert_element_type3A_502 : i32
      %select_n3A_504 = arith.select %le3A_501, %add3A_500, %select_n3A_499 : f32
      %add3A_505 = arith.addf %add3A_500, %add3A_308 : f32
      %le3A_506 = arith.cmpf ole, %add3A_505, %mul3A_485 : f32
      %convert_element_type3A_507 = arith.extui %le3A_506 : i1 to i32
      %add3A_508 = arith.addi %add3A_503, %convert_element_type3A_507 : i32
      %select_n3A_509 = arith.select %le3A_506, %add3A_505, %select_n3A_504 : f32
      %add3A_510 = arith.addf %add3A_505, %add3A_363 : f32
      %le3A_511 = arith.cmpf ole, %add3A_510, %mul3A_485 : f32
      %convert_element_type3A_512 = arith.extui %le3A_511 : i1 to i32
      %add3A_513 = arith.addi %add3A_508, %convert_element_type3A_512 : i32
      %select_n3A_514 = arith.select %le3A_511, %add3A_510, %select_n3A_509 : f32
      %add3A_515 = arith.addf %add3A_510, %add3A_418 : f32
      %le3A_516 = arith.cmpf ole, %add3A_515, %mul3A_485 : f32
      %convert_element_type3A_517 = arith.extui %le3A_516 : i1 to i32
      %add3A_518 = arith.addi %add3A_513, %convert_element_type3A_517 : i32
      %select_n3A_519 = arith.select %le3A_516, %add3A_515, %select_n3A_514 : f32
      %add3A_520 = arith.addf %add3A_515, %add3A_473 : f32
      %le3A_521 = arith.cmpf ole, %add3A_520, %mul3A_485 : f32
      %convert_element_type3A_522 = arith.extui %le3A_521 : i1 to i32
      %add3A_523 = arith.addi %add3A_518, %convert_element_type3A_522 : i32
      %select_n3A_524 = arith.select %le3A_521, %add3A_520, %select_n3A_519 : f32
      %lt3A = arith.constant 8 : i32
      %lt3A_525 = arith.cmpi slt, %add3A_523, %lt3A : i32
      %min3A = arith.constant 7 : i32
      %min3A_526 = arith.minsi %add3A_523, %min3A : i32
      %scan3A_527 = arith.constant 0 : i32
      %scan3A_528 = arith.constant 0 : i32
      %scan3A_529 = arith.constant 16 : i32
      %scan3A_530 = arith.addi %scan3A_528, %scan3A_529 : i32
      %scan3A_531 = arith.constant 1 : i32
      %scan3A_532:3 = scf.for %scan3A_831 = %scan3A_528 to %scan3A_530 step %scan3A_531 iter_args(%scan3A_832 = %select_n3A_524, %scan3A_833 = %scan3A_527, %scan3A_834 = %select_n3A_524) -> (f32, i32, f32)  : i32 {
        %mul3A_835 = arith.constant 256 : i32
        %mul3A_836 = arith.muli %min3A_526, %mul3A_835 : i32
        %mul3A_837 = arith.constant 16 : i32
        %mul3A_838 = arith.muli %scan3A_831, %mul3A_837 : i32
        %add3A_839 = arith.addi %mul3A_836, %mul3A_838 : i32
        %get3A_840 = arith.index_cast %add3A_839 : i32 to index
        %get3A_841 = tpu.vector_load %arg14[%get3A_840] {strides = array<i32>} : memref<2048xf32, #tpu.memory_space<vmem>>, vector<16xf32>,
        %get3A_842 = vector.shape_cast %get3A_841 : vector<16xf32> to vector<16xf32>
        %slice3A_843 = vector.extract_strided_slice %get3A_842 {offsets = [0], sizes = [1], strides = [1]} : vector<16xf32> to vector<1xf32>
        %squeeze3A_844 = vector.extract %slice3A_843[0] : f32 from vector<1xf32>
        %slice3A_845 = vector.extract_strided_slice %get3A_842 {offsets = [1], sizes = [1], strides = [1]} : vector<16xf32> to vector<1xf32>
        %squeeze3A_846 = vector.extract %slice3A_845[0] : f32 from vector<1xf32>
        %add3A_847 = arith.addf %squeeze3A_844, %squeeze3A_846 : f32
        %slice3A_848 = vector.extract_strided_slice %get3A_842 {offsets = [2], sizes = [1], strides = [1]} : vector<16xf32> to vector<1xf32>
        %squeeze3A_849 = vector.extract %slice3A_848[0] : f32 from vector<1xf32>
        %slice3A_850 = vector.extract_strided_slice %get3A_842 {offsets = [3], sizes = [1], strides = [1]} : vector<16xf32> to vector<1xf32>
        %squeeze3A_851 = vector.extract %slice3A_850[0] : f32 from vector<1xf32>
        %add3A_852 = arith.addf %squeeze3A_849, %squeeze3A_851 : f32
        %add3A_853 = arith.addf %add3A_847, %add3A_852 : f32
        %slice3A_854 = vector.extract_strided_slice %get3A_842 {offsets = [4], sizes = [1], strides = [1]} : vector<16xf32> to vector<1xf32>
        %squeeze3A_855 = vector.extract %slice3A_854[0] : f32 from vector<1xf32>
        %slice3A_856 = vector.extract_strided_slice %get3A_842 {offsets = [5], sizes = [1], strides = [1]} : vector<16xf32> to vector<1xf32>
        %squeeze3A_857 = vector.extract %slice3A_856[0] : f32 from vector<1xf32>
        %add3A_858 = arith.addf %squeeze3A_855, %squeeze3A_857 : f32
        %slice3A_859 = vector.extract_strided_slice %get3A_842 {offsets = [6], sizes = [1], strides = [1]} : vector<16xf32> to vector<1xf32>
        %squeeze3A_860 = vector.extract %slice3A_859[0] : f32 from vector<1xf32>
        %slice3A_861 = vector.extract_strided_slice %get3A_842 {offsets = [7], sizes = [1], strides = [1]} : vector<16xf32> to vector<1xf32>
        %squeeze3A_862 = vector.extract %slice3A_861[0] : f32 from vector<1xf32>
        %add3A_863 = arith.addf %squeeze3A_860, %squeeze3A_862 : f32
        %add3A_864 = arith.addf %add3A_858, %add3A_863 : f32
        %add3A_865 = arith.addf %add3A_853, %add3A_864 : f32
        %slice3A_866 = vector.extract_strided_slice %get3A_842 {offsets = [8], sizes = [1], strides = [1]} : vector<16xf32> to vector<1xf32>
        %squeeze3A_867 = vector.extract %slice3A_866[0] : f32 from vector<1xf32>
        %slice3A_868 = vector.extract_strided_slice %get3A_842 {offsets = [9], sizes = [1], strides = [1]} : vector<16xf32> to vector<1xf32>
        %squeeze3A_869 = vector.extract %slice3A_868[0] : f32 from vector<1xf32>
        %add3A_870 = arith.addf %squeeze3A_867, %squeeze3A_869 : f32
        %slice3A_871 = vector.extract_strided_slice %get3A_842 {offsets = [10], sizes = [1], strides = [1]} : vector<16xf32> to vector<1xf32>
        %squeeze3A_872 = vector.extract %slice3A_871[0] : f32 from vector<1xf32>
        %slice3A_873 = vector.extract_strided_slice %get3A_842 {offsets = [11], sizes = [1], strides = [1]} : vector<16xf32> to vector<1xf32>
        %squeeze3A_874 = vector.extract %slice3A_873[0] : f32 from vector<1xf32>
        %add3A_875 = arith.addf %squeeze3A_872, %squeeze3A_874 : f32
        %add3A_876 = arith.addf %add3A_870, %add3A_875 : f32
        %slice3A_877 = vector.extract_strided_slice %get3A_842 {offsets = [12], sizes = [1], strides = [1]} : vector<16xf32> to vector<1xf32>
        %squeeze3A_878 = vector.extract %slice3A_877[0] : f32 from vector<1xf32>
        %slice3A_879 = vector.extract_strided_slice %get3A_842 {offsets = [13], sizes = [1], strides = [1]} : vector<16xf32> to vector<1xf32>
        %squeeze3A_880 = vector.extract %slice3A_879[0] : f32 from vector<1xf32>
        %add3A_881 = arith.addf %squeeze3A_878, %squeeze3A_880 : f32
        %slice3A_882 = vector.extract_strided_slice %get3A_842 {offsets = [14], sizes = [1], strides = [1]} : vector<16xf32> to vector<1xf32>
        %squeeze3A_883 = vector.extract %slice3A_882[0] : f32 from vector<1xf32>
        %slice3A_884 = vector.extract_strided_slice %get3A_842 {offsets = [15], sizes = [1], strides = [1]} : vector<16xf32> to vector<1xf32>
        %squeeze3A_885 = vector.extract %slice3A_884[0] : f32 from vector<1xf32>
        %add3A_886 = arith.addf %squeeze3A_883, %squeeze3A_885 : f32
        %add3A_887 = arith.addf %add3A_881, %add3A_886 : f32
        %add3A_888 = arith.addf %add3A_876, %add3A_887 : f32
        %add3A_889 = arith.addf %add3A_865, %add3A_888 : f32
        %add3A_890 = arith.addf %scan3A_832, %add3A_889 : f32
        %le3A_891 = arith.cmpf ole, %add3A_890, %mul3A_485 : f32
        %convert_element_type3A_892 = arith.extui %le3A_891 : i1 to i32
        %add3A_893 = arith.addi %scan3A_833, %convert_element_type3A_892 : i32
        %select_n3A_894 = arith.select %le3A_891, %add3A_890, %scan3A_834 : f32
        scf.yield %add3A_890, %add3A_893, %select_n3A_894 : f32, i32, f32
      }
      %scan3A_533 = arith.constant 16 : i32
      %min3A_534 = arith.constant 15 : i32
      %min3A_535 = arith.minsi %scan3A_532#1, %min3A_534 : i32
      %mul3A_536 = arith.constant 256 : i32
      %mul3A_537 = arith.muli %min3A_526, %mul3A_536 : i32
      %mul3A_538 = arith.constant 16 : i32
      %mul3A_539 = arith.muli %min3A_535, %mul3A_538 : i32
      %add3A_540 = arith.addi %mul3A_537, %mul3A_539 : i32
      %get3A_541 = arith.index_cast %add3A_540 : i32 to index
      %get3A_542 = tpu.vector_load %arg14[%get3A_541] {strides = array<i32>} : memref<2048xf32, #tpu.memory_space<vmem>>, vector<16xf32>,
      %get3A_543 = vector.shape_cast %get3A_542 : vector<16xf32> to vector<16xf32>
      %slice3A_544 = vector.extract_strided_slice %get3A_543 {offsets = [0], sizes = [1], strides = [1]} : vector<16xf32> to vector<1xf32>
      %squeeze3A_545 = vector.extract %slice3A_544[0] : f32 from vector<1xf32>
      %add3A_546 = arith.addf %scan3A_532#2, %squeeze3A_545 : f32
      %le3A_547 = arith.cmpf ole, %add3A_546, %mul3A_485 : f32
      %convert_element_type3A_548 = arith.extui %le3A_547 : i1 to i32
      %add3A_549 = arith.constant 0 : i32
      %add3A_550 = arith.addi %add3A_549, %convert_element_type3A_548 : i32
      %not3A = arith.constant true
      %not3A_551 = arith.xori %le3A_547, %not3A : i1
      %not3A_552 = arith.constant false
      %not3A_553 = arith.constant true
      %not3A_554 = arith.xori %not3A_552, %not3A_553 : i1
      %and3A = arith.andi %not3A_551, %not3A_554 : i1
      %jit3A_555 = arith.constant 0.000000e+00 : f32
      %select_n3A_556 = arith.select %and3A, %squeeze3A_545, %jit3A_555 : f32
      %not3A_557 = arith.constant true
      %not3A_558 = arith.xori %le3A_547, %not3A_557 : i1
      %or3A = arith.constant false
      %or3A_559 = arith.ori %or3A, %not3A_558 : i1
      %slice3A_560 = vector.extract_strided_slice %get3A_543 {offsets = [1], sizes = [1], strides = [1]} : vector<16xf32> to vector<1xf32>
      %squeeze3A_561 = vector.extract %slice3A_560[0] : f32 from vector<1xf32>
      %add3A_562 = arith.addf %add3A_546, %squeeze3A_561 : f32
      %le3A_563 = arith.cmpf ole, %add3A_562, %mul3A_485 : f32
      %convert_element_type3A_564 = arith.extui %le3A_563 : i1 to i32
      %add3A_565 = arith.addi %add3A_550, %convert_element_type3A_564 : i32
      %not3A_566 = arith.constant true
      %not3A_567 = arith.xori %le3A_563, %not3A_566 : i1
      %not3A_568 = arith.constant true
      %not3A_569 = arith.xori %or3A_559, %not3A_568 : i1
      %and3A_570 = arith.andi %not3A_567, %not3A_569 : i1
      %select_n3A_571 = arith.select %and3A_570, %squeeze3A_561, %select_n3A_556 : f32
      %not3A_572 = arith.constant true
      %not3A_573 = arith.xori %le3A_563, %not3A_572 : i1
      %or3A_574 = arith.ori %or3A_559, %not3A_573 : i1
      %slice3A_575 = vector.extract_strided_slice %get3A_543 {offsets = [2], sizes = [1], strides = [1]} : vector<16xf32> to vector<1xf32>
      %squeeze3A_576 = vector.extract %slice3A_575[0] : f32 from vector<1xf32>
      %add3A_577 = arith.addf %add3A_562, %squeeze3A_576 : f32
      %le3A_578 = arith.cmpf ole, %add3A_577, %mul3A_485 : f32
      %convert_element_type3A_579 = arith.extui %le3A_578 : i1 to i32
      %add3A_580 = arith.addi %add3A_565, %convert_element_type3A_579 : i32
      %not3A_581 = arith.constant true
      %not3A_582 = arith.xori %le3A_578, %not3A_581 : i1
      %not3A_583 = arith.constant true
      %not3A_584 = arith.xori %or3A_574, %not3A_583 : i1
      %and3A_585 = arith.andi %not3A_582, %not3A_584 : i1
      %select_n3A_586 = arith.select %and3A_585, %squeeze3A_576, %select_n3A_571 : f32
      %not3A_587 = arith.constant true
      %not3A_588 = arith.xori %le3A_578, %not3A_587 : i1
      %or3A_589 = arith.ori %or3A_574, %not3A_588 : i1
      %slice3A_590 = vector.extract_strided_slice %get3A_543 {offsets = [3], sizes = [1], strides = [1]} : vector<16xf32> to vector<1xf32>
      %squeeze3A_591 = vector.extract %slice3A_590[0] : f32 from vector<1xf32>
      %add3A_592 = arith.addf %add3A_577, %squeeze3A_591 : f32
      %le3A_593 = arith.cmpf ole, %add3A_592, %mul3A_485 : f32
      %convert_element_type3A_594 = arith.extui %le3A_593 : i1 to i32
      %add3A_595 = arith.addi %add3A_580, %convert_element_type3A_594 : i32
      %not3A_596 = arith.constant true
      %not3A_597 = arith.xori %le3A_593, %not3A_596 : i1
      %not3A_598 = arith.constant true
      %not3A_599 = arith.xori %or3A_589, %not3A_598 : i1
      %and3A_600 = arith.andi %not3A_597, %not3A_599 : i1
      %select_n3A_601 = arith.select %and3A_600, %squeeze3A_591, %select_n3A_586 : f32
      %not3A_602 = arith.constant true
      %not3A_603 = arith.xori %le3A_593, %not3A_602 : i1
      %or3A_604 = arith.ori %or3A_589, %not3A_603 : i1
      %slice3A_605 = vector.extract_strided_slice %get3A_543 {offsets = [4], sizes = [1], strides = [1]} : vector<16xf32> to vector<1xf32>
      %squeeze3A_606 = vector.extract %slice3A_605[0] : f32 from vector<1xf32>
      %add3A_607 = arith.addf %add3A_592, %squeeze3A_606 : f32
      %le3A_608 = arith.cmpf ole, %add3A_607, %mul3A_485 : f32
      %convert_element_type3A_609 = arith.extui %le3A_608 : i1 to i32
      %add3A_610 = arith.addi %add3A_595, %convert_element_type3A_609 : i32
      %not3A_611 = arith.constant true
      %not3A_612 = arith.xori %le3A_608, %not3A_611 : i1
      %not3A_613 = arith.constant true
      %not3A_614 = arith.xori %or3A_604, %not3A_613 : i1
      %and3A_615 = arith.andi %not3A_612, %not3A_614 : i1
      %select_n3A_616 = arith.select %and3A_615, %squeeze3A_606, %select_n3A_601 : f32
      %not3A_617 = arith.constant true
      %not3A_618 = arith.xori %le3A_608, %not3A_617 : i1
      %or3A_619 = arith.ori %or3A_604, %not3A_618 : i1
      %slice3A_620 = vector.extract_strided_slice %get3A_543 {offsets = [5], sizes = [1], strides = [1]} : vector<16xf32> to vector<1xf32>
      %squeeze3A_621 = vector.extract %slice3A_620[0] : f32 from vector<1xf32>
      %add3A_622 = arith.addf %add3A_607, %squeeze3A_621 : f32
      %le3A_623 = arith.cmpf ole, %add3A_622, %mul3A_485 : f32
      %convert_element_type3A_624 = arith.extui %le3A_623 : i1 to i32
      %add3A_625 = arith.addi %add3A_610, %convert_element_type3A_624 : i32
      %not3A_626 = arith.constant true
      %not3A_627 = arith.xori %le3A_623, %not3A_626 : i1
      %not3A_628 = arith.constant true
      %not3A_629 = arith.xori %or3A_619, %not3A_628 : i1
      %and3A_630 = arith.andi %not3A_627, %not3A_629 : i1
      %select_n3A_631 = arith.select %and3A_630, %squeeze3A_621, %select_n3A_616 : f32
      %not3A_632 = arith.constant true
      %not3A_633 = arith.xori %le3A_623, %not3A_632 : i1
      %or3A_634 = arith.ori %or3A_619, %not3A_633 : i1
      %slice3A_635 = vector.extract_strided_slice %get3A_543 {offsets = [6], sizes = [1], strides = [1]} : vector<16xf32> to vector<1xf32>
      %squeeze3A_636 = vector.extract %slice3A_635[0] : f32 from vector<1xf32>
      %add3A_637 = arith.addf %add3A_622, %squeeze3A_636 : f32
      %le3A_638 = arith.cmpf ole, %add3A_637, %mul3A_485 : f32
      %convert_element_type3A_639 = arith.extui %le3A_638 : i1 to i32
      %add3A_640 = arith.addi %add3A_625, %convert_element_type3A_639 : i32
      %not3A_641 = arith.constant true
      %not3A_642 = arith.xori %le3A_638, %not3A_641 : i1
      %not3A_643 = arith.constant true
      %not3A_644 = arith.xori %or3A_634, %not3A_643 : i1
      %and3A_645 = arith.andi %not3A_642, %not3A_644 : i1
      %select_n3A_646 = arith.select %and3A_645, %squeeze3A_636, %select_n3A_631 : f32
      %not3A_647 = arith.constant true
      %not3A_648 = arith.xori %le3A_638, %not3A_647 : i1
      %or3A_649 = arith.ori %or3A_634, %not3A_648 : i1
      %slice3A_650 = vector.extract_strided_slice %get3A_543 {offsets = [7], sizes = [1], strides = [1]} : vector<16xf32> to vector<1xf32>
      %squeeze3A_651 = vector.extract %slice3A_650[0] : f32 from vector<1xf32>
      %add3A_652 = arith.addf %add3A_637, %squeeze3A_651 : f32
      %le3A_653 = arith.cmpf ole, %add3A_652, %mul3A_485 : f32
      %convert_element_type3A_654 = arith.extui %le3A_653 : i1 to i32
      %add3A_655 = arith.addi %add3A_640, %convert_element_type3A_654 : i32
      %not3A_656 = arith.constant true
      %not3A_657 = arith.xori %le3A_653, %not3A_656 : i1
      %not3A_658 = arith.constant true
      %not3A_659 = arith.xori %or3A_649, %not3A_658 : i1
      %and3A_660 = arith.andi %not3A_657, %not3A_659 : i1
      %select_n3A_661 = arith.select %and3A_660, %squeeze3A_651, %select_n3A_646 : f32
      %not3A_662 = arith.constant true
      %not3A_663 = arith.xori %le3A_653, %not3A_662 : i1
      %or3A_664 = arith.ori %or3A_649, %not3A_663 : i1
      %slice3A_665 = vector.extract_strided_slice %get3A_543 {offsets = [8], sizes = [1], strides = [1]} : vector<16xf32> to vector<1xf32>
      %squeeze3A_666 = vector.extract %slice3A_665[0] : f32 from vector<1xf32>
      %add3A_667 = arith.addf %add3A_652, %squeeze3A_666 : f32
      %le3A_668 = arith.cmpf ole, %add3A_667, %mul3A_485 : f32
      %convert_element_type3A_669 = arith.extui %le3A_668 : i1 to i32
      %add3A_670 = arith.addi %add3A_655, %convert_element_type3A_669 : i32
      %not3A_671 = arith.constant true
      %not3A_672 = arith.xori %le3A_668, %not3A_671 : i1
      %not3A_673 = arith.constant true
      %not3A_674 = arith.xori %or3A_664, %not3A_673 : i1
      %and3A_675 = arith.andi %not3A_672, %not3A_674 : i1
      %select_n3A_676 = arith.select %and3A_675, %squeeze3A_666, %select_n3A_661 : f32
      %not3A_677 = arith.constant true
      %not3A_678 = arith.xori %le3A_668, %not3A_677 : i1
      %or3A_679 = arith.ori %or3A_664, %not3A_678 : i1
      %slice3A_680 = vector.extract_strided_slice %get3A_543 {offsets = [9], sizes = [1], strides = [1]} : vector<16xf32> to vector<1xf32>
      %squeeze3A_681 = vector.extract %slice3A_680[0] : f32 from vector<1xf32>
      %add3A_682 = arith.addf %add3A_667, %squeeze3A_681 : f32
      %le3A_683 = arith.cmpf ole, %add3A_682, %mul3A_485 : f32
      %convert_element_type3A_684 = arith.extui %le3A_683 : i1 to i32
      %add3A_685 = arith.addi %add3A_670, %convert_element_type3A_684 : i32
      %not3A_686 = arith.constant true
      %not3A_687 = arith.xori %le3A_683, %not3A_686 : i1
      %not3A_688 = arith.constant true
      %not3A_689 = arith.xori %or3A_679, %not3A_688 : i1
      %and3A_690 = arith.andi %not3A_687, %not3A_689 : i1
      %select_n3A_691 = arith.select %and3A_690, %squeeze3A_681, %select_n3A_676 : f32
      %not3A_692 = arith.constant true
      %not3A_693 = arith.xori %le3A_683, %not3A_692 : i1
      %or3A_694 = arith.ori %or3A_679, %not3A_693 : i1
      %slice3A_695 = vector.extract_strided_slice %get3A_543 {offsets = [10], sizes = [1], strides = [1]} : vector<16xf32> to vector<1xf32>
      %squeeze3A_696 = vector.extract %slice3A_695[0] : f32 from vector<1xf32>
      %add3A_697 = arith.addf %add3A_682, %squeeze3A_696 : f32
      %le3A_698 = arith.cmpf ole, %add3A_697, %mul3A_485 : f32
      %convert_element_type3A_699 = arith.extui %le3A_698 : i1 to i32
      %add3A_700 = arith.addi %add3A_685, %convert_element_type3A_699 : i32
      %not3A_701 = arith.constant true
      %not3A_702 = arith.xori %le3A_698, %not3A_701 : i1
      %not3A_703 = arith.constant true
      %not3A_704 = arith.xori %or3A_694, %not3A_703 : i1
      %and3A_705 = arith.andi %not3A_702, %not3A_704 : i1
      %select_n3A_706 = arith.select %and3A_705, %squeeze3A_696, %select_n3A_691 : f32
      %not3A_707 = arith.constant true
      %not3A_708 = arith.xori %le3A_698, %not3A_707 : i1
      %or3A_709 = arith.ori %or3A_694, %not3A_708 : i1
      %slice3A_710 = vector.extract_strided_slice %get3A_543 {offsets = [11], sizes = [1], strides = [1]} : vector<16xf32> to vector<1xf32>
      %squeeze3A_711 = vector.extract %slice3A_710[0] : f32 from vector<1xf32>
      %add3A_712 = arith.addf %add3A_697, %squeeze3A_711 : f32
      %le3A_713 = arith.cmpf ole, %add3A_712, %mul3A_485 : f32
      %convert_element_type3A_714 = arith.extui %le3A_713 : i1 to i32
      %add3A_715 = arith.addi %add3A_700, %convert_element_type3A_714 : i32
      %not3A_716 = arith.constant true
      %not3A_717 = arith.xori %le3A_713, %not3A_716 : i1
      %not3A_718 = arith.constant true
      %not3A_719 = arith.xori %or3A_709, %not3A_718 : i1
      %and3A_720 = arith.andi %not3A_717, %not3A_719 : i1
      %select_n3A_721 = arith.select %and3A_720, %squeeze3A_711, %select_n3A_706 : f32
      %not3A_722 = arith.constant true
      %not3A_723 = arith.xori %le3A_713, %not3A_722 : i1
      %or3A_724 = arith.ori %or3A_709, %not3A_723 : i1
      %slice3A_725 = vector.extract_strided_slice %get3A_543 {offsets = [12], sizes = [1], strides = [1]} : vector<16xf32> to vector<1xf32>
      %squeeze3A_726 = vector.extract %slice3A_725[0] : f32 from vector<1xf32>
      %add3A_727 = arith.addf %add3A_712, %squeeze3A_726 : f32
      %le3A_728 = arith.cmpf ole, %add3A_727, %mul3A_485 : f32
      %convert_element_type3A_729 = arith.extui %le3A_728 : i1 to i32
      %add3A_730 = arith.addi %add3A_715, %convert_element_type3A_729 : i32
      %not3A_731 = arith.constant true
      %not3A_732 = arith.xori %le3A_728, %not3A_731 : i1
      %not3A_733 = arith.constant true
      %not3A_734 = arith.xori %or3A_724, %not3A_733 : i1
      %and3A_735 = arith.andi %not3A_732, %not3A_734 : i1
      %select_n3A_736 = arith.select %and3A_735, %squeeze3A_726, %select_n3A_721 : f32
      %not3A_737 = arith.constant true
      %not3A_738 = arith.xori %le3A_728, %not3A_737 : i1
      %or3A_739 = arith.ori %or3A_724, %not3A_738 : i1
      %slice3A_740 = vector.extract_strided_slice %get3A_543 {offsets = [13], sizes = [1], strides = [1]} : vector<16xf32> to vector<1xf32>
      %squeeze3A_741 = vector.extract %slice3A_740[0] : f32 from vector<1xf32>
      %add3A_742 = arith.addf %add3A_727, %squeeze3A_741 : f32
      %le3A_743 = arith.cmpf ole, %add3A_742, %mul3A_485 : f32
      %convert_element_type3A_744 = arith.extui %le3A_743 : i1 to i32
      %add3A_745 = arith.addi %add3A_730, %convert_element_type3A_744 : i32
      %not3A_746 = arith.constant true
      %not3A_747 = arith.xori %le3A_743, %not3A_746 : i1
      %not3A_748 = arith.constant true
      %not3A_749 = arith.xori %or3A_739, %not3A_748 : i1
      %and3A_750 = arith.andi %not3A_747, %not3A_749 : i1
      %select_n3A_751 = arith.select %and3A_750, %squeeze3A_741, %select_n3A_736 : f32
      %not3A_752 = arith.constant true
      %not3A_753 = arith.xori %le3A_743, %not3A_752 : i1
      %or3A_754 = arith.ori %or3A_739, %not3A_753 : i1
      %slice3A_755 = vector.extract_strided_slice %get3A_543 {offsets = [14], sizes = [1], strides = [1]} : vector<16xf32> to vector<1xf32>
      %squeeze3A_756 = vector.extract %slice3A_755[0] : f32 from vector<1xf32>
      %add3A_757 = arith.addf %add3A_742, %squeeze3A_756 : f32
      %le3A_758 = arith.cmpf ole, %add3A_757, %mul3A_485 : f32
      %convert_element_type3A_759 = arith.extui %le3A_758 : i1 to i32
      %add3A_760 = arith.addi %add3A_745, %convert_element_type3A_759 : i32
      %not3A_761 = arith.constant true
      %not3A_762 = arith.xori %le3A_758, %not3A_761 : i1
      %not3A_763 = arith.constant true
      %not3A_764 = arith.xori %or3A_754, %not3A_763 : i1
      %and3A_765 = arith.andi %not3A_762, %not3A_764 : i1
      %select_n3A_766 = arith.select %and3A_765, %squeeze3A_756, %select_n3A_751 : f32
      %not3A_767 = arith.constant true
      %not3A_768 = arith.xori %le3A_758, %not3A_767 : i1
      %or3A_769 = arith.ori %or3A_754, %not3A_768 : i1
      %slice3A_770 = vector.extract_strided_slice %get3A_543 {offsets = [15], sizes = [1], strides = [1]} : vector<16xf32> to vector<1xf32>
      %squeeze3A_771 = vector.extract %slice3A_770[0] : f32 from vector<1xf32>
      %add3A_772 = arith.addf %add3A_757, %squeeze3A_771 : f32
      %le3A_773 = arith.cmpf ole, %add3A_772, %mul3A_485 : f32
      %convert_element_type3A_774 = arith.extui %le3A_773 : i1 to i32
      %add3A_775 = arith.addi %add3A_760, %convert_element_type3A_774 : i32
      %not3A_776 = arith.constant true
      %not3A_777 = arith.xori %le3A_773, %not3A_776 : i1
      %not3A_778 = arith.constant true
      %not3A_779 = arith.xori %or3A_769, %not3A_778 : i1
      %and3A_780 = arith.andi %not3A_777, %not3A_779 : i1
      %select_n3A_781 = arith.select %and3A_780, %squeeze3A_771, %select_n3A_766 : f32
      %not3A_782 = arith.constant true
      %not3A_783 = arith.xori %le3A_773, %not3A_782 : i1
      %or3A_784 = arith.ori %or3A_769, %not3A_783 : i1
      %mul3A_785 = arith.constant 256 : i32
      %mul3A_786 = arith.muli %min3A_526, %mul3A_785 : i32
      %mul3A_787 = arith.constant 16 : i32
      %mul3A_788 = arith.muli %min3A_535, %mul3A_787 : i32
      %add3A_789 = arith.addi %mul3A_786, %mul3A_788 : i32
      %add3A_790 = arith.addi %add3A_789, %add3A_775 : i32
      %min3A_791 = arith.constant 1999 : i32
      %min3A_792 = arith.minsi %add3A_790, %min3A_791 : i32
      %jit3A_793 = arith.constant 0 : i32
      %select_n3A_794 = arith.select %lt3A_525, %min3A_792, %jit3A_793 : i32
      %convert_element_type3A_795 = arith.sitofp %select_n3A_794 : i32 to f32
      %mul3A_796 = arith.constant 0.00100040017 : f32
      %mul3A_797 = arith.mulf %convert_element_type3A_795, %mul3A_796 : f32
      %sub3A = arith.constant 0.999899983 : f32
      %sub3A_798 = arith.subf %mul3A_797, %sub3A : f32
      %get3A_799 = arith.constant 0 : index
      %get3A_800 = tpu.vector_load %arg14[%get3A_799] {strides = array<i32>} : memref<2048xf32, #tpu.memory_space<vmem>>, vector<16xf32>,
      %get3A_801 = vector.shape_cast %get3A_800 : vector<16xf32> to vector<16xf32>
      %slice3A_802 = vector.extract_strided_slice %get3A_801 {offsets = [0], sizes = [1], strides = [1]} : vector<16xf32> to vector<1xf32>
      %squeeze3A_803 = vector.extract %slice3A_802[0] : f32 from vector<1xf32>
      %select_n3A_804 = arith.select %lt3A_525, %select_n3A_781, %squeeze3A_803 : f32
      %mul3A_805 = arith.mulf %select_n3A_804, %squeeze3A_31 : f32
      %get3A_806 = arith.index_cast %scan3A_11 : i32 to index
      %get3A_807 = tpu.vector_load %arg15[%get3A_806] {strides = array<i32>} : memref<80xf32, #tpu.memory_space<vmem>>, vector<16xf32>,
      %get3A_808 = vector.shape_cast %get3A_807 : vector<16xf32> to vector<16xf32>
      %broadcast_in_dim3A_809 = vector.broadcast %sub3A_798 : f32 to vector<16xf32>
      %select_n3A_810 = arith.select %eq3A_4, %broadcast_in_dim3A_809, %get3A_808 : vector<16xi1>, vector<16xf32>
      %swap3A = arith.index_cast %scan3A_11 : i32 to index
      %swap3A_811 = tpu.vector_load %arg15[%swap3A] {strides = array<i32>} : memref<80xf32, #tpu.memory_space<vmem>>, vector<16xf32>,
      %swap3A_812 = vector.shape_cast %swap3A_811 : vector<16xf32> to vector<16xf32>
      %swap3A_813 = vector.shape_cast %select_n3A_810 : vector<16xf32> to vector<16xf32>
      tpu.vector_store %arg15[%swap3A], %swap3A_813 {strides = array<i32>} : memref<80xf32, #tpu.memory_space<vmem>>, vector<16xf32>,
      %get3A_814 = arith.index_cast %scan3A_11 : i32 to index
      %get3A_815 = tpu.vector_load %arg16[%get3A_814] {strides = array<i32>} : memref<80xf32, #tpu.memory_space<vmem>>, vector<16xf32>,
      %get3A_816 = vector.shape_cast %get3A_815 : vector<16xf32> to vector<16xf32>
      %broadcast_in_dim3A_817 = vector.broadcast %mul3A_805 : f32 to vector<16xf32>
      %select_n3A_818 = arith.select %eq3A_4, %broadcast_in_dim3A_817, %get3A_816 : vector<16xi1>, vector<16xf32>
      %add3A_819 = arith.constant 1.1920929E-7 : f32
      %add3A_820 = arith.addf %mul3A_481, %add3A_819 : f32
      %jit3A_821 = arith.constant 1.000000e+00 : f32
      %broadcast_in_dim3A_822 = vector.broadcast %add3A_820 : f32 to vector<16xf32>
      %broadcast_in_dim3A_823 = vector.broadcast %jit3A_821 : f32 to vector<16xf32>
      %select_n3A_824 = arith.select %eq3A_4, %broadcast_in_dim3A_822, %broadcast_in_dim3A_823 : vector<16xi1>, vector<16xf32>
      %div3A_825 = arith.divf %select_n3A_818, %select_n3A_824 : vector<16xf32>
      %swap3A_826 = arith.index_cast %scan3A_11 : i32 to index
      %swap3A_827 = tpu.vector_load %arg16[%swap3A_826] {strides = array<i32>} : memref<80xf32, #tpu.memory_space<vmem>>, vector<16xf32>,
      %swap3A_828 = vector.shape_cast %swap3A_827 : vector<16xf32> to vector<16xf32>
      %swap3A_829 = vector.shape_cast %div3A_825 : vector<16xf32> to vector<16xf32>
      tpu.vector_store %arg16[%swap3A_826], %swap3A_829 {strides = array<i32>} : memref<80xf32, #tpu.memory_space<vmem>>, vector<16xf32>,
      %scan3A_830 = arith.constant 0 : i32
      scf.yield %scan3A_830 : i32
    }
    %scan3A_10 = arith.constant 64 : i32
    "tpu.region"() ({
      %run_scoped3A = tpu.sem_alloc : memref<!tpu.dma_semaphore, #tpu.memory_space<semaphore_mem>>
      %dma_start3A = arith.constant 0 : i32
      %dma_start3A_11 = tpu.memref_slice %arg15[%dma_start3A] : memref<80xf32, #tpu.memory_space<vmem>> -> memref<64xf32, #tpu.memory_space<vmem>>
      %dma_start3A_12 = tpu.memref_slice %arg7[%mul3A_2] : memref<2048xf32, #tpu.memory_space<hbm>> -> memref<64xf32, #tpu.memory_space<hbm>>
      %dma_start3A_13 = tpu.memref_slice %arg7[%mul3A_2] : memref<2048xf32, #tpu.memory_space<hbm>> -> memref<64xf32, #tpu.memory_space<hbm>>
      %dma_start3A_14 = arith.constant 0 : i32
      %dma_start3A_15 = tpu.memref_slice %arg15[%dma_start3A_14] : memref<80xf32, #tpu.memory_space<vmem>> -> memref<64xf32, #tpu.memory_space<vmem>>
      tpu.enqueue_dma source(%dma_start3A_15 : memref<64xf32, #tpu.memory_space<vmem>>) target(%dma_start3A_13 : memref<64xf32, #tpu.memory_space<hbm>>) target_semaphore(%run_scoped3A : memref<!tpu.dma_semaphore, #tpu.memory_space<semaphore_mem>>)
      %dma_wait3A = arith.constant 0 : i32
      %dma_wait3A_16 = tpu.memref_slice %arg15[%dma_wait3A] : memref<80xf32, #tpu.memory_space<vmem>> -> memref<64xf32, #tpu.memory_space<vmem>>
      %dma_wait3A_17 = tpu.memref_slice %arg7[%mul3A_2] : memref<2048xf32, #tpu.memory_space<hbm>> -> memref<64xf32, #tpu.memory_space<hbm>>
      %dma_wait3A_18 = tpu.memref_slice %arg7[%mul3A_2] : memref<2048xf32, #tpu.memory_space<hbm>> -> memref<64xf32, #tpu.memory_space<hbm>>
      %dma_wait3A_19 = arith.constant 0 : i32
      %dma_wait3A_20 = tpu.memref_slice %arg15[%dma_wait3A_19] : memref<80xf32, #tpu.memory_space<vmem>> -> memref<64xf32, #tpu.memory_space<vmem>>
      tpu.wait_dma2 semaphore(%run_scoped3A : memref<!tpu.dma_semaphore, #tpu.memory_space<semaphore_mem>>) src(%dma_wait3A_20 : memref<64xf32, #tpu.memory_space<vmem>>) dst(%dma_wait3A_18 : memref<64xf32, #tpu.memory_space<hbm>>)
      tpu.yield
    }) : () -> ()
    "tpu.region"() ({
      %run_scoped3A = tpu.sem_alloc : memref<!tpu.dma_semaphore, #tpu.memory_space<semaphore_mem>>
      %dma_start3A = arith.constant 0 : i32
      %dma_start3A_11 = tpu.memref_slice %arg16[%dma_start3A] : memref<80xf32, #tpu.memory_space<vmem>> -> memref<64xf32, #tpu.memory_space<vmem>>
      %dma_start3A_12 = tpu.memref_slice %arg8[%mul3A_2] : memref<2048xf32, #tpu.memory_space<hbm>> -> memref<64xf32, #tpu.memory_space<hbm>>
      %dma_start3A_13 = tpu.memref_slice %arg8[%mul3A_2] : memref<2048xf32, #tpu.memory_space<hbm>> -> memref<64xf32, #tpu.memory_space<hbm>>
      %dma_start3A_14 = arith.constant 0 : i32
      %dma_start3A_15 = tpu.memref_slice %arg16[%dma_start3A_14] : memref<80xf32, #tpu.memory_space<vmem>> -> memref<64xf32, #tpu.memory_space<vmem>>
      tpu.enqueue_dma source(%dma_start3A_15 : memref<64xf32, #tpu.memory_space<vmem>>) target(%dma_start3A_13 : memref<64xf32, #tpu.memory_space<hbm>>) target_semaphore(%run_scoped3A : memref<!tpu.dma_semaphore, #tpu.memory_space<semaphore_mem>>)
      %dma_wait3A = arith.constant 0 : i32
      %dma_wait3A_16 = tpu.memref_slice %arg16[%dma_wait3A] : memref<80xf32, #tpu.memory_space<vmem>> -> memref<64xf32, #tpu.memory_space<vmem>>
      %dma_wait3A_17 = tpu.memref_slice %arg8[%mul3A_2] : memref<2048xf32, #tpu.memory_space<hbm>> -> memref<64xf32, #tpu.memory_space<hbm>>
      %dma_wait3A_18 = tpu.memref_slice %arg8[%mul3A_2] : memref<2048xf32, #tpu.memory_space<hbm>> -> memref<64xf32, #tpu.memory_space<hbm>>
      %dma_wait3A_19 = arith.constant 0 : i32
      %dma_wait3A_20 = tpu.memref_slice %arg16[%dma_wait3A_19] : memref<80xf32, #tpu.memory_space<vmem>> -> memref<64xf32, #tpu.memory_space<vmem>>
      tpu.wait_dma2 semaphore(%run_scoped3A : memref<!tpu.dma_semaphore, #tpu.memory_space<semaphore_mem>>) src(%dma_wait3A_20 : memref<64xf32, #tpu.memory_space<vmem>>) dst(%dma_wait3A_18 : memref<64xf32, #tpu.memory_space<hbm>>)
      tpu.yield
    }) : () -> ()
    return
  }
}

module attributes {stable_mosaic.version = 14 : i64} {
  func.func @_body(%arg0: i32, %arg1: memref<2048x1xf32, #tpu.memory_space<vmem>>, %arg2: memref<2048x1xf32, #tpu.memory_space<vmem>>, %arg3: memref<1x1x1024xf32, #tpu.memory_space<vmem>>, %arg4: memref<1x1x1024xf32, #tpu.memory_space<vmem>>, %arg5: memref<1x1x1024xf32, #tpu.memory_space<vmem>>, %arg6: memref<1x1x1024xf32, #tpu.memory_space<vmem>>, %arg7: memref<1x1x1024xf32, #tpu.memory_space<vmem>>) attributes {dimension_semantics = [#tpu.dimension_semantics<arbitrary>], iteration_bounds = array<i64: 14>, scalar_prefetch = 0 : i64, scratch_operands = 0 : i64, tpu.core_type = #tpu.core_type<tc>, window_params = [{pipeline_mode = #tpu.pipeline_mode<synchronous>, transform_indices = @transform_0, window_bounds = array<i64: 2048, 1>}, {pipeline_mode = #tpu.pipeline_mode<synchronous>, transform_indices = @transform_1, window_bounds = array<i64: 2048, 1>}, {transform_indices = @transform_2, window_bounds = array<i64: 1, 1, 1024>}, {transform_indices = @transform_3, window_bounds = array<i64: 1, 1, 1024>}, {transform_indices = @transform_4, window_bounds = array<i64: 1, 1, 1024>}, {transform_indices = @transform_5, window_bounds = array<i64: 1, 1, 1024>}, {transform_indices = @transform_6, window_bounds = array<i64: 1, 1, 1024>}]} {
    %get3A = arith.constant 0 : index
    %get3A_0 = arith.constant 0 : index
    %get3A_1 = vector.load %arg1[%get3A, %get3A_0] : memref<2048x1xf32, #tpu.memory_space<vmem>>, vector<2048x1xf32>
    %get3A_2 = arith.constant 0 : index
    %get3A_3 = arith.constant 0 : index
    %get3A_4 = vector.load %arg2[%get3A_2, %get3A_3] : memref<2048x1xf32, #tpu.memory_space<vmem>>, vector<2048x1xf32>
    %get3A_5 = arith.constant 0 : index
    %get3A_6 = arith.constant 0 : index
    %get3A_7 = arith.constant 0 : index
    %get3A_8 = vector.load %arg3[%get3A_5, %get3A_6, %get3A_7] : memref<1x1x1024xf32, #tpu.memory_space<vmem>>, vector<1x1x1024xf32>
    %get3A_9 = vector.shape_cast %get3A_8 : vector<1x1x1024xf32> to vector<1x1024xf32>
    %get3A_10 = arith.constant 0 : index
    %get3A_11 = arith.constant 0 : index
    %get3A_12 = arith.constant 0 : index
    %get3A_13 = vector.load %arg4[%get3A_10, %get3A_11, %get3A_12] : memref<1x1x1024xf32, #tpu.memory_space<vmem>>, vector<1x1x1024xf32>
    %get3A_14 = vector.shape_cast %get3A_13 : vector<1x1x1024xf32> to vector<1x1024xf32>
    %add3A = arith.constant 1.1920929E-7 : f32
    %add3A_15 = vector.broadcast %add3A : f32 to vector<1x1024xf32>
    %add3A_16 = arith.addf %get3A_14, %add3A_15 : vector<1x1024xf32>
    %get3A_17 = arith.constant 0 : index
    %get3A_18 = arith.constant 0 : index
    %get3A_19 = arith.constant 0 : index
    %get3A_20 = vector.load %arg5[%get3A_17, %get3A_18, %get3A_19] : memref<1x1x1024xf32, #tpu.memory_space<vmem>>, vector<1x1x1024xf32>
    %get3A_21 = vector.shape_cast %get3A_20 : vector<1x1x1024xf32> to vector<1x1024xf32>
    %div3A = arith.constant 1.000000e+00 : f32
    %div3A_22 = vector.broadcast %div3A : f32 to vector<1x1024xf32>
    %div3A_23 = arith.divf %div3A_22, %add3A_16 : vector<1x1024xf32>
    %mul3A = arith.constant -5.000000e-01 : f32
    %mul3A_24 = vector.broadcast %mul3A : f32 to vector<1x1024xf32>
    %mul3A_25 = arith.mulf %mul3A_24, %div3A_23 : vector<1x1024xf32>
    %mul3A_26 = arith.mulf %mul3A_25, %div3A_23 : vector<1x1024xf32>
    %sub3A = vector.broadcast %get3A_1 : vector<2048x1xf32> to vector<2048x1024xf32>
    %sub3A_27 = vector.broadcast %get3A_9 : vector<1x1024xf32> to vector<2048x1024xf32>
    %sub3A_28 = arith.subf %sub3A, %sub3A_27 : vector<2048x1024xf32>
    %mul3A_29 = arith.mulf %sub3A_28, %sub3A_28 : vector<2048x1024xf32>
    %mul3A_30 = vector.broadcast %mul3A_26 : vector<1x1024xf32> to vector<2048x1024xf32>
    %mul3A_31 = arith.mulf %mul3A_29, %mul3A_30 : vector<2048x1024xf32>
    %add3A_32 = vector.broadcast %get3A_4 : vector<2048x1xf32> to vector<2048x1024xf32>
    %add3A_33 = arith.addf %mul3A_31, %add3A_32 : vector<2048x1024xf32>
    %exp3A = math.exp %add3A_33 : vector<2048x1024xf32>
    %mul3A_34 = vector.broadcast %div3A_23 : vector<1x1024xf32> to vector<2048x1024xf32>
    %mul3A_35 = arith.mulf %exp3A, %mul3A_34 : vector<2048x1024xf32>
    %slice3A = vector.extract_strided_slice %mul3A_35 {offsets = [0, 0], sizes = [128, 1024], strides = [1, 1]} : vector<2048x1024xf32> to vector<128x1024xf32>
    %reduce_sum3A = arith.constant dense<0.000000e+00> : vector<1024xf32>
    %reduce_sum3A_36 = vector.multi_reduction <add>, %slice3A, %reduce_sum3A [0] : vector<128x1024xf32> to vector<1024xf32>
    %broadcast_in_dim3A = vector.shape_cast %reduce_sum3A_36 : vector<1024xf32> to vector<1x1024xf32>
    %slice3A_37 = vector.extract_strided_slice %mul3A_35 {offsets = [128, 0], sizes = [128, 1024], strides = [1, 1]} : vector<2048x1024xf32> to vector<128x1024xf32>
    %reduce_sum3A_38 = arith.constant dense<0.000000e+00> : vector<1024xf32>
    %reduce_sum3A_39 = vector.multi_reduction <add>, %slice3A_37, %reduce_sum3A_38 [0] : vector<128x1024xf32> to vector<1024xf32>
    %broadcast_in_dim3A_40 = vector.shape_cast %reduce_sum3A_39 : vector<1024xf32> to vector<1x1024xf32>
    %slice3A_41 = vector.extract_strided_slice %mul3A_35 {offsets = [256, 0], sizes = [128, 1024], strides = [1, 1]} : vector<2048x1024xf32> to vector<128x1024xf32>
    %reduce_sum3A_42 = arith.constant dense<0.000000e+00> : vector<1024xf32>
    %reduce_sum3A_43 = vector.multi_reduction <add>, %slice3A_41, %reduce_sum3A_42 [0] : vector<128x1024xf32> to vector<1024xf32>
    %broadcast_in_dim3A_44 = vector.shape_cast %reduce_sum3A_43 : vector<1024xf32> to vector<1x1024xf32>
    %slice3A_45 = vector.extract_strided_slice %mul3A_35 {offsets = [384, 0], sizes = [128, 1024], strides = [1, 1]} : vector<2048x1024xf32> to vector<128x1024xf32>
    %reduce_sum3A_46 = arith.constant dense<0.000000e+00> : vector<1024xf32>
    %reduce_sum3A_47 = vector.multi_reduction <add>, %slice3A_45, %reduce_sum3A_46 [0] : vector<128x1024xf32> to vector<1024xf32>
    %broadcast_in_dim3A_48 = vector.shape_cast %reduce_sum3A_47 : vector<1024xf32> to vector<1x1024xf32>
    %slice3A_49 = vector.extract_strided_slice %mul3A_35 {offsets = [512, 0], sizes = [128, 1024], strides = [1, 1]} : vector<2048x1024xf32> to vector<128x1024xf32>
    %reduce_sum3A_50 = arith.constant dense<0.000000e+00> : vector<1024xf32>
    %reduce_sum3A_51 = vector.multi_reduction <add>, %slice3A_49, %reduce_sum3A_50 [0] : vector<128x1024xf32> to vector<1024xf32>
    %broadcast_in_dim3A_52 = vector.shape_cast %reduce_sum3A_51 : vector<1024xf32> to vector<1x1024xf32>
    %slice3A_53 = vector.extract_strided_slice %mul3A_35 {offsets = [640, 0], sizes = [128, 1024], strides = [1, 1]} : vector<2048x1024xf32> to vector<128x1024xf32>
    %reduce_sum3A_54 = arith.constant dense<0.000000e+00> : vector<1024xf32>
    %reduce_sum3A_55 = vector.multi_reduction <add>, %slice3A_53, %reduce_sum3A_54 [0] : vector<128x1024xf32> to vector<1024xf32>
    %broadcast_in_dim3A_56 = vector.shape_cast %reduce_sum3A_55 : vector<1024xf32> to vector<1x1024xf32>
    %slice3A_57 = vector.extract_strided_slice %mul3A_35 {offsets = [768, 0], sizes = [128, 1024], strides = [1, 1]} : vector<2048x1024xf32> to vector<128x1024xf32>
    %reduce_sum3A_58 = arith.constant dense<0.000000e+00> : vector<1024xf32>
    %reduce_sum3A_59 = vector.multi_reduction <add>, %slice3A_57, %reduce_sum3A_58 [0] : vector<128x1024xf32> to vector<1024xf32>
    %broadcast_in_dim3A_60 = vector.shape_cast %reduce_sum3A_59 : vector<1024xf32> to vector<1x1024xf32>
    %slice3A_61 = vector.extract_strided_slice %mul3A_35 {offsets = [896, 0], sizes = [128, 1024], strides = [1, 1]} : vector<2048x1024xf32> to vector<128x1024xf32>
    %reduce_sum3A_62 = arith.constant dense<0.000000e+00> : vector<1024xf32>
    %reduce_sum3A_63 = vector.multi_reduction <add>, %slice3A_61, %reduce_sum3A_62 [0] : vector<128x1024xf32> to vector<1024xf32>
    %broadcast_in_dim3A_64 = vector.shape_cast %reduce_sum3A_63 : vector<1024xf32> to vector<1x1024xf32>
    %slice3A_65 = vector.extract_strided_slice %mul3A_35 {offsets = [1024, 0], sizes = [128, 1024], strides = [1, 1]} : vector<2048x1024xf32> to vector<128x1024xf32>
    %reduce_sum3A_66 = arith.constant dense<0.000000e+00> : vector<1024xf32>
    %reduce_sum3A_67 = vector.multi_reduction <add>, %slice3A_65, %reduce_sum3A_66 [0] : vector<128x1024xf32> to vector<1024xf32>
    %broadcast_in_dim3A_68 = vector.shape_cast %reduce_sum3A_67 : vector<1024xf32> to vector<1x1024xf32>
    %slice3A_69 = vector.extract_strided_slice %mul3A_35 {offsets = [1152, 0], sizes = [128, 1024], strides = [1, 1]} : vector<2048x1024xf32> to vector<128x1024xf32>
    %reduce_sum3A_70 = arith.constant dense<0.000000e+00> : vector<1024xf32>
    %reduce_sum3A_71 = vector.multi_reduction <add>, %slice3A_69, %reduce_sum3A_70 [0] : vector<128x1024xf32> to vector<1024xf32>
    %broadcast_in_dim3A_72 = vector.shape_cast %reduce_sum3A_71 : vector<1024xf32> to vector<1x1024xf32>
    %slice3A_73 = vector.extract_strided_slice %mul3A_35 {offsets = [1280, 0], sizes = [128, 1024], strides = [1, 1]} : vector<2048x1024xf32> to vector<128x1024xf32>
    %reduce_sum3A_74 = arith.constant dense<0.000000e+00> : vector<1024xf32>
    %reduce_sum3A_75 = vector.multi_reduction <add>, %slice3A_73, %reduce_sum3A_74 [0] : vector<128x1024xf32> to vector<1024xf32>
    %broadcast_in_dim3A_76 = vector.shape_cast %reduce_sum3A_75 : vector<1024xf32> to vector<1x1024xf32>
    %slice3A_77 = vector.extract_strided_slice %mul3A_35 {offsets = [1408, 0], sizes = [128, 1024], strides = [1, 1]} : vector<2048x1024xf32> to vector<128x1024xf32>
    %reduce_sum3A_78 = arith.constant dense<0.000000e+00> : vector<1024xf32>
    %reduce_sum3A_79 = vector.multi_reduction <add>, %slice3A_77, %reduce_sum3A_78 [0] : vector<128x1024xf32> to vector<1024xf32>
    %broadcast_in_dim3A_80 = vector.shape_cast %reduce_sum3A_79 : vector<1024xf32> to vector<1x1024xf32>
    %slice3A_81 = vector.extract_strided_slice %mul3A_35 {offsets = [1536, 0], sizes = [128, 1024], strides = [1, 1]} : vector<2048x1024xf32> to vector<128x1024xf32>
    %reduce_sum3A_82 = arith.constant dense<0.000000e+00> : vector<1024xf32>
    %reduce_sum3A_83 = vector.multi_reduction <add>, %slice3A_81, %reduce_sum3A_82 [0] : vector<128x1024xf32> to vector<1024xf32>
    %broadcast_in_dim3A_84 = vector.shape_cast %reduce_sum3A_83 : vector<1024xf32> to vector<1x1024xf32>
    %slice3A_85 = vector.extract_strided_slice %mul3A_35 {offsets = [1664, 0], sizes = [128, 1024], strides = [1, 1]} : vector<2048x1024xf32> to vector<128x1024xf32>
    %reduce_sum3A_86 = arith.constant dense<0.000000e+00> : vector<1024xf32>
    %reduce_sum3A_87 = vector.multi_reduction <add>, %slice3A_85, %reduce_sum3A_86 [0] : vector<128x1024xf32> to vector<1024xf32>
    %broadcast_in_dim3A_88 = vector.shape_cast %reduce_sum3A_87 : vector<1024xf32> to vector<1x1024xf32>
    %slice3A_89 = vector.extract_strided_slice %mul3A_35 {offsets = [1792, 0], sizes = [128, 1024], strides = [1, 1]} : vector<2048x1024xf32> to vector<128x1024xf32>
    %reduce_sum3A_90 = arith.constant dense<0.000000e+00> : vector<1024xf32>
    %reduce_sum3A_91 = vector.multi_reduction <add>, %slice3A_89, %reduce_sum3A_90 [0] : vector<128x1024xf32> to vector<1024xf32>
    %broadcast_in_dim3A_92 = vector.shape_cast %reduce_sum3A_91 : vector<1024xf32> to vector<1x1024xf32>
    %slice3A_93 = vector.extract_strided_slice %mul3A_35 {offsets = [1920, 0], sizes = [128, 1024], strides = [1, 1]} : vector<2048x1024xf32> to vector<128x1024xf32>
    %reduce_sum3A_94 = arith.constant dense<0.000000e+00> : vector<1024xf32>
    %reduce_sum3A_95 = vector.multi_reduction <add>, %slice3A_93, %reduce_sum3A_94 [0] : vector<128x1024xf32> to vector<1024xf32>
    %broadcast_in_dim3A_96 = vector.shape_cast %reduce_sum3A_95 : vector<1024xf32> to vector<1x1024xf32>
    %add3A_97 = arith.addf %broadcast_in_dim3A, %broadcast_in_dim3A_40 : vector<1x1024xf32>
    %add3A_98 = arith.addf %add3A_97, %broadcast_in_dim3A_44 : vector<1x1024xf32>
    %add3A_99 = arith.addf %add3A_98, %broadcast_in_dim3A_48 : vector<1x1024xf32>
    %add3A_100 = arith.addf %add3A_99, %broadcast_in_dim3A_52 : vector<1x1024xf32>
    %add3A_101 = arith.addf %add3A_100, %broadcast_in_dim3A_56 : vector<1x1024xf32>
    %add3A_102 = arith.addf %add3A_101, %broadcast_in_dim3A_60 : vector<1x1024xf32>
    %add3A_103 = arith.addf %add3A_102, %broadcast_in_dim3A_64 : vector<1x1024xf32>
    %add3A_104 = arith.addf %add3A_103, %broadcast_in_dim3A_68 : vector<1x1024xf32>
    %add3A_105 = arith.addf %add3A_104, %broadcast_in_dim3A_72 : vector<1x1024xf32>
    %add3A_106 = arith.addf %add3A_105, %broadcast_in_dim3A_76 : vector<1x1024xf32>
    %add3A_107 = arith.addf %add3A_106, %broadcast_in_dim3A_80 : vector<1x1024xf32>
    %add3A_108 = arith.addf %add3A_107, %broadcast_in_dim3A_84 : vector<1x1024xf32>
    %add3A_109 = arith.addf %add3A_108, %broadcast_in_dim3A_88 : vector<1x1024xf32>
    %add3A_110 = arith.addf %add3A_109, %broadcast_in_dim3A_92 : vector<1x1024xf32>
    %add3A_111 = arith.addf %add3A_110, %broadcast_in_dim3A_96 : vector<1x1024xf32>
    %add3A_112 = arith.constant 1.1920929E-7 : f32
    %add3A_113 = vector.broadcast %add3A_112 : f32 to vector<1x1024xf32>
    %add3A_114 = arith.addf %add3A_111, %add3A_113 : vector<1x1024xf32>
    %mul3A_115 = arith.mulf %get3A_21, %add3A_114 : vector<1x1024xf32>
    %broadcast_in_dim3A_116 = arith.constant 0.000000e+00 : f32
    %broadcast_in_dim3A_117 = vector.broadcast %broadcast_in_dim3A_116 : f32 to vector<1x1024xf32>
    %broadcast_in_dim3A_118 = arith.constant 0 : i32
    %broadcast_in_dim3A_119 = vector.broadcast %broadcast_in_dim3A_118 : i32 to vector<1x1024xi32>
    %broadcast_in_dim3A_120 = arith.constant 0.000000e+00 : f32
    %broadcast_in_dim3A_121 = vector.broadcast %broadcast_in_dim3A_120 : f32 to vector<1x1024xf32>
    %add3A_122 = arith.addf %broadcast_in_dim3A_117, %broadcast_in_dim3A : vector<1x1024xf32>
    %le3A = arith.cmpf ole, %add3A_122, %mul3A_115 : vector<1x1024xf32>
    %convert_element_type3A = arith.extui %le3A : vector<1x1024xi1> to vector<1x1024xi32>
    %add3A_123 = arith.addi %broadcast_in_dim3A_119, %convert_element_type3A : vector<1x1024xi32>
    %jit3A = arith.constant 0.000000e+00 : f32
    %broadcast_in_dim3A_124 = vector.broadcast %jit3A : f32 to vector<1x1024xf32>
    %select_n3A = arith.select %le3A, %broadcast_in_dim3A, %broadcast_in_dim3A_124 : vector<1x1024xi1>, vector<1x1024xf32>
    %add3A_125 = arith.addf %broadcast_in_dim3A_121, %select_n3A : vector<1x1024xf32>
    %add3A_126 = arith.addf %add3A_122, %broadcast_in_dim3A_40 : vector<1x1024xf32>
    %le3A_127 = arith.cmpf ole, %add3A_126, %mul3A_115 : vector<1x1024xf32>
    %convert_element_type3A_128 = arith.extui %le3A_127 : vector<1x1024xi1> to vector<1x1024xi32>
    %add3A_129 = arith.addi %add3A_123, %convert_element_type3A_128 : vector<1x1024xi32>
    %jit3A_130 = arith.constant 0.000000e+00 : f32
    %broadcast_in_dim3A_131 = vector.broadcast %jit3A_130 : f32 to vector<1x1024xf32>
    %select_n3A_132 = arith.select %le3A_127, %broadcast_in_dim3A_40, %broadcast_in_dim3A_131 : vector<1x1024xi1>, vector<1x1024xf32>
    %add3A_133 = arith.addf %add3A_125, %select_n3A_132 : vector<1x1024xf32>
    %add3A_134 = arith.addf %add3A_126, %broadcast_in_dim3A_44 : vector<1x1024xf32>
    %le3A_135 = arith.cmpf ole, %add3A_134, %mul3A_115 : vector<1x1024xf32>
    %convert_element_type3A_136 = arith.extui %le3A_135 : vector<1x1024xi1> to vector<1x1024xi32>
    %add3A_137 = arith.addi %add3A_129, %convert_element_type3A_136 : vector<1x1024xi32>
    %jit3A_138 = arith.constant 0.000000e+00 : f32
    %broadcast_in_dim3A_139 = vector.broadcast %jit3A_138 : f32 to vector<1x1024xf32>
    %select_n3A_140 = arith.select %le3A_135, %broadcast_in_dim3A_44, %broadcast_in_dim3A_139 : vector<1x1024xi1>, vector<1x1024xf32>
    %add3A_141 = arith.addf %add3A_133, %select_n3A_140 : vector<1x1024xf32>
    %add3A_142 = arith.addf %add3A_134, %broadcast_in_dim3A_48 : vector<1x1024xf32>
    %le3A_143 = arith.cmpf ole, %add3A_142, %mul3A_115 : vector<1x1024xf32>
    %convert_element_type3A_144 = arith.extui %le3A_143 : vector<1x1024xi1> to vector<1x1024xi32>
    %add3A_145 = arith.addi %add3A_137, %convert_element_type3A_144 : vector<1x1024xi32>
    %jit3A_146 = arith.constant 0.000000e+00 : f32
    %broadcast_in_dim3A_147 = vector.broadcast %jit3A_146 : f32 to vector<1x1024xf32>
    %select_n3A_148 = arith.select %le3A_143, %broadcast_in_dim3A_48, %broadcast_in_dim3A_147 : vector<1x1024xi1>, vector<1x1024xf32>
    %add3A_149 = arith.addf %add3A_141, %select_n3A_148 : vector<1x1024xf32>
    %add3A_150 = arith.addf %add3A_142, %broadcast_in_dim3A_52 : vector<1x1024xf32>
    %le3A_151 = arith.cmpf ole, %add3A_150, %mul3A_115 : vector<1x1024xf32>
    %convert_element_type3A_152 = arith.extui %le3A_151 : vector<1x1024xi1> to vector<1x1024xi32>
    %add3A_153 = arith.addi %add3A_145, %convert_element_type3A_152 : vector<1x1024xi32>
    %jit3A_154 = arith.constant 0.000000e+00 : f32
    %broadcast_in_dim3A_155 = vector.broadcast %jit3A_154 : f32 to vector<1x1024xf32>
    %select_n3A_156 = arith.select %le3A_151, %broadcast_in_dim3A_52, %broadcast_in_dim3A_155 : vector<1x1024xi1>, vector<1x1024xf32>
    %add3A_157 = arith.addf %add3A_149, %select_n3A_156 : vector<1x1024xf32>
    %add3A_158 = arith.addf %add3A_150, %broadcast_in_dim3A_56 : vector<1x1024xf32>
    %le3A_159 = arith.cmpf ole, %add3A_158, %mul3A_115 : vector<1x1024xf32>
    %convert_element_type3A_160 = arith.extui %le3A_159 : vector<1x1024xi1> to vector<1x1024xi32>
    %add3A_161 = arith.addi %add3A_153, %convert_element_type3A_160 : vector<1x1024xi32>
    %jit3A_162 = arith.constant 0.000000e+00 : f32
    %broadcast_in_dim3A_163 = vector.broadcast %jit3A_162 : f32 to vector<1x1024xf32>
    %select_n3A_164 = arith.select %le3A_159, %broadcast_in_dim3A_56, %broadcast_in_dim3A_163 : vector<1x1024xi1>, vector<1x1024xf32>
    %add3A_165 = arith.addf %add3A_157, %select_n3A_164 : vector<1x1024xf32>
    %add3A_166 = arith.addf %add3A_158, %broadcast_in_dim3A_60 : vector<1x1024xf32>
    %le3A_167 = arith.cmpf ole, %add3A_166, %mul3A_115 : vector<1x1024xf32>
    %convert_element_type3A_168 = arith.extui %le3A_167 : vector<1x1024xi1> to vector<1x1024xi32>
    %add3A_169 = arith.addi %add3A_161, %convert_element_type3A_168 : vector<1x1024xi32>
    %jit3A_170 = arith.constant 0.000000e+00 : f32
    %broadcast_in_dim3A_171 = vector.broadcast %jit3A_170 : f32 to vector<1x1024xf32>
    %select_n3A_172 = arith.select %le3A_167, %broadcast_in_dim3A_60, %broadcast_in_dim3A_171 : vector<1x1024xi1>, vector<1x1024xf32>
    %add3A_173 = arith.addf %add3A_165, %select_n3A_172 : vector<1x1024xf32>
    %add3A_174 = arith.addf %add3A_166, %broadcast_in_dim3A_64 : vector<1x1024xf32>
    %le3A_175 = arith.cmpf ole, %add3A_174, %mul3A_115 : vector<1x1024xf32>
    %convert_element_type3A_176 = arith.extui %le3A_175 : vector<1x1024xi1> to vector<1x1024xi32>
    %add3A_177 = arith.addi %add3A_169, %convert_element_type3A_176 : vector<1x1024xi32>
    %jit3A_178 = arith.constant 0.000000e+00 : f32
    %broadcast_in_dim3A_179 = vector.broadcast %jit3A_178 : f32 to vector<1x1024xf32>
    %select_n3A_180 = arith.select %le3A_175, %broadcast_in_dim3A_64, %broadcast_in_dim3A_179 : vector<1x1024xi1>, vector<1x1024xf32>
    %add3A_181 = arith.addf %add3A_173, %select_n3A_180 : vector<1x1024xf32>
    %add3A_182 = arith.addf %add3A_174, %broadcast_in_dim3A_68 : vector<1x1024xf32>
    %le3A_183 = arith.cmpf ole, %add3A_182, %mul3A_115 : vector<1x1024xf32>
    %convert_element_type3A_184 = arith.extui %le3A_183 : vector<1x1024xi1> to vector<1x1024xi32>
    %add3A_185 = arith.addi %add3A_177, %convert_element_type3A_184 : vector<1x1024xi32>
    %jit3A_186 = arith.constant 0.000000e+00 : f32
    %broadcast_in_dim3A_187 = vector.broadcast %jit3A_186 : f32 to vector<1x1024xf32>
    %select_n3A_188 = arith.select %le3A_183, %broadcast_in_dim3A_68, %broadcast_in_dim3A_187 : vector<1x1024xi1>, vector<1x1024xf32>
    %add3A_189 = arith.addf %add3A_181, %select_n3A_188 : vector<1x1024xf32>
    %add3A_190 = arith.addf %add3A_182, %broadcast_in_dim3A_72 : vector<1x1024xf32>
    %le3A_191 = arith.cmpf ole, %add3A_190, %mul3A_115 : vector<1x1024xf32>
    %convert_element_type3A_192 = arith.extui %le3A_191 : vector<1x1024xi1> to vector<1x1024xi32>
    %add3A_193 = arith.addi %add3A_185, %convert_element_type3A_192 : vector<1x1024xi32>
    %jit3A_194 = arith.constant 0.000000e+00 : f32
    %broadcast_in_dim3A_195 = vector.broadcast %jit3A_194 : f32 to vector<1x1024xf32>
    %select_n3A_196 = arith.select %le3A_191, %broadcast_in_dim3A_72, %broadcast_in_dim3A_195 : vector<1x1024xi1>, vector<1x1024xf32>
    %add3A_197 = arith.addf %add3A_189, %select_n3A_196 : vector<1x1024xf32>
    %add3A_198 = arith.addf %add3A_190, %broadcast_in_dim3A_76 : vector<1x1024xf32>
    %le3A_199 = arith.cmpf ole, %add3A_198, %mul3A_115 : vector<1x1024xf32>
    %convert_element_type3A_200 = arith.extui %le3A_199 : vector<1x1024xi1> to vector<1x1024xi32>
    %add3A_201 = arith.addi %add3A_193, %convert_element_type3A_200 : vector<1x1024xi32>
    %jit3A_202 = arith.constant 0.000000e+00 : f32
    %broadcast_in_dim3A_203 = vector.broadcast %jit3A_202 : f32 to vector<1x1024xf32>
    %select_n3A_204 = arith.select %le3A_199, %broadcast_in_dim3A_76, %broadcast_in_dim3A_203 : vector<1x1024xi1>, vector<1x1024xf32>
    %add3A_205 = arith.addf %add3A_197, %select_n3A_204 : vector<1x1024xf32>
    %add3A_206 = arith.addf %add3A_198, %broadcast_in_dim3A_80 : vector<1x1024xf32>
    %le3A_207 = arith.cmpf ole, %add3A_206, %mul3A_115 : vector<1x1024xf32>
    %convert_element_type3A_208 = arith.extui %le3A_207 : vector<1x1024xi1> to vector<1x1024xi32>
    %add3A_209 = arith.addi %add3A_201, %convert_element_type3A_208 : vector<1x1024xi32>
    %jit3A_210 = arith.constant 0.000000e+00 : f32
    %broadcast_in_dim3A_211 = vector.broadcast %jit3A_210 : f32 to vector<1x1024xf32>
    %select_n3A_212 = arith.select %le3A_207, %broadcast_in_dim3A_80, %broadcast_in_dim3A_211 : vector<1x1024xi1>, vector<1x1024xf32>
    %add3A_213 = arith.addf %add3A_205, %select_n3A_212 : vector<1x1024xf32>
    %add3A_214 = arith.addf %add3A_206, %broadcast_in_dim3A_84 : vector<1x1024xf32>
    %le3A_215 = arith.cmpf ole, %add3A_214, %mul3A_115 : vector<1x1024xf32>
    %convert_element_type3A_216 = arith.extui %le3A_215 : vector<1x1024xi1> to vector<1x1024xi32>
    %add3A_217 = arith.addi %add3A_209, %convert_element_type3A_216 : vector<1x1024xi32>
    %jit3A_218 = arith.constant 0.000000e+00 : f32
    %broadcast_in_dim3A_219 = vector.broadcast %jit3A_218 : f32 to vector<1x1024xf32>
    %select_n3A_220 = arith.select %le3A_215, %broadcast_in_dim3A_84, %broadcast_in_dim3A_219 : vector<1x1024xi1>, vector<1x1024xf32>
    %add3A_221 = arith.addf %add3A_213, %select_n3A_220 : vector<1x1024xf32>
    %add3A_222 = arith.addf %add3A_214, %broadcast_in_dim3A_88 : vector<1x1024xf32>
    %le3A_223 = arith.cmpf ole, %add3A_222, %mul3A_115 : vector<1x1024xf32>
    %convert_element_type3A_224 = arith.extui %le3A_223 : vector<1x1024xi1> to vector<1x1024xi32>
    %add3A_225 = arith.addi %add3A_217, %convert_element_type3A_224 : vector<1x1024xi32>
    %jit3A_226 = arith.constant 0.000000e+00 : f32
    %broadcast_in_dim3A_227 = vector.broadcast %jit3A_226 : f32 to vector<1x1024xf32>
    %select_n3A_228 = arith.select %le3A_223, %broadcast_in_dim3A_88, %broadcast_in_dim3A_227 : vector<1x1024xi1>, vector<1x1024xf32>
    %add3A_229 = arith.addf %add3A_221, %select_n3A_228 : vector<1x1024xf32>
    %add3A_230 = arith.addf %add3A_222, %broadcast_in_dim3A_92 : vector<1x1024xf32>
    %le3A_231 = arith.cmpf ole, %add3A_230, %mul3A_115 : vector<1x1024xf32>
    %convert_element_type3A_232 = arith.extui %le3A_231 : vector<1x1024xi1> to vector<1x1024xi32>
    %add3A_233 = arith.addi %add3A_225, %convert_element_type3A_232 : vector<1x1024xi32>
    %jit3A_234 = arith.constant 0.000000e+00 : f32
    %broadcast_in_dim3A_235 = vector.broadcast %jit3A_234 : f32 to vector<1x1024xf32>
    %select_n3A_236 = arith.select %le3A_231, %broadcast_in_dim3A_92, %broadcast_in_dim3A_235 : vector<1x1024xi1>, vector<1x1024xf32>
    %add3A_237 = arith.addf %add3A_229, %select_n3A_236 : vector<1x1024xf32>
    %add3A_238 = arith.addf %add3A_230, %broadcast_in_dim3A_96 : vector<1x1024xf32>
    %le3A_239 = arith.cmpf ole, %add3A_238, %mul3A_115 : vector<1x1024xf32>
    %convert_element_type3A_240 = arith.extui %le3A_239 : vector<1x1024xi1> to vector<1x1024xi32>
    %add3A_241 = arith.addi %add3A_233, %convert_element_type3A_240 : vector<1x1024xi32>
    %jit3A_242 = arith.constant 0.000000e+00 : f32
    %broadcast_in_dim3A_243 = vector.broadcast %jit3A_242 : f32 to vector<1x1024xf32>
    %select_n3A_244 = arith.select %le3A_239, %broadcast_in_dim3A_96, %broadcast_in_dim3A_243 : vector<1x1024xi1>, vector<1x1024xf32>
    %add3A_245 = arith.addf %add3A_237, %select_n3A_244 : vector<1x1024xf32>
    %lt3A = arith.constant 16 : i32
    %lt3A_246 = vector.broadcast %lt3A : i32 to vector<1x1024xi32>
    %lt3A_247 = arith.cmpi slt, %add3A_241, %lt3A_246 : vector<1x1024xi32>
    %min3A = arith.constant 15 : i32
    %min3A_248 = vector.broadcast %min3A : i32 to vector<1x1024xi32>
    %min3A_249 = arith.minsi %add3A_241, %min3A_248 : vector<1x1024xi32>
    %eq3A = arith.constant 0 : i32
    %eq3A_250 = vector.broadcast %eq3A : i32 to vector<1x1024xi32>
    %eq3A_251 = arith.cmpi eq, %min3A_249, %eq3A_250 : vector<1x1024xi32>
    %slice3A_252 = vector.extract_strided_slice %mul3A_35 {offsets = [0, 0], sizes = [128, 1024], strides = [1, 1]} : vector<2048x1024xf32> to vector<128x1024xf32>
    %jit3A_253 = arith.constant 0.000000e+00 : f32
    %broadcast_in_dim3A_254 = vector.shape_cast %eq3A_251 : vector<1x1024xi1> to vector<1x1024xi1>
    %broadcast_in_dim3A_255 = vector.broadcast %broadcast_in_dim3A_254 : vector<1x1024xi1> to vector<128x1024xi1>
    %broadcast_in_dim3A_256 = vector.broadcast %jit3A_253 : f32 to vector<128x1024xf32>
    %select_n3A_257 = arith.select %broadcast_in_dim3A_255, %slice3A_252, %broadcast_in_dim3A_256 : vector<128x1024xi1>, vector<128x1024xf32>
    %eq3A_258 = arith.constant 1 : i32
    %eq3A_259 = vector.broadcast %eq3A_258 : i32 to vector<1x1024xi32>
    %eq3A_260 = arith.cmpi eq, %min3A_249, %eq3A_259 : vector<1x1024xi32>
    %slice3A_261 = vector.extract_strided_slice %mul3A_35 {offsets = [128, 0], sizes = [128, 1024], strides = [1, 1]} : vector<2048x1024xf32> to vector<128x1024xf32>
    %jit3A_262 = arith.constant 0.000000e+00 : f32
    %broadcast_in_dim3A_263 = vector.shape_cast %eq3A_260 : vector<1x1024xi1> to vector<1x1024xi1>
    %broadcast_in_dim3A_264 = vector.broadcast %broadcast_in_dim3A_263 : vector<1x1024xi1> to vector<128x1024xi1>
    %broadcast_in_dim3A_265 = vector.broadcast %jit3A_262 : f32 to vector<128x1024xf32>
    %select_n3A_266 = arith.select %broadcast_in_dim3A_264, %slice3A_261, %broadcast_in_dim3A_265 : vector<128x1024xi1>, vector<128x1024xf32>
    %add3A_267 = arith.addf %select_n3A_257, %select_n3A_266 : vector<128x1024xf32>
    %eq3A_268 = arith.constant 2 : i32
    %eq3A_269 = vector.broadcast %eq3A_268 : i32 to vector<1x1024xi32>
    %eq3A_270 = arith.cmpi eq, %min3A_249, %eq3A_269 : vector<1x1024xi32>
    %slice3A_271 = vector.extract_strided_slice %mul3A_35 {offsets = [256, 0], sizes = [128, 1024], strides = [1, 1]} : vector<2048x1024xf32> to vector<128x1024xf32>
    %jit3A_272 = arith.constant 0.000000e+00 : f32
    %broadcast_in_dim3A_273 = vector.shape_cast %eq3A_270 : vector<1x1024xi1> to vector<1x1024xi1>
    %broadcast_in_dim3A_274 = vector.broadcast %broadcast_in_dim3A_273 : vector<1x1024xi1> to vector<128x1024xi1>
    %broadcast_in_dim3A_275 = vector.broadcast %jit3A_272 : f32 to vector<128x1024xf32>
    %select_n3A_276 = arith.select %broadcast_in_dim3A_274, %slice3A_271, %broadcast_in_dim3A_275 : vector<128x1024xi1>, vector<128x1024xf32>
    %add3A_277 = arith.addf %add3A_267, %select_n3A_276 : vector<128x1024xf32>
    %eq3A_278 = arith.constant 3 : i32
    %eq3A_279 = vector.broadcast %eq3A_278 : i32 to vector<1x1024xi32>
    %eq3A_280 = arith.cmpi eq, %min3A_249, %eq3A_279 : vector<1x1024xi32>
    %slice3A_281 = vector.extract_strided_slice %mul3A_35 {offsets = [384, 0], sizes = [128, 1024], strides = [1, 1]} : vector<2048x1024xf32> to vector<128x1024xf32>
    %jit3A_282 = arith.constant 0.000000e+00 : f32
    %broadcast_in_dim3A_283 = vector.shape_cast %eq3A_280 : vector<1x1024xi1> to vector<1x1024xi1>
    %broadcast_in_dim3A_284 = vector.broadcast %broadcast_in_dim3A_283 : vector<1x1024xi1> to vector<128x1024xi1>
    %broadcast_in_dim3A_285 = vector.broadcast %jit3A_282 : f32 to vector<128x1024xf32>
    %select_n3A_286 = arith.select %broadcast_in_dim3A_284, %slice3A_281, %broadcast_in_dim3A_285 : vector<128x1024xi1>, vector<128x1024xf32>
    %add3A_287 = arith.addf %add3A_277, %select_n3A_286 : vector<128x1024xf32>
    %eq3A_288 = arith.constant 4 : i32
    %eq3A_289 = vector.broadcast %eq3A_288 : i32 to vector<1x1024xi32>
    %eq3A_290 = arith.cmpi eq, %min3A_249, %eq3A_289 : vector<1x1024xi32>
    %slice3A_291 = vector.extract_strided_slice %mul3A_35 {offsets = [512, 0], sizes = [128, 1024], strides = [1, 1]} : vector<2048x1024xf32> to vector<128x1024xf32>
    %jit3A_292 = arith.constant 0.000000e+00 : f32
    %broadcast_in_dim3A_293 = vector.shape_cast %eq3A_290 : vector<1x1024xi1> to vector<1x1024xi1>
    %broadcast_in_dim3A_294 = vector.broadcast %broadcast_in_dim3A_293 : vector<1x1024xi1> to vector<128x1024xi1>
    %broadcast_in_dim3A_295 = vector.broadcast %jit3A_292 : f32 to vector<128x1024xf32>
    %select_n3A_296 = arith.select %broadcast_in_dim3A_294, %slice3A_291, %broadcast_in_dim3A_295 : vector<128x1024xi1>, vector<128x1024xf32>
    %add3A_297 = arith.addf %add3A_287, %select_n3A_296 : vector<128x1024xf32>
    %eq3A_298 = arith.constant 5 : i32
    %eq3A_299 = vector.broadcast %eq3A_298 : i32 to vector<1x1024xi32>
    %eq3A_300 = arith.cmpi eq, %min3A_249, %eq3A_299 : vector<1x1024xi32>
    %slice3A_301 = vector.extract_strided_slice %mul3A_35 {offsets = [640, 0], sizes = [128, 1024], strides = [1, 1]} : vector<2048x1024xf32> to vector<128x1024xf32>
    %jit3A_302 = arith.constant 0.000000e+00 : f32
    %broadcast_in_dim3A_303 = vector.shape_cast %eq3A_300 : vector<1x1024xi1> to vector<1x1024xi1>
    %broadcast_in_dim3A_304 = vector.broadcast %broadcast_in_dim3A_303 : vector<1x1024xi1> to vector<128x1024xi1>
    %broadcast_in_dim3A_305 = vector.broadcast %jit3A_302 : f32 to vector<128x1024xf32>
    %select_n3A_306 = arith.select %broadcast_in_dim3A_304, %slice3A_301, %broadcast_in_dim3A_305 : vector<128x1024xi1>, vector<128x1024xf32>
    %add3A_307 = arith.addf %add3A_297, %select_n3A_306 : vector<128x1024xf32>
    %eq3A_308 = arith.constant 6 : i32
    %eq3A_309 = vector.broadcast %eq3A_308 : i32 to vector<1x1024xi32>
    %eq3A_310 = arith.cmpi eq, %min3A_249, %eq3A_309 : vector<1x1024xi32>
    %slice3A_311 = vector.extract_strided_slice %mul3A_35 {offsets = [768, 0], sizes = [128, 1024], strides = [1, 1]} : vector<2048x1024xf32> to vector<128x1024xf32>
    %jit3A_312 = arith.constant 0.000000e+00 : f32
    %broadcast_in_dim3A_313 = vector.shape_cast %eq3A_310 : vector<1x1024xi1> to vector<1x1024xi1>
    %broadcast_in_dim3A_314 = vector.broadcast %broadcast_in_dim3A_313 : vector<1x1024xi1> to vector<128x1024xi1>
    %broadcast_in_dim3A_315 = vector.broadcast %jit3A_312 : f32 to vector<128x1024xf32>
    %select_n3A_316 = arith.select %broadcast_in_dim3A_314, %slice3A_311, %broadcast_in_dim3A_315 : vector<128x1024xi1>, vector<128x1024xf32>
    %add3A_317 = arith.addf %add3A_307, %select_n3A_316 : vector<128x1024xf32>
    %eq3A_318 = arith.constant 7 : i32
    %eq3A_319 = vector.broadcast %eq3A_318 : i32 to vector<1x1024xi32>
    %eq3A_320 = arith.cmpi eq, %min3A_249, %eq3A_319 : vector<1x1024xi32>
    %slice3A_321 = vector.extract_strided_slice %mul3A_35 {offsets = [896, 0], sizes = [128, 1024], strides = [1, 1]} : vector<2048x1024xf32> to vector<128x1024xf32>
    %jit3A_322 = arith.constant 0.000000e+00 : f32
    %broadcast_in_dim3A_323 = vector.shape_cast %eq3A_320 : vector<1x1024xi1> to vector<1x1024xi1>
    %broadcast_in_dim3A_324 = vector.broadcast %broadcast_in_dim3A_323 : vector<1x1024xi1> to vector<128x1024xi1>
    %broadcast_in_dim3A_325 = vector.broadcast %jit3A_322 : f32 to vector<128x1024xf32>
    %select_n3A_326 = arith.select %broadcast_in_dim3A_324, %slice3A_321, %broadcast_in_dim3A_325 : vector<128x1024xi1>, vector<128x1024xf32>
    %add3A_327 = arith.addf %add3A_317, %select_n3A_326 : vector<128x1024xf32>
    %eq3A_328 = arith.constant 8 : i32
    %eq3A_329 = vector.broadcast %eq3A_328 : i32 to vector<1x1024xi32>
    %eq3A_330 = arith.cmpi eq, %min3A_249, %eq3A_329 : vector<1x1024xi32>
    %slice3A_331 = vector.extract_strided_slice %mul3A_35 {offsets = [1024, 0], sizes = [128, 1024], strides = [1, 1]} : vector<2048x1024xf32> to vector<128x1024xf32>
    %jit3A_332 = arith.constant 0.000000e+00 : f32
    %broadcast_in_dim3A_333 = vector.shape_cast %eq3A_330 : vector<1x1024xi1> to vector<1x1024xi1>
    %broadcast_in_dim3A_334 = vector.broadcast %broadcast_in_dim3A_333 : vector<1x1024xi1> to vector<128x1024xi1>
    %broadcast_in_dim3A_335 = vector.broadcast %jit3A_332 : f32 to vector<128x1024xf32>
    %select_n3A_336 = arith.select %broadcast_in_dim3A_334, %slice3A_331, %broadcast_in_dim3A_335 : vector<128x1024xi1>, vector<128x1024xf32>
    %add3A_337 = arith.addf %add3A_327, %select_n3A_336 : vector<128x1024xf32>
    %eq3A_338 = arith.constant 9 : i32
    %eq3A_339 = vector.broadcast %eq3A_338 : i32 to vector<1x1024xi32>
    %eq3A_340 = arith.cmpi eq, %min3A_249, %eq3A_339 : vector<1x1024xi32>
    %slice3A_341 = vector.extract_strided_slice %mul3A_35 {offsets = [1152, 0], sizes = [128, 1024], strides = [1, 1]} : vector<2048x1024xf32> to vector<128x1024xf32>
    %jit3A_342 = arith.constant 0.000000e+00 : f32
    %broadcast_in_dim3A_343 = vector.shape_cast %eq3A_340 : vector<1x1024xi1> to vector<1x1024xi1>
    %broadcast_in_dim3A_344 = vector.broadcast %broadcast_in_dim3A_343 : vector<1x1024xi1> to vector<128x1024xi1>
    %broadcast_in_dim3A_345 = vector.broadcast %jit3A_342 : f32 to vector<128x1024xf32>
    %select_n3A_346 = arith.select %broadcast_in_dim3A_344, %slice3A_341, %broadcast_in_dim3A_345 : vector<128x1024xi1>, vector<128x1024xf32>
    %add3A_347 = arith.addf %add3A_337, %select_n3A_346 : vector<128x1024xf32>
    %eq3A_348 = arith.constant 10 : i32
    %eq3A_349 = vector.broadcast %eq3A_348 : i32 to vector<1x1024xi32>
    %eq3A_350 = arith.cmpi eq, %min3A_249, %eq3A_349 : vector<1x1024xi32>
    %slice3A_351 = vector.extract_strided_slice %mul3A_35 {offsets = [1280, 0], sizes = [128, 1024], strides = [1, 1]} : vector<2048x1024xf32> to vector<128x1024xf32>
    %jit3A_352 = arith.constant 0.000000e+00 : f32
    %broadcast_in_dim3A_353 = vector.shape_cast %eq3A_350 : vector<1x1024xi1> to vector<1x1024xi1>
    %broadcast_in_dim3A_354 = vector.broadcast %broadcast_in_dim3A_353 : vector<1x1024xi1> to vector<128x1024xi1>
    %broadcast_in_dim3A_355 = vector.broadcast %jit3A_352 : f32 to vector<128x1024xf32>
    %select_n3A_356 = arith.select %broadcast_in_dim3A_354, %slice3A_351, %broadcast_in_dim3A_355 : vector<128x1024xi1>, vector<128x1024xf32>
    %add3A_357 = arith.addf %add3A_347, %select_n3A_356 : vector<128x1024xf32>
    %eq3A_358 = arith.constant 11 : i32
    %eq3A_359 = vector.broadcast %eq3A_358 : i32 to vector<1x1024xi32>
    %eq3A_360 = arith.cmpi eq, %min3A_249, %eq3A_359 : vector<1x1024xi32>
    %slice3A_361 = vector.extract_strided_slice %mul3A_35 {offsets = [1408, 0], sizes = [128, 1024], strides = [1, 1]} : vector<2048x1024xf32> to vector<128x1024xf32>
    %jit3A_362 = arith.constant 0.000000e+00 : f32
    %broadcast_in_dim3A_363 = vector.shape_cast %eq3A_360 : vector<1x1024xi1> to vector<1x1024xi1>
    %broadcast_in_dim3A_364 = vector.broadcast %broadcast_in_dim3A_363 : vector<1x1024xi1> to vector<128x1024xi1>
    %broadcast_in_dim3A_365 = vector.broadcast %jit3A_362 : f32 to vector<128x1024xf32>
    %select_n3A_366 = arith.select %broadcast_in_dim3A_364, %slice3A_361, %broadcast_in_dim3A_365 : vector<128x1024xi1>, vector<128x1024xf32>
    %add3A_367 = arith.addf %add3A_357, %select_n3A_366 : vector<128x1024xf32>
    %eq3A_368 = arith.constant 12 : i32
    %eq3A_369 = vector.broadcast %eq3A_368 : i32 to vector<1x1024xi32>
    %eq3A_370 = arith.cmpi eq, %min3A_249, %eq3A_369 : vector<1x1024xi32>
    %slice3A_371 = vector.extract_strided_slice %mul3A_35 {offsets = [1536, 0], sizes = [128, 1024], strides = [1, 1]} : vector<2048x1024xf32> to vector<128x1024xf32>
    %jit3A_372 = arith.constant 0.000000e+00 : f32
    %broadcast_in_dim3A_373 = vector.shape_cast %eq3A_370 : vector<1x1024xi1> to vector<1x1024xi1>
    %broadcast_in_dim3A_374 = vector.broadcast %broadcast_in_dim3A_373 : vector<1x1024xi1> to vector<128x1024xi1>
    %broadcast_in_dim3A_375 = vector.broadcast %jit3A_372 : f32 to vector<128x1024xf32>
    %select_n3A_376 = arith.select %broadcast_in_dim3A_374, %slice3A_371, %broadcast_in_dim3A_375 : vector<128x1024xi1>, vector<128x1024xf32>
    %add3A_377 = arith.addf %add3A_367, %select_n3A_376 : vector<128x1024xf32>
    %eq3A_378 = arith.constant 13 : i32
    %eq3A_379 = vector.broadcast %eq3A_378 : i32 to vector<1x1024xi32>
    %eq3A_380 = arith.cmpi eq, %min3A_249, %eq3A_379 : vector<1x1024xi32>
    %slice3A_381 = vector.extract_strided_slice %mul3A_35 {offsets = [1664, 0], sizes = [128, 1024], strides = [1, 1]} : vector<2048x1024xf32> to vector<128x1024xf32>
    %jit3A_382 = arith.constant 0.000000e+00 : f32
    %broadcast_in_dim3A_383 = vector.shape_cast %eq3A_380 : vector<1x1024xi1> to vector<1x1024xi1>
    %broadcast_in_dim3A_384 = vector.broadcast %broadcast_in_dim3A_383 : vector<1x1024xi1> to vector<128x1024xi1>
    %broadcast_in_dim3A_385 = vector.broadcast %jit3A_382 : f32 to vector<128x1024xf32>
    %select_n3A_386 = arith.select %broadcast_in_dim3A_384, %slice3A_381, %broadcast_in_dim3A_385 : vector<128x1024xi1>, vector<128x1024xf32>
    %add3A_387 = arith.addf %add3A_377, %select_n3A_386 : vector<128x1024xf32>
    %eq3A_388 = arith.constant 14 : i32
    %eq3A_389 = vector.broadcast %eq3A_388 : i32 to vector<1x1024xi32>
    %eq3A_390 = arith.cmpi eq, %min3A_249, %eq3A_389 : vector<1x1024xi32>
    %slice3A_391 = vector.extract_strided_slice %mul3A_35 {offsets = [1792, 0], sizes = [128, 1024], strides = [1, 1]} : vector<2048x1024xf32> to vector<128x1024xf32>
    %jit3A_392 = arith.constant 0.000000e+00 : f32
    %broadcast_in_dim3A_393 = vector.shape_cast %eq3A_390 : vector<1x1024xi1> to vector<1x1024xi1>
    %broadcast_in_dim3A_394 = vector.broadcast %broadcast_in_dim3A_393 : vector<1x1024xi1> to vector<128x1024xi1>
    %broadcast_in_dim3A_395 = vector.broadcast %jit3A_392 : f32 to vector<128x1024xf32>
    %select_n3A_396 = arith.select %broadcast_in_dim3A_394, %slice3A_391, %broadcast_in_dim3A_395 : vector<128x1024xi1>, vector<128x1024xf32>
    %add3A_397 = arith.addf %add3A_387, %select_n3A_396 : vector<128x1024xf32>
    %eq3A_398 = arith.constant 15 : i32
    %eq3A_399 = vector.broadcast %eq3A_398 : i32 to vector<1x1024xi32>
    %eq3A_400 = arith.cmpi eq, %min3A_249, %eq3A_399 : vector<1x1024xi32>
    %slice3A_401 = vector.extract_strided_slice %mul3A_35 {offsets = [1920, 0], sizes = [128, 1024], strides = [1, 1]} : vector<2048x1024xf32> to vector<128x1024xf32>
    %jit3A_402 = arith.constant 0.000000e+00 : f32
    %broadcast_in_dim3A_403 = vector.shape_cast %eq3A_400 : vector<1x1024xi1> to vector<1x1024xi1>
    %broadcast_in_dim3A_404 = vector.broadcast %broadcast_in_dim3A_403 : vector<1x1024xi1> to vector<128x1024xi1>
    %broadcast_in_dim3A_405 = vector.broadcast %jit3A_402 : f32 to vector<128x1024xf32>
    %select_n3A_406 = arith.select %broadcast_in_dim3A_404, %slice3A_401, %broadcast_in_dim3A_405 : vector<128x1024xi1>, vector<128x1024xf32>
    %add3A_407 = arith.addf %add3A_397, %select_n3A_406 : vector<128x1024xf32>
    %iota3A = tpu.iota {dimensions = array<i32: 0>} : vector<128x128xi32>
    %iota3A_408 = tpu.iota {dimensions = array<i32: 1>} : vector<128x128xi32>
    %ge3A = arith.cmpi sge, %iota3A, %iota3A_408 : vector<128x128xi32>
    %convert_element_type3A_409 = arith.extui %ge3A : vector<128x128xi1> to vector<128x128xi32>
    %convert_element_type3A_410 = arith.sitofp %convert_element_type3A_409 : vector<128x128xi32> to vector<128x128xf32>
    %dot_general3A = arith.constant dense<0.000000e+00> : vector<128x1024xf32>
    %dot_general3A_411 = tpu.matmul %convert_element_type3A_410, %add3A_407, %dot_general3A {dimension_numbers = #tpu.dot_dimension_numbers<[1], [0], [0], [1], [0, 0, 1, 1], [], []>, precision = #tpu.contract_precision<fp32>, transpose_lhs_hint = false} : vector<128x128xf32>, vector<128x1024xf32>, vector<128x1024xf32> -> vector<128x1024xf32>
    %add3A_412 = vector.broadcast %add3A_245 : vector<1x1024xf32> to vector<128x1024xf32>
    %add3A_413 = arith.addf %dot_general3A_411, %add3A_412 : vector<128x1024xf32>
    %le3A_414 = vector.broadcast %mul3A_115 : vector<1x1024xf32> to vector<128x1024xf32>
    %le3A_415 = arith.cmpf ole, %add3A_413, %le3A_414 : vector<128x1024xf32>
    %convert_element_type3A_416 = arith.extui %le3A_415 : vector<128x1024xi1> to vector<128x1024xi32>
    %reduce_sum3A_417 = arith.constant dense<0> : vector<1024xi32>
    %reduce_sum3A_418 = vector.multi_reduction <add>, %convert_element_type3A_416, %reduce_sum3A_417 [0] : vector<128x1024xi32> to vector<1024xi32>
    %broadcast_in_dim3A_419 = vector.shape_cast %reduce_sum3A_418 : vector<1024xi32> to vector<1x1024xi32>
    %mul3A_420 = arith.constant 128 : i32
    %mul3A_421 = vector.broadcast %mul3A_420 : i32 to vector<1x1024xi32>
    %mul3A_422 = arith.muli %add3A_241, %mul3A_421 : vector<1x1024xi32>
    %add3A_423 = arith.addi %mul3A_422, %broadcast_in_dim3A_419 : vector<1x1024xi32>
    %jit3A_424 = arith.constant 0 : i32
    %broadcast_in_dim3A_425 = vector.broadcast %jit3A_424 : i32 to vector<1x1024xi32>
    %select_n3A_426 = arith.select %lt3A_247, %add3A_423, %broadcast_in_dim3A_425 : vector<1x1024xi1>, vector<1x1024xi32>
    %min3A_427 = arith.constant 1999 : i32
    %min3A_428 = vector.broadcast %min3A_427 : i32 to vector<1x1024xi32>
    %min3A_429 = arith.minsi %select_n3A_426, %min3A_428 : vector<1x1024xi32>
    %convert_element_type3A_430 = arith.sitofp %min3A_429 : vector<1x1024xi32> to vector<1x1024xf32>
    %mul3A_431 = arith.constant 0.00100040017 : f32
    %mul3A_432 = vector.broadcast %mul3A_431 : f32 to vector<1x1024xf32>
    %mul3A_433 = arith.mulf %convert_element_type3A_430, %mul3A_432 : vector<1x1024xf32>
    %sub3A_434 = arith.constant 0.999899983 : f32
    %sub3A_435 = vector.broadcast %sub3A_434 : f32 to vector<1x1024xf32>
    %sub3A_436 = arith.subf %mul3A_433, %sub3A_435 : vector<1x1024xf32>
    %swap3A = arith.constant 0 : index
    %swap3A_437 = arith.constant 0 : index
    %swap3A_438 = arith.constant 0 : index
    %swap3A_439 = vector.load %arg6[%swap3A, %swap3A_437, %swap3A_438] : memref<1x1x1024xf32, #tpu.memory_space<vmem>>, vector<1x1x1024xf32>
    %swap3A_440 = vector.shape_cast %swap3A_439 : vector<1x1x1024xf32> to vector<1x1024xf32>
    %swap3A_441 = vector.shape_cast %sub3A_436 : vector<1x1024xf32> to vector<1x1x1024xf32>
    tpu.vector_store %arg6[%swap3A, %swap3A_437, %swap3A_438], %swap3A_441 {strides = array<i32>} : memref<1x1x1024xf32, #tpu.memory_space<vmem>>, vector<1x1x1024xf32>,
    %iota3A_442 = tpu.iota {dimensions = array<i32: 0>} : vector<128x1xi32>
    %eq3A_443 = vector.broadcast %iota3A_442 : vector<128x1xi32> to vector<128x1024xi32>
    %eq3A_444 = vector.broadcast %broadcast_in_dim3A_419 : vector<1x1024xi32> to vector<128x1024xi32>
    %eq3A_445 = arith.cmpi eq, %eq3A_443, %eq3A_444 : vector<128x1024xi32>
    %jit3A_446 = arith.constant 0.000000e+00 : f32
    %broadcast_in_dim3A_447 = vector.broadcast %jit3A_446 : f32 to vector<128x1024xf32>
    %select_n3A_448 = arith.select %eq3A_445, %add3A_407, %broadcast_in_dim3A_447 : vector<128x1024xi1>, vector<128x1024xf32>
    %reduce_sum3A_449 = arith.constant dense<0.000000e+00> : vector<1024xf32>
    %reduce_sum3A_450 = vector.multi_reduction <add>, %select_n3A_448, %reduce_sum3A_449 [0] : vector<128x1024xf32> to vector<1024xf32>
    %broadcast_in_dim3A_451 = vector.shape_cast %reduce_sum3A_450 : vector<1024xf32> to vector<1x1024xf32>
    %slice3A_452 = vector.extract_strided_slice %mul3A_35 {offsets = [0, 0], sizes = [1, 1024], strides = [1, 1]} : vector<2048x1024xf32> to vector<1x1024xf32>
    %select_n3A_453 = arith.select %lt3A_247, %broadcast_in_dim3A_451, %slice3A_452 : vector<1x1024xi1>, vector<1x1024xf32>
    %add3A_454 = arith.constant 1.1920929E-7 : f32
    %add3A_455 = vector.broadcast %add3A_454 : f32 to vector<1x1024xf32>
    %add3A_456 = arith.addf %add3A_111, %add3A_455 : vector<1x1024xf32>
    %div3A_457 = arith.divf %select_n3A_453, %add3A_456 : vector<1x1024xf32>
    %swap3A_458 = arith.constant 0 : index
    %swap3A_459 = arith.constant 0 : index
    %swap3A_460 = arith.constant 0 : index
    %swap3A_461 = vector.load %arg7[%swap3A_458, %swap3A_459, %swap3A_460] : memref<1x1x1024xf32, #tpu.memory_space<vmem>>, vector<1x1x1024xf32>
    %swap3A_462 = vector.shape_cast %swap3A_461 : vector<1x1x1024xf32> to vector<1x1024xf32>
    %swap3A_463 = vector.shape_cast %div3A_457 : vector<1x1024xf32> to vector<1x1x1024xf32>
    tpu.vector_store %arg7[%swap3A_458, %swap3A_459, %swap3A_460], %swap3A_463 {strides = array<i32>} : memref<1x1x1024xf32, #tpu.memory_space<vmem>>, vector<1x1x1024xf32>,
    return
  }
  func.func @transform_0(%arg0: i32) -> (i32, i32) {
    %c0_i32 = arith.constant 0 : i32
    %c0_i32_0 = arith.constant 0 : i32
    %c0_i32_1 = arith.constant 0 : i32
    return %c0_i32, %c0_i32_0 : i32, i32
  }
  func.func @transform_1(%arg0: i32) -> (i32, i32) {
    %c0_i32 = arith.constant 0 : i32
    %c0_i32_0 = arith.constant 0 : i32
    %c0_i32_1 = arith.constant 0 : i32
    return %c0_i32, %c0_i32_0 : i32, i32
  }
  func.func @transform_2(%arg0: i32) -> (i32, i32, i32) {
    %c0_i32 = arith.constant 0 : i32
    %c0_i32_0 = arith.constant 0 : i32
    %c0_i32_1 = arith.constant 0 : i32
    return %arg0, %c0_i32, %c0_i32_0 : i32, i32, i32
  }
  func.func @transform_3(%arg0: i32) -> (i32, i32, i32) {
    %c0_i32 = arith.constant 0 : i32
    %c0_i32_0 = arith.constant 0 : i32
    %c0_i32_1 = arith.constant 0 : i32
    return %arg0, %c0_i32, %c0_i32_0 : i32, i32, i32
  }
  func.func @transform_4(%arg0: i32) -> (i32, i32, i32) {
    %c0_i32 = arith.constant 0 : i32
    %c0_i32_0 = arith.constant 0 : i32
    %c0_i32_1 = arith.constant 0 : i32
    return %arg0, %c0_i32, %c0_i32_0 : i32, i32, i32
  }
  func.func @transform_5(%arg0: i32) -> (i32, i32, i32) {
    %c0_i32 = arith.constant 0 : i32
    %c0_i32_0 = arith.constant 0 : i32
    %c0_i32_1 = arith.constant 0 : i32
    return %arg0, %c0_i32, %c0_i32_0 : i32, i32, i32
  }
  func.func @transform_6(%arg0: i32) -> (i32, i32, i32) {
    %c0_i32 = arith.constant 0 : i32
    %c0_i32_0 = arith.constant 0 : i32
    %c0_i32_1 = arith.constant 0 : i32
    return %arg0, %c0_i32, %c0_i32_0 : i32, i32, i32
  }
}

</mosaic_0001>

<sc_bundles>
// kernel: kernel.4.cloned.1.call-start
scs
__scs_entry_jumppad:
0x0: {  	(pc) =	sbr.rel $0x88, $3  }
0x1: {  	(tag) =	ssettag $0x0;
	lr =	simm.s32 $0x1  }
0x2: {  	[smem:$0x3F9E] =	sst lr;
	_ =	strace $0xD0000000  }
0x3: {  	_ = 	snop  }
0x4: {  	_ = 	snop  }
0x5: {  	_ = 	snop  }
0x6: {  	_ = 	snop  }
0x7: {  	_ = 	snop  }
__scs_overlays_trampoline_lowered:
0x8: {  	[smem:$0x3FAD] =	sst s0  }
0x9: {  	[smem:$0x3FAE] =	sst s1  }
0xa: {  	[smem:$0x3FAF] =	sst s2  }
0xb: {  	[smem:$0x3FB0] =	sst s3  }
0xc: {  	[smem:$0x3FB1] =	sst s4  }
0xd: {  	[smem:$0x3FB2] =	sst s5  }
0xe: {  	[smem:$0x3FB3] =	sst s6  }
0xf: {  	[smem:$0x3FB4] =	sst s7  }
0x10: {  	[smem:$0x3FB5] =	sst s8  }
0x11: {  	[smem:$0x3FB6] =	sst s9;
	s0 =	simm.s32 @!p0 $0x0  }
0x12: {  	s1 =	sld [smem:$0x3F9C];
	s0 =	simm.s32 @p0 $0x1  }
0x13: {  	[smem:$0x3FB7] =	sst s0;
	s0 =	simm.s32 @!p1 $0x0  }
0x14: {  	s2 =	sld [smem:$0x3F9B];
	s0 =	simm.s32 @p1 $0x1  }
0x15: {  	[smem:$0x3FB8] =	sst s0;
	s0 =	simm.s32 @!p2 $0x0  }
0x16: {  	s3 =	sld [smem:$0x3FDB];
	s0 =	simm.s32 @p2 $0x1  }
0x17: {  	s4 =	simm.s32 $0x1BF5;
	[smem:$0x3FBA] =	sst s0  }
0x18: {  	s0 =	sld [smem:$0x3F9D];
	_ =	swait.ge [sflag:s4], $0x0  }
0x19: {  	s7 =	sld [smem:$0x3F9E]  }
0x1a: {  	s8 =	sadd.s32 $0xFFFFE003, lr  }
0x1b: {  	s9 =	sadd.s32 $0xFFFFFEF7, lr;
	s5 =	simm.s32 $0xFFFFFFFF;
	p2 =	slt.u32 s8, $0xFFFFF086  }
0x1c: {  	p1 =	slt.u32 s9, $0xF7A;
	s5 =	simm.s32 @!p2 $0x0  }
0x1d: {  	s5 =	simm.s32 @p1 $0x1;
	p0 =	seq.s32 s7, s2  }
0x1e: {  	s7 =	smul.u32 @!p0 $0xF7A, s2;
	p2 =	seq.s32 @!p0 s5, $0x0  }
0x1f: {  	s9 =	smul.u32 $0xF7A, s1;
	s8 =	simm.s32 @!p0 $0x1BF5;
	p2 =	por !p2, p0  }
0x20: {  	[sflag:s8] =	ssyncset.s32 @!p0 $0xFFFFF086;
	s6 =	sadd.s32 @!p0 s3, s7;
	s7 =	simm.s32 @!p0 $0x108  }
0x21: {  	s3 =	sadd.s32 s3, s9;
	s6 =	sadd.s32 @!p0 $0x88, s6;
	s7 =	simm.s32 @p2 $0x1082  }
0x22: {  	[simem:s7], [sflag:s8] =	dma.local @!p0 [hbm:s6], $0xF7A  }
0x23: {  	s9 =	sor.u32 $0xD0000000, s2;
	s6 =	simm.s32 $0x108;
	_ =	swait.ge @!p0 [sflag:s8], $0x0  }
0x24: {  	s3 =	sadd.s32 $0x88, s3;
	s6 =	simm.s32 @!p1 $0x1082;
	[sflag:s4] =	ssyncset.s32 $0xFFFFF086  }
0x25: {  	[simem:s6], [sflag:s4] =	dma.local [hbm:s3], $0xF7A  }
0x26: {  	[smem:$0x3F9E] =	sst s1;
	(tag) =	ssettag s2;
	_ =	strace s9  }
0x27: {  	s1 =	sld [smem:$0x3FAE]  }
0x28: {  	s2 =	sld [smem:$0x3FAF]  }
0x29: {  	s4 =	sld [smem:$0x3FB1]  }
0x2a: {  	p0 =	seq.s32 s5, $0x0;
	s5 =	sld [smem:$0x3FB2]  }
0x2b: {  	s6 =	sld [smem:$0x3FB3]  }
0x2c: {  	s7 =	sld [smem:$0x3FB4]  }
0x2d: {  	s3 =	simm.s32 $0x108;
	s8 =	sld [smem:$0x3FB5]  }
0x2e: {  	s3 =	simm.s32 @!p0 $0x1082;
	s9 =	sld [smem:$0x3FB6]  }
0x2f: {  	lr =	sadd.s32 s0, s3;
	s0 =	sld [smem:$0x3FAD]  }
0x30: {  	s3 =	sld [smem:$0x3FB0]  }
0x31: {  	[smem:$0x3FB9] =	sst s10  }
0x32: {  	s10 =	sld [smem:$0x3FB7];
	_ =	sdelay $0x3  }
0x33: {  	p0 =	seq.s32 s10, $0x1;
	s10 =	sld [smem:$0x3FB9];
	_ =	sdelay $0x3  }
0x34: {  	[smem:$0x3FB9] =	sst s10  }
0x35: {  	s10 =	sld [smem:$0x3FB8];
	_ =	sdelay $0x3  }
0x36: {  	p1 =	seq.s32 s10, $0x1;
	s10 =	sld [smem:$0x3FB9];
	_ =	sdelay $0x3  }
0x37: {  	[smem:$0x3FB9] =	sst s10  }
0x38: {  	s10 =	sld [smem:$0x3FBA]  }
0x39: {  	_ = 	snop;
	(pc) =	sbr.ind lr, $3  }
0x3a: {  	_ = 	snop  }
0x3b: {  	_ = 	snop  }
0x3c: {  	p2 =	seq.s32 s10, $0x1;
	s10 =	sld [smem:$0x3FB9]  }
0x3d: {  	_ =	shalt  }
0x3e: {  	_ =	shalt  }
0x3f: {  	_ =	shalt  }
0x40: {  	_ =	shalt  }
0x41: {  	_ =	shalt  }
0x42: {  	_ =	shalt  }
0x43: {  	_ =	shalt  }
0x44: {  	_ =	shalt  }
0x45: {  	_ =	shalt  }
0x46: {  	_ =	shalt  }
0x47: {  	_ =	shalt  }
0x48: {  	_ =	shalt  }
0x49: {  	_ =	shalt  }
0x4a: {  	_ =	shalt  }
0x4b: {  	_ =	shalt  }
0x4c: {  	_ =	shalt  }
0x4d: {  	_ =	shalt  }
0x4e: {  	_ =	shalt  }
0x4f: {  	_ =	shalt  }
0x50: {  	_ =	shalt  }
0x51: {  	_ =	shalt  }
0x52: {  	_ =	shalt  }
0x53: {  	_ =	shalt  }
0x54: {  	_ =	shalt  }
0x55: {  	_ =	shalt  }
0x56: {  	_ =	shalt  }
0x57: {  	_ =	shalt  }
0x58: {  	_ =	shalt  }
0x59: {  	_ =	shalt  }
0x5a: {  	_ =	shalt  }
0x5b: {  	_ =	shalt  }
0x5c: {  	_ =	shalt  }
0x5d: {  	_ =	shalt  }
0x5e: {  	_ =	shalt  }
0x5f: {  	_ =	shalt  }
0x60: {  	_ =	shalt  }
0x61: {  	_ =	shalt  }
0x62: {  	_ =	shalt  }
0x63: {  	_ =	shalt  }
0x64: {  	_ =	shalt  }
0x65: {  	_ =	shalt  }
0x66: {  	_ =	shalt  }
0x67: {  	_ =	shalt  }
0x68: {  	_ =	shalt  }
0x69: {  	_ =	shalt  }
0x6a: {  	_ =	shalt  }
0x6b: {  	_ =	shalt  }
0x6c: {  	_ =	shalt  }
0x6d: {  	_ =	shalt  }
0x6e: {  	_ =	shalt  }
0x6f: {  	_ =	shalt  }
0x70: {  	_ =	shalt  }
0x71: {  	_ =	shalt  }
0x72: {  	_ =	shalt  }
0x73: {  	_ =	shalt  }
0x74: {  	_ =	shalt  }
0x75: {  	_ =	shalt  }
0x76: {  	_ =	shalt  }
0x77: {  	_ =	shalt  }
0x78: {  	_ =	shalt  }
0x79: {  	_ =	shalt  }
0x7a: {  	_ =	shalt  }
0x7b: {  	_ =	shalt  }
0x7c: {  	_ =	shalt  }
0x7d: {  	_ =	shalt  }
0x7e: {  	_ =	shalt  }
0x7f: {  	_ =	shalt  }
0x80: {  	_ =	shalt  }
0x81: {  	_ =	shalt  }
0x82: {  	_ =	shalt  }
0x83: {  	_ =	shalt  }
0x84: {  	_ =	shalt  }
0x85: {  	_ =	shalt  }
0x86: {  	_ =	shalt  }
0x87: {  	_ =	shalt  }
.Lfunc_end0:
.L_simem_size_0:
called_computation_lowered:
.L_overlay_start_0:
0x88: {  	s2 =	sld [smem:$0x3FD9]  }
0x89: {  	s3 =	sld [smem:$0x3FFE];
	_ =	sdelay $0x1  }
0x8a: {  	s1 =	srdreg.scid  }
0x8b: {  	s0 =	sand.u32 $0x1, s1  }
0x8c: {  	s14 =	sshll.u32 s0, $0xA;
	s2 =	sadd.s32 s3, s2  }
0x8d: {  	s2 =	sadd.s32 s2, s14  }
0x8e: {  	[smem:$0x3FC5] =	sst s2  }
0x8f: {  	_ = 	snop  }
0x90: {  	s2 =	sld [smem:$0x3FD0];
	_ =	sdelay $0x2  }
0x91: {  	s15 =	simm.s32 $0xA;
	s4 =	simm.s32 $0x10  }
0x92: {  	[smem:s4], [sflag:s15] =	dma.local [hbm:s2], $0x1  }
0x93: {  	_ =	swait.eq [sflag:s15], $0x1  }
0x94: {  	[sflag:s15] =	ssyncset.done $0x0  }
0x95: {  	s16 =	sld [smem:$0x10];
	[sflag:s15] =	ssyncadd.s32 $0xFFFFFFFF  }
0x96: {  	s17 =	sld [smem:$0x11];
	(tm) =	ssettm $0x1  }
0x97: {  	s18 =	sld [smem:$0x3FFB];
	_ =	sdelay $0x3  }
0x98: {  	_ =	strace s18  }
0x99: {  	s4 =	sld [smem:$0x3FFC];
	_ =	sdelay $0x3  }
0x9a: {  	_ =	strace s4  }
0x9b: {  	s4 =	sld [smem:$0x3FFD];
	_ =	sdelay $0x3  }
0x9c: {  	_ =	strace s4  }
0x9d: {  	_ =	strace $0x8FFFFFFF  }
0x9e: {  	s19 =	sld [smem:$0x3FDB];
	_ =	sdelay $0x1  }
0x9f: {  	s5 =	simm.s32 $_scs_section_size  }
0xa0: {  	s6 =	simm.s32 $_size__tile_overlayer_lowered;
	s7 =	simm.s32 $_tile_overlayer_lowered  }
0xa1: {  	s22 =	simm.s32 $0x1BFF;
	s21 =	sshll.u32 s7, $0x1;
	s4 =	sadd.s32 s5, s19  }
0xa2: {  	s8 =	simm.s32 $0x0;
	s20 =	sshll.u32 s6, $0x1;
	s6 =	sadd.s32 s21, s4  }
0xa3: {  	[timem:s8], [sflag:s22] =	dma.local [hbm:s6], s20  }
0xa4: {  	_ =	swait.ge [sflag:s22], s20  }
0xa5: {  	s5 =	ssub.s32 $0x0, s20;
	[sflag:s22] =	ssyncset.done $0x0  }
0xa6: {  	[sflag:s22] =	ssyncadd.s32 s5;
	_ =	sdelay $0x1  }
0xa7: {  	s23 =	simm.s32 $0x1B8B  }
0xa8: {  	_ =	swait.ge [sflag:s23], $0x1  }
0xa9: {  	[sflag:s23] =	ssyncset.done $0x0  }
0xaa: {  	s25 =	simm.s32 $0x1B8E;
	s24 =	sld [smem:$0x3FFE];
	[sflag:s23] =	ssyncadd.s32 $0xFFFFFFFF  }
0xab: {  	s26 =	simm.s32 $execute0_lowered;
	[smem:$0x3FD2] =	sst s25  }
0xac: {  	s6 =	sshll.u32 s26, $0x1;
	_ =	strace $0x80000046;
	[dreg:$0x1] =	wrdreg $0xFFFFFFFF  }
0xad: {  	s28 =	simm.s32 $_size_execute0_lowered;
	s4 =	sadd.s32 s4, s6;
	[dreg:$0x0] =	wrdreg $0x0  }
0xae: {  	s6 =	sshll.u32 s28, $0x1;
	[dreg:$0x2] =	wrdreg s4  }
0xaf: {  	[dreg:$0x3] =	wrdreg s6  }
0xb0: {  	[dreg:$0x4] =	wrdreg $0xC0  }
0xb1: {  	_ =	task [dreg:s8], $0x5FFFF  }
0xb2: {  	[dreg:$0x1] =	wrdreg $0xFFFFFFFF  }
0xb3: {  	[dreg:$0x0] =	wrdreg $0x60  }
0xb4: {  	[dreg:$0x2] =	wrdreg s24  }
0xb5: {  	[dreg:$0x3] =	wrdreg s17  }
0xb6: {  	[dreg:$0x4] =	wrdreg s16  }
0xb7: {  	[dreg:$0x5] =	wrdreg $0x9  }
0xb8: {  	_ =	task.clear_ibuf [dreg:s8], $0x6FFFF;
	_ =	strace $0x90000046  }
0xb9: {  	s29 =	simm.s32 $0x9;
	_ =	strace $0x80000048  }
0xba: {  	_ =	swait.ge [sflag:s29], $0x1  }
0xbb: {  	[sflag:s29] =	ssyncadd.s32 $0xFFFFFFFF  }
0xbc: {  	_ =	strace $0x90000048  }
0xbd: {  	_ =	sfence  }
0xbe: {  	s30 =	sld [smem:$0x0];
	_ =	sdelay $0x2  }
0xbf: {  	s31 =	sshll.u32 s1, $0xD;
	s1 =	sshrl.u32 s1, $0x2  }
0xc0: {  	s3 =	sand.u32 $0x4000, s31;
	s1 =	sadd.s32 s1, s30  }
0xc1: {  	s0 =	sor.u32 s3, s0;
	s1 =	sshll.u32 s1, $0x11  }
0xc2: {  	s0 =	sor.u32 s1, s0  }
0xc3: {  	s0 =	sadd.s32 $0x8F2B, s0  }
0xc4: {  	[sflag:s0] =	ssyncadd.remote.s32 $0x1  }
0xc5: {  	_ =	sfence.sel $0xFFFF  }
0xc6: {  	[dreg:$0x0] =	wrdreg $0xFFFFFFFF;
	(pc) =	sbr.abs _section_cstart, $3  }
0xc7: {  	[dreg:$0x1] =	wrdreg $0xFFFFFFFF  }
0xc8: {  	_ =	task.clear_ibuf [dreg:s8], $0x2FFFF;
	_ =	strace $0x9FFFFFFF  }
0xc9: {  	(tm) =	ssettm $0x7FFFFFFF  }
tec
execute0_lowered:
.L_overlay_start_1:
0x0: {  	(tag) =	ssettag $0x1  }
0x1: {  	s0 =	rddreg [dreg:$0x0]  }
0x2: {  	s1 =	rddreg [dreg:$0x1]  }
0x3: {  	s3 =	rddreg [dreg:$0x2];
	s2 =	simm.s32 $0x0  }
0x4: {  	s4 =	srdreg.scid;
	s5 =	stileid.u32;
	s11 =	simm.s32 $0x1  }
0x5: {  	s18 =	simm.s32 $0x0;
	[smem:$0x7FF] =	sst s2;
	s4 =	sand.u32 $0x1, s4  }
0x6: {  	s5 =	sshll.u32 s5, $0x4;
	s7 =	sadd.s32 $0x2800, s0;
	s28 =	sadd.s32 $0x2A00, s0  }
0x7: {  	_ =	strace $0x80000047;
	s6 =	sshll.u32 s4, $0x3;
	[dreg:$0x5] =	wrdreg s7  }
0x8: {  	s4 =	ssub.s32 $0x2, s4;
	[dreg:$0x6] =	wrdreg s28;
	s5 =	sor.u32 s6, s5  }
0x9: {  	s29 =	sshrl.u32 s4, $0x1;
	s0 =	sadd.s32 s5, s0;
	s1 =	sadd.s32 s1, s5  }
0xa: {  	s4 =	ssub.s32 s4, s29;
	s30 =	sadd.s32 s3, s5;
	[dreg:$0x7] =	wrdreg s1  }
0xb: {  	[dreg:$0x8] =	wrdreg s30;
	s31 =	sadd.s32 $0x2600, s0;
	s8 =	sadd.s32 $0x2C00, s0  }
0xc: {  	v0 =	vlaneseq.u32;
	vm0 =	vcmask $0x300;
	s9 =	sadd.s32 $0x2E00, s0;
	s10 =	smax.u32 s4, $0x1;
	[dreg:$0x9] =	wrdreg s31  }
.LBB2_1:
0xd: {  	s0 =	rddreg [dreg:$0x5]  }
0xe: {  	[tilespmem:s2], [sflag:$0x1] =	stream.linear.gather [hbm4b:s0+s2], $0x800, $0x38;
	[tilespmem:$0x1A80] =	vst v63  }
0xf: {  	_ =	swait.ge [sflag:s11], $0x800  }
0x10: {  	[sflag:s11] =	ssyncset.done $0x0  }
0x11: {  	s1 =	simm.s32 $0x800;
	s24 =	rddreg [dreg:$0x6];
	[sflag:s11] =	ssyncadd.s32 $0xFFFFF800  }
0x12: {  	[tilespmem:s1], [sflag:$0x1] =	stream.linear.gather [hbm4b:s24+s2], $0x800, $0x38;
	[tilespmem:$0x1A80] =	vst v63  }
0x13: {  	_ =	swait.ge [sflag:s11], $0x800  }
0x14: {  	[sflag:s11] =	ssyncset.done $0x0  }
0x15: {  	s26 =	simm.s32 $0x1000;
	s25 =	rddreg [dreg:$0x7];
	[sflag:s11] =	ssyncadd.s32 $0xFFFFF800  }
0x16: {  	[tilespmem:s26], [sflag:$0x1] =	stream.linear.gather [hbm4b:s25+s2], $0x50, $0x38;
	[tilespmem:$0x1A80] =	vst v63  }
0x17: {  	_ =	swait.ge [sflag:s11], $0x50  }
0x18: {  	[sflag:s11] =	ssyncset.done $0x0  }
0x19: {  	s29 =	simm.s32 $0x1080;
	s28 =	rddreg [dreg:$0x8];
	[sflag:s11] =	ssyncadd.s32 $0xFFFFFFB0  }
0x1a: {  	[tilespmem:s29], [sflag:$0x1] =	stream.linear.gather [hbm4b:s28+s2], $0x50, $0x38;
	[tilespmem:$0x1A80] =	vst v63  }
0x1b: {  	_ =	swait.ge [sflag:s11], $0x50  }
0x1c: {  	[sflag:s11] =	ssyncset.done $0x0  }
0x1d: {  	s31 =	simm.s32 $0x1100;
	s30 =	rddreg [dreg:$0x9];
	[sflag:s11] =	ssyncadd.s32 $0xFFFFFFB0  }
0x1e: {  	[tilespmem:s31], [sflag:$0x1] =	stream.linear.gather [hbm4b:s30+s2], $0x50, $0x38;
	[tilespmem:$0x1A80] =	vst v63  }
0x1f: {  	_ =	swait.ge [sflag:s11], $0x50  }
0x20: {  	[sflag:s11] =	ssyncset.done $0x0  }
0x21: {  	s19 =	simm.s32 $0x0;
	[sflag:s11] =	ssyncadd.s32 $0xFFFFFFB0  }
.LBB2_2:
0x22: {  	v1 =	vld [tilespmem:s19+$0x1080];
	_ =	sdelay $0x4  }
0x23: {  	v3 =	vadd.f32 $1.192092900e-07, v1;
	_ =	sdelay $0x1  }
0x24: {  	(erf) = vrcp.f32 v3;
	_ =	sdelay $0x8  }
0x25: {  	v1 =	vpop (erf)  }
0x26: {  	(v2sf) =	vpush v1, $0x0;
	_ =	sdelay $0xa  }
0x27: {  	v2 =	vld.msk [tilespmem:s19+$0x1000 ss:$0x0], $0xffff;
	s0 =	simm.s32 $0x0  }
0x28: {  	v1 =	vld [tilespmem:s0+$0x0];
	_ =	sdelay $0x1  }
0x29: {  	s21 =	simm.s32 $0x10  }
0x2a: {  	v4 =	vld [tilespmem:s21+$0x0];
	s20 =	spop (v2sf)  }
0x2b: {  	s1 =	smul.f32 $-5.000000000e-01, s20  }
0x2c: {  	v1 =	vsub.f32 v1, v2  }
0x2d: {  	v5 =	vld [tilespmem:s0+$0x800];
	s1 =	smul.f32 s1, s20  }
0x2e: {  	v7 =	vmul.f32 v1, v1  }
0x2f: {  	v4 =	vsub.f32 v4, v2;
	v1 =	vmov s1  }
0x30: {  	v6 =	vld [tilespmem:s21+$0x800];
	v7 =	vmul.f32 v7, v1  }
0x31: {  	s22 =	simm.s32 $0x20;
	v4 =	vmul.f32 v4, v4  }
0x32: {  	v8 =	vld [tilespmem:s22+$0x0];
	v5 =	vadd.f32 v7, v5  }
0x33: {  	v4 =	vmul.f32 v4, v1  }
0x34: {  	v5 =	vmul.f32 $1.442695020e+00, v5  }
0x35: {  	v6 =	vadd.f32 v4, v6  }
0x36: {  	(erf) = vpow2.f32 v5  }
0x37: {  	s1 =	simm.s32 $0x30;
	v7 =	vsub.f32 v8, v2;
	v10 =	vmul.f32 $1.442695020e+00, v6  }
0x38: {  	v8 =	vld [tilespmem:s1+$0x0]  }
0x39: {  	v9 =	vmul.f32 v7, v7;
	v7 =	vld [tilespmem:s22+$0x800];
	(erf) = vpow2.f32 v10;
	_ =	sdelay $0x1  }
0x3a: {  	s15 =	simm.s32 $0x100;
	s3 =	simm.s32 $0x30  }
0x3b: {  	s13 =	simm.s32 $0x0;
	s14 =	simm.s32 $0x10;
	s12 =	simm.s32 $0x20;
	v4 =	vld [tilespmem:s19+$0x1100];
	v6 =	vimm.f32 $0.0e+00;
	v9 =	vmul.f32 v9, v1;
	v5 =	vimm.f32 $0.0e+00  }
.LBB2_3:
0x3c: {  	p0 =	sne.s32 s15, $0x3C0  }
.Ltmp0:
0x3d: {  	s4 =	sshra.s32 s15, $0x2;
	s15 =	sadd.s32 $0x40, s15;
	v10 =	vsub.f32 v8, v2;
	v9 =	vadd.f32 v9, v7;
	v7 =	vld [tilespmem:s3+$0x800];
	(pc) =	sbr.rel @p0 .LBB2_3-.Ltmp0, $4  }
0x3e: {  	v8 =	vld [tilespmem:s4+$0x0];
	v11 =	vpop (erf)  }
0x3f: {  	v10 =	vmul.f32 v10, v10;
	v12 =	vmul.f32 $1.442695020e+00, v9;
	[tilespmem:s13+$0x1180] =	vst v11;
	v5 =	vadd.f32 v11, v5;
	s13 =	smov.u32 s14;
	s14 =	smov.u32 s12;
	s12 =	smov.u32 s3  }
0x40: {  	s3 =	smov.u32 s4  }
0x41: {  	v9 =	vmul.f32 v10, v1;
	(erf) = vpow2.f32 v12  }
0x42: {  	_ = 	snop  }
0x43: {  	v8 =	vsub.f32 v8, v2  }
0x44: {  	v10 =	vld [tilespmem:s3+$0x800]  }
0x45: {  	v8 =	vmul.f32 v8, v8;
	_ =	sdelay $0x1  }
0x46: {  	v8 =	vmul.f32 v8, v1  }
0x47: {  	v7 =	vadd.f32 v9, v7  }
0x48: {  	v8 =	vadd.f32 v8, v10  }
0x49: {  	v7 =	vmul.f32 $1.442695020e+00, v7  }
0x4a: {  	v8 =	vmul.f32 $1.442695020e+00, v8  }
0x4b: {  	(erf) = vpow2.f32 v7  }
0x4c: {  	(erf) = vpow2.f32 v8;
	_ =	sdelay $0x5  }
0x4d: {  	v7 =	vpop (erf)  }
0x4e: {  	[tilespmem:s13+$0x1180] =	vst v7;
	v8 =	vpop (erf)  }
0x4f: {  	[tilespmem:s14+$0x1180] =	vst v8;
	v9 =	vpop (erf)  }
0x50: {  	[tilespmem:s12+$0x1180] =	vst v9;
	v10 =	vpop (erf)  }
0x51: {  	[tilespmem:s3+$0x1180] =	vst v10  }
0x52: {  	v11 =	vld [tilespmem:s0+$0x100];
	_ =	sdelay $0x2  }
0x53: {  	v12 =	vld [tilespmem:s21+$0x100];
	_ =	sdelay $0x1  }
0x54: {  	v11 =	vsub.f32 v11, v2  }
0x55: {  	v13 =	vld [tilespmem:s0+$0x900]  }
0x56: {  	v11 =	vmul.f32 v11, v11  }
0x57: {  	v14 =	vld [tilespmem:s21+$0x900];
	v12 =	vsub.f32 v12, v2  }
0x58: {  	v5 =	vadd.f32 v7, v5;
	v15 =	vld [tilespmem:s22+$0x100];
	v7 =	vmul.f32 v11, v1  }
0x59: {  	v12 =	vmul.f32 v12, v12  }
0x5a: {  	v7 =	vadd.f32 v7, v13  }
0x5b: {  	v11 =	vmul.f32 v12, v1  }
0x5c: {  	v5 =	vadd.f32 v8, v5;
	v7 =	vmul.f32 $1.442695020e+00, v7  }
0x5d: {  	v8 =	vadd.f32 v11, v14;
	v11 =	vsub.f32 v15, v2  }
0x5e: {  	(erf) = vpow2.f32 v7  }
0x5f: {  	v5 =	vadd.f32 v9, v5;
	v9 =	vmul.f32 v11, v11;
	v11 =	vmul.f32 $1.442695020e+00, v8  }
0x60: {  	v8 =	vld [tilespmem:s1+$0x100]  }
0x61: {  	v7 =	vld [tilespmem:s22+$0x900];
	(erf) = vpow2.f32 v11;
	_ =	sdelay $0x2  }
0x62: {  	v5 =	vadd.f32 v10, v5;
	s3 =	simm.s32 $0x100;
	v9 =	vmul.f32 v9, v1  }
.LBB2_5:
0x63: {  	p0 =	sne.s32 s3, $0x3C0  }
.Ltmp1:
0x64: {  	s4 =	sshra.s32 s3, $0x2;
	s3 =	sadd.s32 $0x40, s3;
	v10 =	vsub.f32 v8, v2;
	v9 =	vadd.f32 v9, v7;
	v7 =	vld [tilespmem:s1+$0x900];
	(pc) =	sbr.rel @p0 .LBB2_5-.Ltmp1, $4  }
0x65: {  	v8 =	vld [tilespmem:s4+$0x100];
	v11 =	vpop (erf)  }
0x66: {  	v10 =	vmul.f32 v10, v10;
	v12 =	vmul.f32 $1.442695020e+00, v9;
	[tilespmem:s0+$0x1280] =	vst v11;
	v6 =	vadd.f32 v11, v6;
	s0 =	smov.u32 s21;
	s21 =	smov.u32 s22  }
0x67: {  	s22 =	smov.u32 s1;
	s1 =	smov.u32 s4  }
0x68: {  	v9 =	vmul.f32 v10, v1;
	(erf) = vpow2.f32 v12  }
0x69: {  	_ = 	snop  }
0x6a: {  	v8 =	vsub.f32 v8, v2  }
0x6b: {  	v10 =	vld [tilespmem:s1+$0x900]  }
0x6c: {  	v8 =	vmul.f32 v8, v8;
	_ =	sdelay $0x1  }
0x6d: {  	v8 =	vmul.f32 v8, v1  }
0x6e: {  	v7 =	vadd.f32 v9, v7  }
0x6f: {  	v8 =	vadd.f32 v8, v10  }
0x70: {  	v7 =	vmul.f32 $1.442695020e+00, v7  }
0x71: {  	v8 =	vmul.f32 $1.442695020e+00, v8  }
0x72: {  	(erf) = vpow2.f32 v7  }
0x73: {  	(erf) = vpow2.f32 v8;
	_ =	sdelay $0x5  }
0x74: {  	v7 =	vpop (erf)  }
0x75: {  	[tilespmem:s0+$0x1280] =	vst v7;
	v8 =	vpop (erf)  }
0x76: {  	[tilespmem:s21+$0x1280] =	vst v8;
	v9 =	vpop (erf)  }
0x77: {  	[tilespmem:s22+$0x1280] =	vst v9;
	v10 =	vpop (erf)  }
0x78: {  	s0 =	simm.s32 $0x0;
	[tilespmem:s1+$0x1280] =	vst v10  }
0x79: {  	v11 =	vld [tilespmem:s0+$0x200];
	_ =	sdelay $0x1  }
0x7a: {  	s21 =	simm.s32 $0x10  }
0x7b: {  	v12 =	vld [tilespmem:s21+$0x200];
	_ =	sdelay $0x1  }
0x7c: {  	v11 =	vsub.f32 v11, v2  }
0x7d: {  	v13 =	vld [tilespmem:s0+$0xA00]  }
0x7e: {  	v11 =	vmul.f32 v11, v11  }
0x7f: {  	v12 =	vsub.f32 v12, v2  }
0x80: {  	v6 =	vadd.f32 v7, v6;
	v14 =	vld [tilespmem:s21+$0xA00];
	v7 =	vmul.f32 v11, v1  }
0x81: {  	v12 =	vmul.f32 v12, v12  }
0x82: {  	s22 =	simm.s32 $0x20;
	v7 =	vadd.f32 v7, v13  }
0x83: {  	v15 =	vld [tilespmem:s22+$0x200];
	v11 =	vmul.f32 v12, v1  }
0x84: {  	v7 =	vmul.f32 $1.442695020e+00, v7  }
0x85: {  	v6 =	vadd.f32 v8, v6;
	v8 =	vadd.f32 v11, v14  }
0x86: {  	(erf) = vpow2.f32 v7  }
0x87: {  	v6 =	vadd.f32 v9, v6;
	v63 =	vmul.f32 $1.442695020e+00, v8  }
0x88: {  	s1 =	simm.s32 $0x30;
	v9 =	vld [tilespmem:s22+$0xA00];
	v11 =	vsub.f32 v15, v2  }
0x89: {  	v6 =	vadd.f32 v10, v6;
	v10 =	vld [tilespmem:s1+$0x200];
	(erf) = vpow2.f32 v63  }
0x8a: {  	v11 =	vmul.f32 v11, v11  }
0x8b: {  	s15 =	simm.s32 $0x100;
	s3 =	simm.s32 $0x30  }
0x8c: {  	s13 =	simm.s32 $0x0;
	s14 =	simm.s32 $0x10;
	s12 =	simm.s32 $0x20;
	v8 =	vimm.f32 $0.0e+00;
	v11 =	vmul.f32 v11, v1;
	v7 =	vimm.f32 $0.0e+00  }
.LBB2_7:
0x8d: {  	p0 =	sne.s32 s15, $0x3C0  }
.Ltmp2:
0x8e: {  	s4 =	sshra.s32 s15, $0x2;
	s15 =	sadd.s32 $0x40, s15;
	v12 =	vsub.f32 v10, v2;
	v11 =	vadd.f32 v11, v9;
	v9 =	vld [tilespmem:s3+$0xA00];
	(pc) =	sbr.rel @p0 .LBB2_7-.Ltmp2, $4  }
0x8f: {  	v10 =	vld [tilespmem:s4+$0x200];
	v13 =	vpop (erf)  }
0x90: {  	v12 =	vmul.f32 v12, v12;
	v14 =	vmul.f32 $1.442695020e+00, v11;
	[tilespmem:s13+$0x1380] =	vst v13;
	v7 =	vadd.f32 v13, v7;
	s13 =	smov.u32 s14;
	s14 =	smov.u32 s12;
	s12 =	smov.u32 s3  }
0x91: {  	s3 =	smov.u32 s4  }
0x92: {  	v11 =	vmul.f32 v12, v1;
	(erf) = vpow2.f32 v14  }
0x93: {  	_ = 	snop  }
0x94: {  	v10 =	vsub.f32 v10, v2  }
0x95: {  	v12 =	vld [tilespmem:s3+$0xA00]  }
0x96: {  	v10 =	vmul.f32 v10, v10;
	_ =	sdelay $0x1  }
0x97: {  	v10 =	vmul.f32 v10, v1  }
0x98: {  	v9 =	vadd.f32 v11, v9  }
0x99: {  	v10 =	vadd.f32 v10, v12  }
0x9a: {  	v9 =	vmul.f32 $1.442695020e+00, v9  }
0x9b: {  	v10 =	vmul.f32 $1.442695020e+00, v10  }
0x9c: {  	(erf) = vpow2.f32 v9  }
0x9d: {  	(erf) = vpow2.f32 v10;
	_ =	sdelay $0x5  }
0x9e: {  	v9 =	vpop (erf)  }
0x9f: {  	[tilespmem:s13+$0x1380] =	vst v9;
	v10 =	vpop (erf)  }
0xa0: {  	[tilespmem:s14+$0x1380] =	vst v10;
	v11 =	vpop (erf)  }
0xa1: {  	[tilespmem:s12+$0x1380] =	vst v11;
	v60 =	vpop (erf)  }
0xa2: {  	[tilespmem:s3+$0x1380] =	vst v60  }
0xa3: {  	v13 =	vld [tilespmem:s0+$0x300];
	_ =	sdelay $0x2  }
0xa4: {  	v14 =	vld [tilespmem:s21+$0x300];
	_ =	sdelay $0x1  }
0xa5: {  	v13 =	vsub.f32 v13, v2  }
0xa6: {  	v15 =	vld [tilespmem:s0+$0xB00]  }
0xa7: {  	v13 =	vmul.f32 v13, v13  }
0xa8: {  	v14 =	vsub.f32 v14, v2  }
0xa9: {  	v7 =	vadd.f32 v9, v7;
	v16 =	vld [tilespmem:s21+$0xB00];
	v9 =	vmul.f32 v13, v1  }
0xaa: {  	v14 =	vmul.f32 v14, v14  }
0xab: {  	v9 =	vadd.f32 v9, v15  }
0xac: {  	v17 =	vld [tilespmem:s22+$0x300];
	v61 =	vmul.f32 v14, v1  }
0xad: {  	v9 =	vmul.f32 $1.442695020e+00, v9  }
0xae: {  	v7 =	vadd.f32 v10, v7;
	v10 =	vadd.f32 v61, v16  }
0xaf: {  	(erf) = vpow2.f32 v9  }
0xb0: {  	v63 =	vmul.f32 $1.442695020e+00, v10  }
0xb1: {  	v62 =	vsub.f32 v17, v2;
	v10 =	vld [tilespmem:s1+$0x300]  }
0xb2: {  	v9 =	vld [tilespmem:s22+$0xB00];
	(erf) = vpow2.f32 v63  }
0xb3: {  	v7 =	vadd.f32 v11, v7;
	v11 =	vmul.f32 v62, v62;
	_ =	sdelay $0x1  }
0xb4: {  	v7 =	vadd.f32 v60, v7;
	s3 =	simm.s32 $0x100;
	v11 =	vmul.f32 v11, v1  }
.LBB2_9:
0xb5: {  	p0 =	sne.s32 s3, $0x3C0  }
.Ltmp3:
0xb6: {  	s4 =	sshra.s32 s3, $0x2;
	s3 =	sadd.s32 $0x40, s3;
	v12 =	vsub.f32 v10, v2;
	v11 =	vadd.f32 v11, v9;
	v9 =	vld [tilespmem:s1+$0xB00];
	(pc) =	sbr.rel @p0 .LBB2_9-.Ltmp3, $4  }
0xb7: {  	v10 =	vld [tilespmem:s4+$0x300];
	v13 =	vpop (erf)  }
0xb8: {  	v12 =	vmul.f32 v12, v12;
	v14 =	vmul.f32 $1.442695020e+00, v11;
	[tilespmem:s0+$0x1480] =	vst v13;
	v8 =	vadd.f32 v13, v8;
	s0 =	smov.u32 s21;
	s21 =	smov.u32 s22  }
0xb9: {  	s22 =	smov.u32 s1;
	s1 =	smov.u32 s4  }
0xba: {  	v11 =	vmul.f32 v12, v1;
	(erf) = vpow2.f32 v14  }
0xbb: {  	_ = 	snop  }
0xbc: {  	v10 =	vsub.f32 v10, v2  }
0xbd: {  	v12 =	vld [tilespmem:s1+$0xB00]  }
0xbe: {  	v10 =	vmul.f32 v10, v10;
	_ =	sdelay $0x1  }
0xbf: {  	v10 =	vmul.f32 v10, v1  }
0xc0: {  	v9 =	vadd.f32 v11, v9  }
0xc1: {  	v10 =	vadd.f32 v10, v12  }
0xc2: {  	v9 =	vmul.f32 $1.442695020e+00, v9  }
0xc3: {  	v10 =	vmul.f32 $1.442695020e+00, v10  }
0xc4: {  	(erf) = vpow2.f32 v9  }
0xc5: {  	(erf) = vpow2.f32 v10;
	_ =	sdelay $0x5  }
0xc6: {  	v9 =	vpop (erf)  }
0xc7: {  	[tilespmem:s0+$0x1480] =	vst v9;
	v10 =	vpop (erf)  }
0xc8: {  	[tilespmem:s21+$0x1480] =	vst v10;
	v11 =	vpop (erf)  }
0xc9: {  	[tilespmem:s22+$0x1480] =	vst v11;
	v12 =	vpop (erf)  }
0xca: {  	s0 =	simm.s32 $0x0;
	[tilespmem:s1+$0x1480] =	vst v12  }
0xcb: {  	v13 =	vld [tilespmem:s0+$0x400];
	_ =	sdelay $0x1  }
0xcc: {  	s21 =	simm.s32 $0x10  }
0xcd: {  	v14 =	vld [tilespmem:s21+$0x400];
	_ =	sdelay $0x1  }
0xce: {  	v13 =	vsub.f32 v13, v2  }
0xcf: {  	v15 =	vld [tilespmem:s0+$0xC00]  }
0xd0: {  	v13 =	vmul.f32 v13, v13  }
0xd1: {  	v14 =	vsub.f32 v14, v2  }
0xd2: {  	v8 =	vadd.f32 v9, v8;
	v16 =	vld [tilespmem:s21+$0xC00];
	v9 =	vmul.f32 v13, v1  }
0xd3: {  	v14 =	vmul.f32 v14, v14  }
0xd4: {  	v8 =	vadd.f32 v10, v8;
	s22 =	simm.s32 $0x20;
	v9 =	vadd.f32 v9, v15  }
0xd5: {  	v17 =	vld [tilespmem:s22+$0x400];
	v13 =	vmul.f32 v14, v1  }
0xd6: {  	v8 =	vadd.f32 v11, v8;
	v11 =	vmul.f32 $1.442695020e+00, v9  }
0xd7: {  	v10 =	vadd.f32 v13, v16  }
0xd8: {  	(erf) = vpow2.f32 v11  }
0xd9: {  	s1 =	simm.s32 $0x30;
	v10 =	vmul.f32 $1.442695020e+00, v10  }
0xda: {  	v8 =	vadd.f32 v12, v8;
	v12 =	vld [tilespmem:s1+$0x400];
	v13 =	vsub.f32 v17, v2  }
0xdb: {  	v11 =	vld [tilespmem:s22+$0xC00];
	(erf) = vpow2.f32 v10  }
0xdc: {  	v13 =	vmul.f32 v13, v13  }
0xdd: {  	s15 =	simm.s32 $0x100;
	s3 =	simm.s32 $0x30  }
0xde: {  	s13 =	simm.s32 $0x0;
	s14 =	simm.s32 $0x10;
	s12 =	simm.s32 $0x20;
	v9 =	vimm.f32 $0.0e+00;
	v13 =	vmul.f32 v13, v1;
	v10 =	vimm.f32 $0.0e+00  }
.LBB2_11:
0xdf: {  	p0 =	sne.s32 s15, $0x3C0  }
.Ltmp4:
0xe0: {  	s4 =	sshra.s32 s15, $0x2;
	s15 =	sadd.s32 $0x40, s15;
	v14 =	vsub.f32 v12, v2;
	v13 =	vadd.f32 v13, v11;
	v11 =	vld [tilespmem:s3+$0xC00];
	(pc) =	sbr.rel @p0 .LBB2_11-.Ltmp4, $4  }
0xe1: {  	v12 =	vld [tilespmem:s4+$0x400];
	v15 =	vpop (erf)  }
0xe2: {  	v14 =	vmul.f32 v14, v14;
	v16 =	vmul.f32 $1.442695020e+00, v13;
	[tilespmem:s13+$0x1580] =	vst v15;
	v10 =	vadd.f32 v15, v10;
	s13 =	smov.u32 s14;
	s14 =	smov.u32 s12;
	s12 =	smov.u32 s3  }
0xe3: {  	s3 =	smov.u32 s4  }
0xe4: {  	v13 =	vmul.f32 v14, v1;
	(erf) = vpow2.f32 v16  }
0xe5: {  	_ = 	snop  }
0xe6: {  	v12 =	vsub.f32 v12, v2  }
0xe7: {  	v14 =	vld [tilespmem:s3+$0xC00]  }
0xe8: {  	v12 =	vmul.f32 v12, v12;
	_ =	sdelay $0x1  }
0xe9: {  	v12 =	vmul.f32 v12, v1  }
0xea: {  	v11 =	vadd.f32 v13, v11  }
0xeb: {  	v12 =	vadd.f32 v12, v14  }
0xec: {  	v11 =	vmul.f32 $1.442695020e+00, v11  }
0xed: {  	v12 =	vmul.f32 $1.442695020e+00, v12  }
0xee: {  	(erf) = vpow2.f32 v11  }
0xef: {  	(erf) = vpow2.f32 v12;
	_ =	sdelay $0x5  }
0xf0: {  	v11 =	vpop (erf)  }
0xf1: {  	[tilespmem:s13+$0x1580] =	vst v11;
	v12 =	vpop (erf)  }
0xf2: {  	[tilespmem:s14+$0x1580] =	vst v12;
	v13 =	vpop (erf)  }
0xf3: {  	[tilespmem:s12+$0x1580] =	vst v13;
	v14 =	vpop (erf)  }
0xf4: {  	[tilespmem:s3+$0x1580] =	vst v14  }
0xf5: {  	v15 =	vld [tilespmem:s0+$0x500];
	_ =	sdelay $0x2  }
0xf6: {  	v16 =	vld [tilespmem:s21+$0x500];
	_ =	sdelay $0x1  }
0xf7: {  	v15 =	vsub.f32 v15, v2  }
0xf8: {  	v17 =	vld [tilespmem:s0+$0xD00]  }
0xf9: {  	v15 =	vmul.f32 v15, v15  }
0xfa: {  	v18 =	vld [tilespmem:s21+$0xD00];
	v16 =	vsub.f32 v16, v2  }
0xfb: {  	v10 =	vadd.f32 v11, v10;
	v19 =	vld [tilespmem:s22+$0x500];
	v11 =	vmul.f32 v15, v1  }
0xfc: {  	v16 =	vmul.f32 v16, v16  }
0xfd: {  	v11 =	vadd.f32 v11, v17  }
0xfe: {  	v15 =	vmul.f32 v16, v1  }
0xff: {  	v10 =	vadd.f32 v12, v10;
	v11 =	vmul.f32 $1.442695020e+00, v11  }
0x100: {  	v12 =	vadd.f32 v15, v18;
	v15 =	vsub.f32 v19, v2  }
0x101: {  	(erf) = vpow2.f32 v11  }
0x102: {  	v10 =	vadd.f32 v13, v10;
	v13 =	vmul.f32 v15, v15;
	v15 =	vmul.f32 $1.442695020e+00, v12  }
0x103: {  	v12 =	vld [tilespmem:s1+$0x500]  }
0x104: {  	v11 =	vld [tilespmem:s22+$0xD00];
	(erf) = vpow2.f32 v15;
	_ =	sdelay $0x2  }
0x105: {  	v10 =	vadd.f32 v14, v10;
	s3 =	simm.s32 $0x100;
	v13 =	vmul.f32 v13, v1  }
.LBB2_13:
0x106: {  	p0 =	sne.s32 s3, $0x3C0  }
.Ltmp5:
0x107: {  	s4 =	sshra.s32 s3, $0x2;
	s3 =	sadd.s32 $0x40, s3;
	v14 =	vsub.f32 v12, v2;
	v13 =	vadd.f32 v13, v11;
	v11 =	vld [tilespmem:s1+$0xD00];
	(pc) =	sbr.rel @p0 .LBB2_13-.Ltmp5, $4  }
0x108: {  	v12 =	vld [tilespmem:s4+$0x500];
	v15 =	vpop (erf)  }
0x109: {  	v14 =	vmul.f32 v14, v14;
	v16 =	vmul.f32 $1.442695020e+00, v13;
	[tilespmem:s0+$0x1680] =	vst v15;
	v9 =	vadd.f32 v15, v9;
	s0 =	smov.u32 s21;
	s21 =	smov.u32 s22  }
0x10a: {  	s22 =	smov.u32 s1;
	s1 =	smov.u32 s4  }
0x10b: {  	v13 =	vmul.f32 v14, v1;
	(erf) = vpow2.f32 v16  }
0x10c: {  	_ = 	snop  }
0x10d: {  	v12 =	vsub.f32 v12, v2  }
0x10e: {  	v14 =	vld [tilespmem:s1+$0xD00]  }
0x10f: {  	v12 =	vmul.f32 v12, v12;
	_ =	sdelay $0x1  }
0x110: {  	v12 =	vmul.f32 v12, v1  }
0x111: {  	v11 =	vadd.f32 v13, v11  }
0x112: {  	v12 =	vadd.f32 v12, v14  }
0x113: {  	v11 =	vmul.f32 $1.442695020e+00, v11  }
0x114: {  	v12 =	vmul.f32 $1.442695020e+00, v12  }
0x115: {  	(erf) = vpow2.f32 v11  }
0x116: {  	(erf) = vpow2.f32 v12;
	_ =	sdelay $0x5  }
0x117: {  	v11 =	vpop (erf)  }
0x118: {  	[tilespmem:s0+$0x1680] =	vst v11;
	v12 =	vpop (erf)  }
0x119: {  	[tilespmem:s21+$0x1680] =	vst v12;
	v13 =	vpop (erf)  }
0x11a: {  	[tilespmem:s22+$0x1680] =	vst v13;
	v14 =	vpop (erf)  }
0x11b: {  	s22 =	simm.s32 $0x0;
	[tilespmem:s1+$0x1680] =	vst v14  }
0x11c: {  	v15 =	vld [tilespmem:s22+$0x600];
	_ =	sdelay $0x1  }
0x11d: {  	s21 =	simm.s32 $0x10  }
0x11e: {  	v16 =	vld [tilespmem:s21+$0x600];
	_ =	sdelay $0x1  }
0x11f: {  	v15 =	vsub.f32 v15, v2  }
0x120: {  	v17 =	vld [tilespmem:s22+$0xE00]  }
0x121: {  	v15 =	vmul.f32 v15, v15  }
0x122: {  	v16 =	vsub.f32 v16, v2  }
0x123: {  	v9 =	vadd.f32 v11, v9;
	v18 =	vld [tilespmem:s21+$0xE00];
	v11 =	vmul.f32 v15, v1  }
0x124: {  	v16 =	vmul.f32 v16, v16  }
0x125: {  	s23 =	simm.s32 $0x20;
	v11 =	vadd.f32 v11, v17  }
0x126: {  	v19 =	vld [tilespmem:s23+$0x600];
	v15 =	vmul.f32 v16, v1  }
0x127: {  	v9 =	vadd.f32 v12, v9;
	v16 =	vmul.f32 $1.442695020e+00, v11  }
0x128: {  	v12 =	vadd.f32 v15, v18  }
0x129: {  	v13 =	vadd.f32 v13, v9;
	(erf) = vpow2.f32 v16  }
0x12a: {  	v12 =	vmul.f32 $1.442695020e+00, v12  }
0x12b: {  	s24 =	simm.s32 $0x30;
	v15 =	vsub.f32 v19, v2;
	v11 =	vadd.f32 v14, v13;
	v13 =	vld [tilespmem:s23+$0xE00]  }
0x12c: {  	v14 =	vld [tilespmem:s24+$0x600];
	(erf) = vpow2.f32 v12  }
0x12d: {  	v15 =	vmul.f32 v15, v15  }
0x12e: {  	s13 =	simm.s32 $0x100;
	s3 =	simm.s32 $0x0  }
0x12f: {  	s12 =	simm.s32 $0x10;
	s0 =	simm.s32 $0x30;
	v9 =	vimm.f32 $0.0e+00;
	s1 =	simm.s32 $0x20;
	v15 =	vmul.f32 v15, v1;
	v12 =	vimm.f32 $0.0e+00  }
.LBB2_15:
0x130: {  	p0 =	sne.s32 s13, $0x3C0  }
.Ltmp6:
0x131: {  	s4 =	sshra.s32 s13, $0x2;
	s13 =	sadd.s32 $0x40, s13;
	v16 =	vsub.f32 v14, v2;
	v15 =	vadd.f32 v15, v13;
	v13 =	vld [tilespmem:s0+$0xE00];
	(pc) =	sbr.rel @p0 .LBB2_15-.Ltmp6, $4  }
0x132: {  	v14 =	vld [tilespmem:s4+$0x600];
	v17 =	vpop (erf)  }
0x133: {  	v16 =	vmul.f32 v16, v16;
	v18 =	vmul.f32 $1.442695020e+00, v15;
	[tilespmem:s3+$0x1780] =	vst v17;
	v12 =	vadd.f32 v17, v12;
	s3 =	smov.u32 s12;
	s12 =	smov.u32 s1;
	s1 =	smov.u32 s0  }
0x134: {  	s0 =	smov.u32 s4  }
0x135: {  	v15 =	vmul.f32 v16, v1;
	(erf) = vpow2.f32 v18  }
0x136: {  	_ = 	snop  }
0x137: {  	v14 =	vsub.f32 v14, v2  }
0x138: {  	v16 =	vld [tilespmem:s0+$0xE00]  }
0x139: {  	v14 =	vmul.f32 v14, v14;
	_ =	sdelay $0x1  }
0x13a: {  	v14 =	vmul.f32 v14, v1  }
0x13b: {  	v13 =	vadd.f32 v15, v13  }
0x13c: {  	v14 =	vadd.f32 v14, v16  }
0x13d: {  	v13 =	vmul.f32 $1.442695020e+00, v13  }
0x13e: {  	v14 =	vmul.f32 $1.442695020e+00, v14  }
0x13f: {  	(erf) = vpow2.f32 v13  }
0x140: {  	(erf) = vpow2.f32 v14;
	_ =	sdelay $0x5  }
0x141: {  	v13 =	vpop (erf)  }
0x142: {  	[tilespmem:s3+$0x1780] =	vst v13;
	v14 =	vpop (erf)  }
0x143: {  	[tilespmem:s12+$0x1780] =	vst v14;
	v15 =	vpop (erf)  }
0x144: {  	[tilespmem:s1+$0x1780] =	vst v15;
	v16 =	vpop (erf)  }
0x145: {  	[tilespmem:s0+$0x1780] =	vst v16  }
0x146: {  	v17 =	vld [tilespmem:s22+$0x700];
	_ =	sdelay $0x2  }
0x147: {  	v18 =	vld [tilespmem:s21+$0x700];
	_ =	sdelay $0x1  }
0x148: {  	v17 =	vsub.f32 v17, v2  }
0x149: {  	v19 =	vld [tilespmem:s22+$0xF00]  }
0x14a: {  	v17 =	vmul.f32 v17, v17  }
0x14b: {  	v18 =	vsub.f32 v18, v2  }
0x14c: {  	v12 =	vadd.f32 v13, v12;
	v20 =	vld [tilespmem:s21+$0xF00];
	v13 =	vmul.f32 v17, v1  }
0x14d: {  	v18 =	vmul.f32 v18, v18  }
0x14e: {  	v13 =	vadd.f32 v13, v19  }
0x14f: {  	v21 =	vld [tilespmem:s23+$0x700];
	v17 =	vmul.f32 v18, v1  }
0x150: {  	v13 =	vmul.f32 $1.442695020e+00, v13  }
0x151: {  	v12 =	vadd.f32 v14, v12;
	v14 =	vadd.f32 v17, v20  }
0x152: {  	(erf) = vpow2.f32 v13  }
0x153: {  	v63 =	vmul.f32 $1.442695020e+00, v14  }
0x154: {  	v12 =	vadd.f32 v15, v12;
	v15 =	vld [tilespmem:s24+$0x700];
	v17 =	vsub.f32 v21, v2  }
0x155: {  	v13 =	vld [tilespmem:s23+$0xF00];
	(erf) = vpow2.f32 v63  }
0x156: {  	v17 =	vmul.f32 v17, v17;
	_ =	sdelay $0x1  }
0x157: {  	v12 =	vadd.f32 v16, v12;
	s0 =	simm.s32 $0x100;
	v14 =	vmul.f32 v17, v1  }
.LBB2_17:
0x158: {  	p0 =	sne.s32 s0, $0x3C0  }
.Ltmp7:
0x159: {  	s1 =	sshra.s32 s0, $0x2;
	s0 =	sadd.s32 $0x40, s0;
	v16 =	vsub.f32 v15, v2;
	v14 =	vadd.f32 v14, v13;
	v13 =	vld [tilespmem:s24+$0xF00];
	(pc) =	sbr.rel @p0 .LBB2_17-.Ltmp7, $4  }
0x15a: {  	v15 =	vld [tilespmem:s1+$0x700];
	v17 =	vpop (erf)  }
0x15b: {  	v16 =	vmul.f32 v16, v16;
	v18 =	vmul.f32 $1.442695020e+00, v14;
	[tilespmem:s22+$0x1880] =	vst v17;
	v9 =	vadd.f32 v17, v9;
	s22 =	smov.u32 s21;
	s21 =	smov.u32 s23;
	s23 =	smov.u32 s24  }
0x15c: {  	s24 =	smov.u32 s1  }
0x15d: {  	v14 =	vmul.f32 v16, v1;
	(erf) = vpow2.f32 v18  }
0x15e: {  	(v2sf) =	vpush v3, $0x0  }
0x15f: {  	(v2sf) =	vpush v4, $0x0  }
0x160: {  	(v2sf) =	vpush v5, $0x0  }
0x161: {  	(v2sf) =	vpush v5, $0x1  }
0x162: {  	(v2sf) =	vpush v5, $0x2  }
0x163: {  	(v2sf) =	vpush v5, $0x3  }
0x164: {  	(v2sf) =	vpush v5, $0x4  }
0x165: {  	(v2sf) =	vpush v5, $0x5  }
0x166: {  	(v2sf) =	vpush v5, $0x6  }
0x167: {  	(v2sf) =	vpush v5, $0x7  }
0x168: {  	(v2sf) =	vpush v5, $0x8  }
0x169: {  	(v2sf) =	vpush v5, $0x9  }
0x16a: {  	(v2sf) =	vpush v5, $0xA  }
0x16b: {  	(v2sf) =	vpush v5, $0xB  }
0x16c: {  	(v2sf) =	vpush v5, $0xC  }
0x16d: {  	s26 =	spop (v2sf);
	(v2sf) =	vpush v5, $0xD  }
0x16e: {  	s28 =	spop (v2sf);
	(v2sf) =	vpush v5, $0xE  }
0x16f: {  	s0 =	spop (v2sf);
	(v2sf) =	vpush v5, $0xF  }
0x170: {  	s1 =	spop (v2sf);
	(v2sf) =	vpush v6, $0x0  }
0x171: {  	s3 =	spop (v2sf);
	(v2sf) =	vpush v6, $0x1  }
0x172: {  	s4 =	spop (v2sf);
	(v2sf) =	vpush v6, $0x2  }
0x173: {  	s5 =	spop (v2sf);
	(v2sf) =	vpush v6, $0x3  }
0x174: {  	s12 =	spop (v2sf);
	(v2sf) =	vpush v6, $0x4  }
0x175: {  	s13 =	spop (v2sf);
	(v2sf) =	vpush v6, $0x5  }
0x176: {  	s14 =	spop (v2sf);
	(v2sf) =	vpush v6, $0x6  }
0x177: {  	s15 =	spop (v2sf);
	(v2sf) =	vpush v6, $0x7  }
0x178: {  	s16 =	spop (v2sf);
	(v2sf) =	vpush v6, $0x8  }
0x179: {  	s17 =	spop (v2sf);
	(v2sf) =	vpush v6, $0x9  }
0x17a: {  	s25 =	spop (v2sf);
	(v2sf) =	vpush v6, $0xA  }
0x17b: {  	s29 =	spop (v2sf);
	(v2sf) =	vpush v6, $0xB  }
0x17c: {  	s0 =	sadd.f32 s1, s0;
	s1 =	spop (v2sf);
	(v2sf) =	vpush v6, $0xC  }
0x17d: {  	s3 =	sadd.f32 s4, s3;
	s4 =	spop (v2sf);
	(v2sf) =	vpush v6, $0xD  }
0x17e: {  	s5 =	sadd.f32 s12, s5;
	s12 =	spop (v2sf);
	(v2sf) =	vpush v6, $0xE  }
0x17f: {  	s13 =	sadd.f32 s14, s13;
	s14 =	spop (v2sf);
	(v2sf) =	vpush v6, $0xF  }
0x180: {  	s0 =	sadd.f32 s3, s0;
	s7 =	spop (v2sf);
	(v2sf) =	vpush v7, $0x0  }
0x181: {  	s5 =	sadd.f32 s13, s5;
	s13 =	spop (v2sf);
	(v2sf) =	vpush v7, $0x1  }
0x182: {  	s15 =	sadd.f32 s16, s15;
	s16 =	spop (v2sf);
	(v2sf) =	vpush v7, $0x2  }
0x183: {  	s17 =	sadd.f32 s25, s17;
	s6 =	spop (v2sf);
	(v2sf) =	vpush v7, $0x3  }
0x184: {  	s1 =	sadd.f32 s1, s29;
	s29 =	spop (v2sf);
	(v2sf) =	vpush v7, $0x4  }
0x185: {  	s4 =	sadd.f32 s12, s4;
	s12 =	spop (v2sf);
	(v2sf) =	vpush v7, $0x5  }
0x186: {  	s15 =	sadd.f32 s17, s15;
	s17 =	spop (v2sf);
	(v2sf) =	vpush v7, $0x6  }
0x187: {  	s1 =	sadd.f32 s4, s1;
	s4 =	spop (v2sf);
	(v2sf) =	vpush v7, $0x7  }
0x188: {  	s0 =	sadd.f32 s5, s0;
	s5 =	spop (v2sf);
	(v2sf) =	vpush v7, $0x8  }
0x189: {  	s1 =	sadd.f32 s1, s15;
	s15 =	spop (v2sf);
	(v2sf) =	vpush v7, $0x9  }
0x18a: {  	s31 =	spop (v2sf);
	(v2sf) =	vpush v7, $0xA  }
0x18b: {  	s30 =	sadd.f32 s1, s0;
	s0 =	spop (v2sf);
	(v2sf) =	vpush v7, $0xB  }
0x18c: {  	s7 =	sadd.f32 s7, s14;
	s3 =	spop (v2sf);
	(v2sf) =	vpush v7, $0xC  }
0x18d: {  	s13 =	sadd.f32 s16, s13;
	s14 =	spop (v2sf);
	(v2sf) =	vpush v7, $0xD  }
0x18e: {  	s25 =	sadd.f32 s29, s6;
	s6 =	spop (v2sf);
	(v2sf) =	vpush v7, $0xE  }
0x18f: {  	s12 =	sadd.f32 s17, s12;
	s17 =	spop (v2sf);
	(v2sf) =	vpush v7, $0xF  }
0x190: {  	s1 =	sadd.f32 s13, s7;
	s7 =	spop (v2sf);
	(v2sf) =	vpush v8, $0x0  }
0x191: {  	s12 =	sadd.f32 s12, s25;
	s16 =	spop (v2sf);
	(v2sf) =	vpush v8, $0x1  }
0x192: {  	s4 =	sadd.f32 s5, s4;
	s5 =	spop (v2sf);
	(v2sf) =	vpush v8, $0x2  }
0x193: {  	s15 =	sadd.f32 s31, s15;
	s29 =	spop (v2sf);
	(v2sf) =	vpush v8, $0x3  }
0x194: {  	s0 =	sadd.f32 s3, s0;
	s3 =	spop (v2sf);
	(v2sf) =	vpush v8, $0x4  }
0x195: {  	s14 =	sadd.f32 s6, s14;
	s25 =	spop (v2sf);
	(v2sf) =	vpush v8, $0x5  }
0x196: {  	s4 =	sadd.f32 s15, s4;
	s6 =	spop (v2sf);
	(v2sf) =	vpush v8, $0x6  }
0x197: {  	s0 =	sadd.f32 s14, s0;
	s14 =	spop (v2sf);
	(v2sf) =	vpush v8, $0x7  }
0x198: {  	s1 =	sadd.f32 s12, s1;
	s12 =	spop (v2sf);
	(v2sf) =	vpush v8, $0x8  }
0x199: {  	s0 =	sadd.f32 s0, s4;
	s4 =	spop (v2sf);
	(v2sf) =	vpush v8, $0x9  }
0x19a: {  	s13 =	sadd.f32 s7, s17;
	s7 =	spop (v2sf);
	(v2sf) =	vpush v8, $0xA  }
0x19b: {  	s5 =	sadd.f32 s5, s16;
	s16 =	spop (v2sf);
	(v2sf) =	vpush v8, $0xB  }
0x19c: {  	s3 =	sadd.f32 s3, s29;
	s29 =	spop (v2sf);
	(v2sf) =	vpush v8, $0xC  }
0x19d: {  	s15 =	sadd.f32 s6, s25;
	s25 =	spop (v2sf);
	(v2sf) =	vpush v8, $0xD  }
0x19e: {  	s5 =	sadd.f32 s5, s13;
	s6 =	spop (v2sf);
	(v2sf) =	vpush v8, $0xE  }
0x19f: {  	s3 =	sadd.f32 s15, s3;
	s15 =	spop (v2sf);
	(v2sf) =	vpush v8, $0xF  }
0x1a0: {  	s12 =	sadd.f32 s12, s14;
	s14 =	spop (v2sf);
	(v2sf) =	vpush v10, $0x0  }
0x1a1: {  	s4 =	sadd.f32 s7, s4;
	s7 =	spop (v2sf);
	(v2sf) =	vpush v10, $0x1  }
0x1a2: {  	s16 =	sadd.f32 s29, s16;
	s29 =	spop (v2sf);
	(v2sf) =	vpush v10, $0x2  }
0x1a3: {  	s13 =	sadd.f32 s6, s25;
	s25 =	spop (v2sf);
	(v2sf) =	vpush v10, $0x3  }
0x1a4: {  	s4 =	sadd.f32 s4, s12;
	s12 =	spop (v2sf);
	(v2sf) =	vpush v10, $0x4  }
0x1a5: {  	s13 =	sadd.f32 s13, s16;
	s16 =	spop (v2sf);
	(v2sf) =	vpush v10, $0x5  }
0x1a6: {  	s3 =	sadd.f32 s3, s5;
	s6 =	spop (v2sf);
	(v2sf) =	vpush v10, $0x6  }
0x1a7: {  	s4 =	sadd.f32 s13, s4;
	s13 =	spop (v2sf);
	(v2sf) =	vpush v10, $0x7  }
0x1a8: {  	s31 =	sadd.f32 s0, s1;
	s1 =	spop (v2sf);
	(v2sf) =	vpush v10, $0x8  }
0x1a9: {  	s0 =	sadd.f32 s4, s3;
	s3 =	spop (v2sf);
	(v2sf) =	vpush v10, $0x9  }
0x1aa: {  	s15 =	sadd.f32 s14, s15;
	s14 =	spop (v2sf);
	(v2sf) =	vpush v10, $0xA  }
0x1ab: {  	s7 =	sadd.f32 s29, s7;
	s17 =	spop (v2sf);
	(v2sf) =	vpush v10, $0xB  }
0x1ac: {  	s12 =	sadd.f32 s12, s25;
	s25 =	spop (v2sf);
	(v2sf) =	vpush v10, $0xC  }
0x1ad: {  	s5 =	sadd.f32 s6, s16;
	s6 =	spop (v2sf);
	(v2sf) =	vpush v10, $0xD  }
0x1ae: {  	s4 =	sadd.f32 s7, s15;
	s7 =	spop (v2sf);
	(v2sf) =	vpush v10, $0xE  }
0x1af: {  	s5 =	sadd.f32 s5, s12;
	s12 =	spop (v2sf);
	(v2sf) =	vpush v10, $0xF  }
0x1b0: {  	s1 =	sadd.f32 s1, s13;
	s13 =	spop (v2sf);
	(v2sf) =	vpush v11, $0x0  }
0x1b1: {  	s3 =	sadd.f32 s14, s3;
	s14 =	spop (v2sf);
	(v2sf) =	vpush v11, $0x1  }
0x1b2: {  	s17 =	sadd.f32 s25, s17;
	s25 =	spop (v2sf);
	(v2sf) =	vpush v11, $0x2  }
0x1b3: {  	s15 =	sadd.f32 s7, s6;
	s16 =	spop (v2sf);
	(v2sf) =	vpush v11, $0x3  }
0x1b4: {  	s1 =	sadd.f32 s3, s1;
	s6 =	spop (v2sf);
	(v2sf) =	vpush v11, $0x4  }
0x1b5: {  	s15 =	sadd.f32 s15, s17;
	s17 =	spop (v2sf);
	(v2sf) =	vpush v11, $0x5  }
0x1b6: {  	s4 =	sadd.f32 s5, s4;
	s7 =	spop (v2sf);
	(v2sf) =	vpush v11, $0x6  }
0x1b7: {  	s1 =	sadd.f32 s15, s1;
	s15 =	spop (v2sf);
	(v2sf) =	vpush v11, $0x7  }
0x1b8: {  	s12 =	sadd.f32 s13, s12;
	s13 =	spop (v2sf);
	(v2sf) =	vpush v11, $0x8  }
0x1b9: {  	s14 =	sadd.f32 s25, s14;
	s25 =	spop (v2sf);
	(v2sf) =	vpush v11, $0x9  }
0x1ba: {  	s3 =	sadd.f32 s6, s16;
	s6 =	spop (v2sf);
	(v2sf) =	vpush v11, $0xA  }
0x1bb: {  	s5 =	sadd.f32 s7, s17;
	s17 =	spop (v2sf);
	(v2sf) =	vpush v11, $0xB  }
0x1bc: {  	v2 =	vsub.f32 v15, v2;
	s12 =	sadd.f32 s14, s12;
	s7 =	spop (v2sf);
	(v2sf) =	vpush v11, $0xC  }
0x1bd: {  	v3 =	vld [tilespmem:s24+$0xF00];
	s3 =	sadd.f32 s5, s3;
	s5 =	spop (v2sf);
	(v2sf) =	vpush v11, $0xD  }
0x1be: {  	v2 =	vmul.f32 v2, v2;
	s13 =	sadd.f32 s13, s15;
	s15 =	spop (v2sf);
	(v2sf) =	vpush v11, $0xE  }
0x1bf: {  	s16 =	sadd.f32 s6, s25;
	s6 =	spop (v2sf);
	(v2sf) =	vpush v11, $0xF  }
0x1c0: {  	v60 =	vadd.f32 v14, v13;
	v1 =	vmul.f32 v2, v1;
	s14 =	sadd.f32 s7, s17;
	s7 =	spop (v2sf);
	(v2sf) =	vpush v12, $0x0  }
0x1c1: {  	s5 =	sadd.f32 s15, s5;
	s15 =	spop (v2sf);
	(v2sf) =	vpush v12, $0x1  }
0x1c2: {  	v2 =	vmul.f32 $1.442695020e+00, v60;
	v1 =	vadd.f32 v1, v3;
	s13 =	sadd.f32 s16, s13;
	s16 =	spop (v2sf);
	(v2sf) =	vpush v12, $0x2  }
0x1c3: {  	s5 =	sadd.f32 s5, s14;
	s14 =	spop (v2sf);
	(v2sf) =	vpush v12, $0x3  }
0x1c4: {  	(erf) = vpow2.f32 v2;
	v1 =	vmul.f32 $1.442695020e+00, v1;
	s3 =	sadd.f32 s3, s12;
	s29 =	spop (v2sf);
	(v2sf) =	vpush v12, $0x4  }
0x1c5: {  	s5 =	sadd.f32 s5, s13;
	s13 =	spop (v2sf);
	(v2sf) =	vpush v12, $0x5  }
0x1c6: {  	(erf) = vpow2.f32 v1;
	s12 =	sadd.f32 s1, s4;
	s4 =	spop (v2sf);
	(v2sf) =	vpush v12, $0x6  }
0x1c7: {  	s1 =	sadd.f32 s5, s3;
	s3 =	spop (v2sf);
	(v2sf) =	vpush v12, $0x7  }
0x1c8: {  	v1 =	vpop (erf);
	s6 =	sadd.f32 s7, s6;
	s7 =	spop (v2sf);
	(v2sf) =	vpush v12, $0x8  }
0x1c9: {  	v3 =	vadd.f32 v1, v9;
	s15 =	sadd.f32 s16, s15;
	s16 =	spop (v2sf);
	(v2sf) =	vpush v12, $0x9  }
0x1ca: {  	s14 =	sadd.f32 s29, s14;
	s25 =	spop (v2sf);
	(v2sf) =	vpush v12, $0xA  }
0x1cb: {  	v2 =	vpop (erf);
	s4 =	sadd.f32 s4, s13;
	s13 =	spop (v2sf)  }
0x1cc: {  	v61 =	vadd.f32 v2, v3;
	s5 =	sadd.f32 s15, s6;
	(v2sf) =	vpush v12, $0xB;
	s6 =	spop (v2sf)  }
0x1cd: {  	v3 =	vpop (erf);
	s4 =	sadd.f32 s4, s14;
	(v2sf) =	vpush v12, $0xC;
	s14 =	spop (v2sf)  }
0x1ce: {  	v62 =	vadd.f32 v3, v61;
	s3 =	sadd.f32 s7, s3;
	(v2sf) =	vpush v12, $0xD;
	s7 =	spop (v2sf)  }
0x1cf: {  	v63 =	vpop (erf);
	s16 =	sadd.f32 s25, s16;
	(v2sf) =	vpush v12, $0xE;
	s25 =	spop (v2sf)  }
0x1d0: {  	v5 =	vadd.f32 v63, v62;
	s13 =	sadd.f32 s6, s13;
	(v2sf) =	vpush v12, $0xF;
	s6 =	spop (v2sf)  }
0x1d1: {  	s14 =	sadd.f32 s7, s14;
	s17 =	spop (v2sf)  }
0x1d2: {  	s3 =	sadd.f32 s16, s3;
	s16 =	spop (v2sf);
	(v2sf) =	vpush v5, $0x0  }
0x1d3: {  	s13 =	sadd.f32 s14, s13;
	s14 =	spop (v2sf);
	(v2sf) =	vpush v5, $0x1  }
0x1d4: {  	s4 =	sadd.f32 s4, s5;
	s7 =	spop (v2sf);
	(v2sf) =	vpush v5, $0x2  }
0x1d5: {  	s3 =	sadd.f32 s13, s3;
	s13 =	spop (v2sf);
	(v2sf) =	vpush v5, $0x3  }
0x1d6: {  	s15 =	sadd.f32 s6, s25;
	s6 =	spop (v2sf);
	(v2sf) =	vpush v5, $0x4  }
0x1d7: {  	s16 =	sadd.f32 s16, s17;
	s17 =	spop (v2sf);
	(v2sf) =	vpush v5, $0x5  }
0x1d8: {  	s5 =	sadd.f32 s7, s14;
	s7 =	spop (v2sf);
	(v2sf) =	vpush v5, $0x6  }
0x1d9: {  	s15 =	sadd.f32 s16, s15;
	s25 =	spop (v2sf);
	(v2sf) =	vpush v5, $0x7  }
0x1da: {  	s13 =	sadd.f32 s6, s13  }
0x1db: {  	s3 =	sadd.f32 s3, s4;
	s6 =	spop (v2sf);
	(v2sf) =	vpush v5, $0x8  }
0x1dc: {  	s5 =	sadd.f32 s13, s5;
	s13 =	spop (v2sf);
	(v2sf) =	vpush v5, $0x9  }
0x1dd: {  	s14 =	sadd.f32 s7, s17;
	s7 =	spop (v2sf);
	(v2sf) =	vpush v5, $0xA  }
0x1de: {  	s16 =	sadd.f32 s6, s25;
	s6 =	spop (v2sf);
	(v2sf) =	vpush v5, $0xB  }
0x1df: {  	s13 =	sadd.f32 s7, s13;
	s7 =	spop (v2sf)  }
0x1e0: {  	(v2sf) =	vpush v5, $0xC;
	s17 =	sadd.f32 s7, s6  }
0x1e1: {  	s14 =	sadd.f32 s16, s14;
	(v2sf) =	vpush v5, $0xD;
	s16 =	spop (v2sf)  }
0x1e2: {  	s13 =	sadd.f32 s17, s13;
	s25 =	spop (v2sf)  }
0x1e3: {  	s5 =	sadd.f32 s5, s15;
	s6 =	spop (v2sf)  }
0x1e4: {  	(v2sf) =	vpush v5, $0xE;
	s13 =	sadd.f32 s13, s14;
	s7 =	spop (v2sf)  }
0x1e5: {  	(v2sf) =	vpush v5, $0xF;
	s15 =	sadd.f32 s25, s16;
	s17 =	spop (v2sf)  }
0x1e6: {  	s5 =	sadd.f32 s13, s5;
	s25 =	spop (v2sf)  }
0x1e7: {  	s4 =	sadd.f32 s7, s6;
	s6 =	spop (v2sf)  }
0x1e8: {  	s13 =	sadd.f32 s25, s17;
	s7 =	spop (v2sf)  }
0x1e9: {  	s14 =	sadd.f32 s7, s6  }
0x1ea: {  	s4 =	sadd.f32 s4, s15;
	s17 =	spop (v2sf)  }
0x1eb: {  	s25 =	spop (v2sf);
	s13 =	sadd.f32 s14, s13  }
0x1ec: {  	s6 =	spop (v2sf);
	s15 =	sadd.f32 s25, s17  }
0x1ed: {  	s25 =	sadd.f32 s31, s30;
	s7 =	spop (v2sf)  }
0x1ee: {  	s14 =	sadd.f32 s7, s6  }
0x1ef: {  	s4 =	sadd.f32 s13, s4;
	s16 =	spop (v2sf)  }
0x1f0: {  	s17 =	spop (v2sf);
	s13 =	sadd.f32 s14, s15  }
0x1f1: {  	s14 =	sadd.f32 s17, s16  }
0x1f2: {  	s16 =	sadd.f32 s0, s25  }
0x1f3: {  	s6 =	spop (v2sf)  }
0x1f4: {  	s16 =	sadd.f32 s12, s16;
	s7 =	spop (v2sf)  }
0x1f5: {  	s15 =	sadd.f32 s7, s6  }
0x1f6: {  	s16 =	sadd.f32 s1, s16  }
0x1f7: {  	s14 =	sadd.f32 s15, s14  }
0x1f8: {  	s17 =	sadd.f32 s3, s16  }
0x1f9: {  	s13 =	sadd.f32 s14, s13  }
0x1fa: {  	s25 =	sadd.f32 s5, s17  }
0x1fb: {  	s4 =	sadd.f32 s13, s4;
	_ =	sdelay $0x1  }
0x1fc: {  	s13 =	sadd.f32 s4, s25;
	_ =	sdelay $0x1  }
0x1fd: {  	s13 =	smul.f32 s13, s20  }
0x1fe: {  	s29 =	sadd.f32 $0.0e+00, s30  }
0x1ff: {  	s25 =	sadd.f32 $1.192092900e-07, s13  }
0x200: {  	s13 =	sadd.f32 s31, s29  }
0x201: {  	s6 =	smul.f32 s25, s28  }
0x202: {  	s31 =	sadd.f32 s0, s13  }
0x203: {  	s26 =	smul.f32 s6, s26  }
0x204: {  	s16 =	simm.s32 $0x1;
	s12 =	sadd.f32 s12, s31  }
0x205: {  	s17 =	simm.s32 $0x1;
	p4 =	sle.f32 s30, s26;
	p0 =	sle.f32 s31, s26  }
0x206: {  	s0 =	simm.s32 $0x1;
	p3 =	sle.f32 s13, s26;
	s14 =	sadd.f32 s1, s12  }
0x207: {  	p6 =	sle.f32 s12, s26;
	s6 =	simm.s32 @!p0 $0x0;
	s0 =	simm.s32 @!p4 $0x0  }
0x208: {  	s16 =	simm.s32 @!p3 $0x0;
	s17 =	simm.s32 @!p0 $0x0;
	s15 =	sadd.f32 s3, s14  }
0x209: {  	p5 =	sle.f32 s14, s26;
	s3 =	simm.s32 $0x1;
	s6 =	simm.s32 @p0 $0x1  }
0x20a: {  	s0 =	sadd.s32 s16, s0;
	s16 =	simm.s32 $0x1;
	s1 =	sadd.f32 s5, s15  }
0x20b: {  	s3 =	simm.s32 @!p6 $0x0;
	s0 =	sadd.s32 s17, s0;
	s16 =	simm.s32 @!p5 $0x0  }
0x20c: {  	p2 =	sle.f32 s15, s26;
	s3 =	sadd.s32 s3, s0;
	s0 =	sadd.f32 s4, s1  }
0x20d: {  	s5 =	simm.s32 $0x1;
	s4 =	simm.s32 $0x1;
	p1 =	sle.f32 s1, s26  }
0x20e: {  	s3 =	sadd.s32 s16, s3;
	s4 =	simm.s32 @!p2 $0x0;
	p0 =	sle.f32 s0, s26  }
0x20f: {  	s3 =	sadd.s32 s4, s3;
	s5 =	simm.s32 @!p1 $0x0;
	s4 =	simm.s32 $0x1  }
0x210: {  	s3 =	sadd.s32 s5, s3;
	s4 =	simm.s32 @!p0 $0x0  }
0x211: {  	s28 =	sadd.s32 s4, s3  }
0x212: {  	s3 =	smin.u32 s28, $0x7  }
0x213: {  	s30 =	sshll.u32 s3, $0x8  }
0x214: {  	s3 =	sadd.s32 $0x1180, s30  }
0x215: {  	[tilespmem:s22+$0x1880] =	vst v1;
	s22 =	simm.s32 $0x0;
	[dreg:$0x4] =	wrdreg s3  }
0x216: {  	[tilespmem:s21+$0x1880] =	vst v2;
	s7 =	sand.u32 $0x80, s22;
	s3 =	rddreg [dreg:$0x4]  }
0x217: {  	[tilespmem:s23+$0x1880] =	vst v3;
	s16 =	sand.u32 $0x70, s22;
	s3 =	sadd.s32 s7, s3  }
0x218: {  	[tilespmem:s24+$0x1880] =	vst v63;
	s3 =	sadd.s32 s16, s3  }
0x219: {  	v1 =	vld [tilespmem:s3+$0x0];
	_ =	sdelay $0x4  }
0x21a: {  	(v2sf) =	vpush v1, $0xF  }
0x21b: {  	(v2sf) =	vpush v1, $0x7  }
0x21c: {  	(v2sf) =	vpush v1, $0x3  }
0x21d: {  	(v2sf) =	vpush v1, $0x6  }
0x21e: {  	(v2sf) =	vpush v1, $0x5  }
0x21f: {  	(v2sf) =	vpush v1, $0x2  }
0x220: {  	(v2sf) =	vpush v1, $0x9  }
0x221: {  	(v2sf) =	vpush v1, $0x4  }
0x222: {  	s21 =	simm.s32 $0x10;
	(v2sf) =	vpush v1, $0x1  }
0x223: {  	s23 =	sand.u32 $0x80, s21;
	s17 =	rddreg [dreg:$0x4];
	(v2sf) =	vpush v1, $0x8  }
0x224: {  	s4 =	sand.u32 $0x70, s21;
	s3 =	sadd.s32 s23, s17;
	(v2sf) =	vpush v1, $0x0  }
0x225: {  	s3 =	sadd.s32 s4, s3;
	(v2sf) =	vpush v1, $0xC  }
0x226: {  	v2 =	vld [tilespmem:s3+$0x0]  }
0x227: {  	(v2sf) =	vpush v1, $0xE  }
0x228: {  	[smem:$0x7FD] =	sst s6;
	(v2sf) =	vpush v1, $0xA  }
0x229: {  	s6 =	sld [smem:$0x7FD];
	(v2sf) =	vpush v1, $0xD;
	s3 =	spop (v2sf)  }
0x22a: {  	(v2sf) =	vpush v1, $0xB;
	s24 =	spop (v2sf)  }
0x22b: {  	s29 =	simm.s32 @!p4 $0x0;
	(v2sf) =	vpush v2, $0xF;
	s5 =	spop (v2sf)  }
0x22c: {  	s29 =	smov.u32 @p3 s13;
	p3 =	seq.s32 s6, $0x1;
	(v2sf) =	vpush v2, $0x7;
	s16 =	spop (v2sf)  }
0x22d: {  	s29 =	smov.u32 @p3 s31;
	(v2sf) =	vpush v2, $0x3;
	s21 =	spop (v2sf)  }
0x22e: {  	s29 =	smov.u32 @p6 s12;
	(v2sf) =	vpush v2, $0x6;
	s23 =	spop (v2sf)  }
0x22f: {  	s29 =	smov.u32 @p5 s14;
	s17 =	rddreg [dreg:$0x4];
	(v2sf) =	vpush v2, $0x5;
	s14 =	spop (v2sf)  }
0x230: {  	s4 =	sadd.f32 s24, s16;
	(v2sf) =	vpush v2, $0x2;
	s6 =	spop (v2sf)  }
0x231: {  	s5 =	sadd.f32 s5, s23;
	(v2sf) =	vpush v2, $0x9;
	s7 =	spop (v2sf)  }
0x232: {  	s29 =	smov.u32 @p2 s15;
	s15 =	sadd.f32 s21, s6;
	(v2sf) =	vpush v2, $0x4;
	s13 =	spop (v2sf)  }
0x233: {  	s21 =	rddreg [dreg:$0x4];
	(v2sf) =	vpush v2, $0x1;
	s24 =	spop (v2sf)  }
0x234: {  	s13 =	sadd.f32 s14, s13;
	s12 =	spop (v2sf);
	(v2sf) =	vpush v2, $0x8  }
0x235: {  	s23 =	simm.s32 $0x20;
	s16 =	sadd.f32 s7, s24;
	(v2sf) =	vpush v2, $0x0  }
0x236: {  	s7 =	sand.u32 $0x70, s23;
	s23 =	sand.u32 $0x80, s23;
	s6 =	spop (v2sf);
	(v2sf) =	vpush v2, $0xC  }
0x237: {  	s17 =	sadd.s32 s23, s17;
	s23 =	sadd.f32 s4, s15;
	s24 =	spop (v2sf);
	(v2sf) =	vpush v2, $0xE  }
0x238: {  	s3 =	sadd.f32 s3, s6;
	s7 =	sadd.s32 s7, s17;
	s6 =	spop (v2sf);
	(v2sf) =	vpush v2, $0xA  }
0x239: {  	s5 =	sadd.f32 s5, s16;
	v1 =	vld [tilespmem:s7+$0x0];
	s17 =	spop (v2sf)  }
0x23a: {  	s14 =	sadd.f32 s6, s12;
	s15 =	spop (v2sf)  }
0x23b: {  	s24 =	sadd.f32 s17, s24;
	s6 =	spop (v2sf)  }
0x23c: {  	s29 =	smov.u32 @p1 s1;
	(v2sf) =	vpush v2, $0xD;
	s1 =	sadd.f32 s3, s14;
	s7 =	spop (v2sf)  }
0x23d: {  	(v2sf) =	vpush v2, $0xB;
	s4 =	sadd.f32 s24, s13;
	s14 =	spop (v2sf)  }
0x23e: {  	s29 =	smov.u32 @p0 s0;
	s0 =	sadd.f32 s23, s5;
	(v2sf) =	vpush v1, $0xF;
	s17 =	spop (v2sf)  }
0x23f: {  	(v2sf) =	vpush v1, $0x7;
	s4 =	sadd.f32 s1, s4;
	s23 =	spop (v2sf)  }
0x240: {  	s1 =	sadd.f32 s6, s14;
	(v2sf) =	vpush v1, $0x3;
	s14 =	spop (v2sf)  }
0x241: {  	(v2sf) =	vpush v1, $0x6;
	s0 =	sadd.f32 s4, s0;
	s24 =	spop (v2sf)  }
0x242: {  	s12 =	sadd.f32 s7, s23;
	(v2sf) =	vpush v1, $0x5;
	s4 =	spop (v2sf)  }
0x243: {  	(v2sf) =	vpush v1, $0x2;
	s0 =	sadd.f32 s0, s29;
	s16 =	spop (v2sf)  }
0x244: {  	s24 =	sadd.f32 s17, s24;
	(v2sf) =	vpush v1, $0x9;
	s6 =	spop (v2sf)  }
0x245: {  	s31 =	simm.s32 $0x40;
	(v2sf) =	vpush v1, $0x4;
	p0 =	sle.f32 s0, s26;
	s17 =	spop (v2sf)  }
0x246: {  	s23 =	simm.s32 $0x30;
	(v2sf) =	vpush v1, $0x1;
	s13 =	sadd.f32 s4, s6;
	s7 =	spop (v2sf)  }
0x247: {  	s4 =	sand.u32 $0x70, s23;
	(v2sf) =	vpush v1, $0x8;
	s15 =	sadd.f32 s15, s7;
	s3 =	spop (v2sf)  }
.LBB2_19:
0x248: {  	_ = 	snop  }
0x249: {  	s14 =	sadd.f32 s14, s16  }
0x24a: {  	s5 =	sand.u32 $0x80, s23;
	(v2sf) =	vpush v1, $0x0;
	s7 =	simm.s32 $0x1;
	s1 =	sadd.f32 s1, s24  }
0x24b: {  	s7 =	simm.s32 @!p0 $0x0;
	s12 =	sadd.f32 s12, s13;
	s6 =	spop (v2sf);
	(v2sf) =	vpush v1, $0xC  }
0x24c: {  	s22 =	sadd.s32 s7, s22;
	s7 =	sadd.s32 s5, s21;
	s16 =	spop (v2sf);
	(v2sf) =	vpush v1, $0xE  }
0x24d: {  	s21 =	rddreg [dreg:$0x4];
	s4 =	sadd.s32 s4, s7;
	(v2sf) =	vpush v1, $0xA  }
0x24e: {  	s6 =	sadd.f32 s6, s17;
	v2 =	vld [tilespmem:s4+$0x0];
	s7 =	spop (v2sf)  }
0x24f: {  	s3 =	sadd.f32 s16, s3;
	s4 =	spop (v2sf)  }
0x250: {  	s6 =	sadd.f32 s15, s6;
	s13 =	spop (v2sf)  }
0x251: {  	(v2sf) =	vpush v1, $0xD;
	s3 =	sadd.f32 s3, s14;
	s24 =	spop (v2sf)  }
0x252: {  	s12 =	sadd.f32 s1, s12;
	(v2sf) =	vpush v1, $0xB;
	s16 =	spop (v2sf)  }
0x253: {  	(v2sf) =	vpush v2, $0xF;
	v1 =	vmov v2;
	s3 =	sadd.f32 s6, s3;
	s17 =	spop (v2sf)  }
0x254: {  	s1 =	sadd.f32 s4, s24;
	(v2sf) =	vpush v1, $0x7;
	s14 =	spop (v2sf)  }
0x255: {  	(v2sf) =	vpush v1, $0x3;
	s3 =	sadd.f32 s3, s12;
	s24 =	spop (v2sf)  }
0x256: {  	p1 =	sne.s32 s31, $0xF0;
	(v2sf) =	vpush v1, $0x6;
	s24 =	sadd.f32 s16, s24  }
0x257: {  	s29 =	smov.u32 @p0 s0;
	(v2sf) =	vpush v1, $0x5;
	s6 =	spop (v2sf);
	s0 =	sadd.f32 s3, s0  }
.Ltmp8:
0x258: {  	(v2sf) =	vpush v1, $0x2;
	s16 =	spop (v2sf);
	(pc) =	sbr.rel @p1 .LBB2_19-.Ltmp8, $4  }
0x259: {  	s23 =	smov.u32 s31;
	s12 =	sadd.f32 s13, s17;
	(v2sf) =	vpush v1, $0x9;
	s13 =	spop (v2sf)  }
0x25a: {  	s5 =	sadd.s32 $0x10, s31;
	p0 =	sle.f32 s0, s26;
	(v2sf) =	vpush v1, $0x4;
	s17 =	spop (v2sf)  }
0x25b: {  	s31 =	smov.u32 s5;
	s13 =	sadd.f32 s6, s13;
	(v2sf) =	vpush v1, $0x1;
	s15 =	spop (v2sf)  }
0x25c: {  	s4 =	sand.u32 $0x70, s23;
	(v2sf) =	vpush v1, $0x8;
	s15 =	sadd.f32 s7, s15;
	s3 =	spop (v2sf)  }
0x25d: {  	s5 =	sand.u32 $0x80, s23  }
0x25e: {  	s5 =	sadd.s32 s5, s21  }
0x25f: {  	(v2sf) =	vpush v1, $0x0;
	s4 =	sadd.s32 s4, s5  }
0x260: {  	(v2sf) =	vpush v1, $0xC;
	v2 =	vld [tilespmem:s4+$0x0]  }
0x261: {  	s1 =	sadd.f32 s1, s24;
	(v2sf) =	vpush v1, $0xE  }
0x262: {  	s12 =	sadd.f32 s12, s13;
	s7 =	spop (v2sf);
	(v2sf) =	vpush v1, $0xA  }
0x263: {  	s21 =	sadd.f32 s14, s16;
	s6 =	spop (v2sf);
	(v2sf) =	vpush v1, $0xD  }
0x264: {  	s4 =	sadd.f32 s7, s17;
	(v2sf) =	vpush v1, $0xB;
	s7 =	spop (v2sf)  }
0x265: {  	s3 =	sadd.f32 s6, s3;
	s23 =	spop (v2sf);
	(v2sf) =	vpush v2, $0xF  }
0x266: {  	s4 =	sadd.f32 s15, s4;
	s6 =	spop (v2sf);
	(v2sf) =	vpush v2, $0x7  }
0x267: {  	s3 =	sadd.f32 s3, s21;
	s24 =	spop (v2sf);
	(v2sf) =	vpush v2, $0x3  }
0x268: {  	s1 =	sadd.f32 s1, s12;
	s31 =	spop (v2sf);
	(v2sf) =	vpush v2, $0x6  }
0x269: {  	s3 =	sadd.f32 s4, s3;
	s17 =	spop (v2sf);
	(v2sf) =	vpush v2, $0x5  }
0x26a: {  	s13 =	sadd.f32 s23, s24;
	s16 =	spop (v2sf);
	(v2sf) =	vpush v2, $0x2  }
0x26b: {  	s1 =	sadd.f32 s3, s1;
	s21 =	spop (v2sf);
	(v2sf) =	vpush v2, $0x9  }
0x26c: {  	s5 =	sadd.f32 s6, s17;
	s23 =	spop (v2sf);
	(v2sf) =	vpush v2, $0x4  }
0x26d: {  	s4 =	sadd.f32 s31, s21;
	s3 =	spop (v2sf);
	(v2sf) =	vpush v2, $0x1  }
0x26e: {  	s12 =	sadd.f32 s1, s0;
	s24 =	spop (v2sf);
	(v2sf) =	vpush v2, $0x8  }
0x26f: {  	s3 =	sadd.f32 s16, s3;
	s31 =	spop (v2sf);
	(v2sf) =	vpush v2, $0x0  }
0x270: {  	s4 =	sadd.f32 s13, s4;
	s17 =	spop (v2sf);
	(v2sf) =	vpush v2, $0xC  }
0x271: {  	s14 =	sadd.f32 s23, s24;
	s21 =	spop (v2sf);
	(v2sf) =	vpush v2, $0xE  }
0x272: {  	s1 =	sadd.f32 s7, s17;
	s23 =	spop (v2sf);
	(v2sf) =	vpush v2, $0xA  }
0x273: {  	s5 =	sadd.f32 s5, s14;
	s24 =	spop (v2sf);
	(v2sf) =	vpush v2, $0xD  }
0x274: {  	s6 =	sadd.f32 s23, s31;
	s7 =	spop (v2sf);
	(v2sf) =	vpush v2, $0xB  }
0x275: {  	s15 =	sadd.f32 s24, s21;
	s31 =	spop (v2sf)  }
0x276: {  	s1 =	sadd.f32 s1, s6;
	s16 =	spop (v2sf)  }
0x277: {  	s3 =	sadd.f32 s15, s3;
	s17 =	spop (v2sf)  }
0x278: {  	s4 =	sadd.f32 s4, s5;
	s21 =	spop (v2sf)  }
0x279: {  	s1 =	sadd.f32 s1, s3;
	s23 =	spop (v2sf)  }
0x27a: {  	s13 =	sadd.f32 s31, s17;
	s5 =	spop (v2sf)  }
0x27b: {  	s1 =	sadd.f32 s1, s4;
	s24 =	spop (v2sf)  }
0x27c: {  	s15 =	sadd.f32 s16, s23;
	s31 =	spop (v2sf)  }
0x27d: {  	s3 =	sadd.f32 s21, s24;
	s17 =	spop (v2sf)  }
0x27e: {  	s21 =	spop (v2sf);
	s4 =	sadd.f32 s5, s17  }
0x27f: {  	s3 =	sadd.f32 s13, s3;
	s23 =	spop (v2sf)  }
0x280: {  	s6 =	sadd.f32 s31, s21;
	s24 =	spop (v2sf)  }
0x281: {  	s7 =	sadd.f32 s7, s24;
	s31 =	spop (v2sf)  }
0x282: {  	s6 =	sadd.f32 s15, s6;
	s21 =	spop (v2sf)  }
0x283: {  	s23 =	sadd.f32 s21, s23;
	s24 =	spop (v2sf)  }
0x284: {  	s31 =	sadd.f32 s24, s31  }
0x285: {  	s5 =	sadd.f32 s7, s23  }
0x286: {  	s4 =	sadd.f32 s31, s4  }
0x287: {  	s3 =	sadd.f32 s3, s6  }
0x288: {  	s4 =	sadd.f32 s5, s4  }
0x289: {  	s5 =	sadd.f32 s1, s12  }
0x28a: {  	s3 =	sadd.f32 s4, s3  }
0x28b: {  	p1 =	sle.f32 s12, s26  }
0x28c: {  	s6 =	simm.s32 $0x1;
	s1 =	simm.s32 $0x1;
	s3 =	sadd.f32 s3, s5  }
0x28d: {  	s1 =	simm.s32 @!p0 $0x0;
	s4 =	simm.s32 $0x1;
	p2 =	sle.f32 s5, s26  }
0x28e: {  	s1 =	sadd.s32 s1, s22;
	s4 =	simm.s32 @!p1 $0x0;
	p3 =	sle.f32 s3, s26  }
0x28f: {  	s1 =	sadd.s32 s4, s1;
	s6 =	simm.s32 @!p2 $0x0;
	s4 =	simm.s32 $0x1  }
0x290: {  	s1 =	sadd.s32 s6, s1;
	s4 =	simm.s32 @!p3 $0x0  }
0x291: {  	s1 =	sadd.s32 s4, s1  }
0x292: {  	p4 =	slt.s32 s1, $0xF  }
0x293: {  	s1 =	simm.s32 @!p4 $0xF  }
0x294: {  	s13 =	sshll.u32 s1, $0x4  }
0x295: {  	s1 =	sadd.s32 s30, s13  }
0x296: {  	s4 =	sand.u32 $0x70, s13;
	s14 =	sand.u32 $0xFFFFFF80, s1  }
0x297: {  	s4 =	sor.u32 s4, s14  }
0x298: {  	v1 =	vld [tilespmem:s4+$0x1180];
	_ =	sdelay $0x4  }
0x299: {  	(v2sf) =	vpush v1, $0x0;
	_ =	sdelay $0x1  }
0x29a: {  	(v2sf) =	vpush v1, $0x1;
	_ =	sdelay $0x1  }
0x29b: {  	(v2sf) =	vpush v1, $0x2;
	_ =	sdelay $0x3  }
0x29c: {  	(v2sf) =	vpush v1, $0x3;
	_ =	sdelay $0x1  }
0x29d: {  	(v2sf) =	vpush v1, $0x4;
	_ =	sdelay $0x1  }
0x29e: {  	s29 =	smov.u32 @p0 s0  }
0x29f: {  	s29 =	smov.u32 @p1 s12  }
0x2a0: {  	s29 =	smov.u32 @p2 s5;
	(v2sf) =	vpush v1, $0x5  }
0x2a1: {  	s29 =	smov.u32 @p3 s3;
	s3 =	spop (v2sf)  }
0x2a2: {  	s15 =	sadd.f32 s3, s29  }
0x2a3: {  	(v2sf) =	vpush v1, $0x6;
	s4 =	spop (v2sf)  }
0x2a4: {  	s0 =	simm.s32 $0x1;
	s16 =	sadd.f32 s15, s4  }
0x2a5: {  	s17 =	simm.s32 $0x1;
	s6 =	spop (v2sf);
	p0 =	sle.f32 s15, s26  }
0x2a6: {  	s12 =	simm.s32 $0x1;
	(v2sf) =	vpush v1, $0x7;
	p1 =	sle.f32 s16, s26;
	s5 =	sadd.f32 s16, s6  }
0x2a7: {  	s21 =	simm.s32 $0x1;
	s7 =	simm.s32 $0x1;
	s12 =	simm.s32 @!p0 $0x0  }
0x2a8: {  	s0 =	simm.s32 @!p1 $0x0;
	s4 =	simm.s32 @p1 $0x0;
	p2 =	sle.f32 s5, s26  }
0x2a9: {  	p1 =	por !p0, !p1;
	s3 =	smov.u32 @p0 s4;
	s4 =	spop (v2sf);
	(v2sf) =	vpush v1, $0x8  }
0x2aa: {  	p0 =	por !p1, !p1;
	s6 =	smov.u32 @p2 s3;
	s5 =	sadd.f32 s5, s4  }
0x2ab: {  	p6 =	por !p2, !p2;
	s3 =	smov.u32 @p0 s6;
	s6 =	spop (v2sf);
	(v2sf) =	vpush v1, $0x9  }
0x2ac: {  	s13 =	simm.s32 $0x1;
	p0 =	por p1, p6;
	p1 =	sle.f32 s5, s26  }
0x2ad: {  	s14 =	simm.s32 $0x1;
	s4 =	smov.u32 @p0 s3;
	s5 =	sadd.f32 s5, s6  }
0x2ae: {  	p3 =	por !p1, !p1;
	s13 =	simm.s32 @!p1 $0x0;
	s4 =	smov.u32 @p1 s3  }
0x2af: {  	p1 =	sle.f32 s5, s26;
	s3 =	spop (v2sf);
	(v2sf) =	vpush v1, $0xA;
	p0 =	por p0, p3  }
0x2b0: {  	s16 =	simm.s32 $0x1;
	s5 =	sadd.f32 s5, s3;
	s6 =	smov.u32 @p0 s4  }
0x2b1: {  	p4 =	por !p1, !p1;
	s14 =	simm.s32 @!p1 $0x0;
	s6 =	smov.u32 @p1 s4  }
0x2b2: {  	p0 =	por p0, p4;
	p1 =	sle.f32 s5, s26;
	s4 =	spop (v2sf)  }
0x2b3: {  	s1 =	sor.u32 s12, s1;
	s3 =	smov.u32 @p0 s6;
	s5 =	sadd.f32 s5, s4  }
0x2b4: {  	p5 =	por !p1, !p1;
	s7 =	simm.s32 @!p1 $0x0;
	s3 =	smov.u32 @p1 s6  }
0x2b5: {  	s6 =	spop (v2sf);
	p0 =	por p0, p5;
	p1 =	sle.f32 s5, s26  }
0x2b6: {  	s0 =	sadd.s32 s0, s1;
	(v2sf) =	vpush v1, $0xB;
	s5 =	sadd.f32 s5, s6;
	s4 =	smov.u32 @p0 s3  }
0x2b7: {  	p6 =	por !p1, !p1;
	s16 =	simm.s32 @!p1 $0x0;
	s4 =	smov.u32 @p1 s3  }
0x2b8: {  	(v2sf) =	vpush v1, $0xC;
	p1 =	sle.f32 s5, s26;
	p0 =	por p0, p6;
	s3 =	spop (v2sf)  }
0x2b9: {  	s21 =	simm.s32 @!p2 $0x0;
	s6 =	smov.u32 @p0 s4;
	s5 =	sadd.f32 s5, s3  }
0x2ba: {  	(v2sf) =	vpush v1, $0xD;
	p3 =	por !p1, !p1;
	s17 =	simm.s32 @!p1 $0x0;
	s15 =	spop (v2sf)  }
0x2bb: {  	s6 =	smov.u32 @p1 s4;
	p1 =	sle.f32 s5, s26;
	s5 =	sadd.f32 s5, s15  }
0x2bc: {  	s0 =	sadd.s32 s21, s0;
	(v2sf) =	vpush v1, $0xE;
	p0 =	por p0, p3;
	s4 =	simm.s32 $0x1  }
0x2bd: {  	s3 =	smov.u32 @p0 s6;
	s4 =	simm.s32 @!p1 $0x0;
	p2 =	sle.f32 s5, s26  }
0x2be: {  	(v2sf) =	vpush v1, $0xF;
	s3 =	smov.u32 @p1 s6;
	p1 =	por !p1, !p1;
	s22 =	spop (v2sf)  }
0x2bf: {  	p1 =	por p0, p1;
	s5 =	sadd.f32 s5, s22;
	p0 =	por !p2, !p2  }
0x2c0: {  	s0 =	sadd.s32 s13, s0;
	s23 =	simm.s32 @!p0 $0x0  }
0x2c1: {  	s0 =	sadd.s32 s14, s0;
	s23 =	simm.s32 @p0 $0x1;
	p0 =	sle.f32 s5, s26  }
0x2c2: {  	s12 =	simm.s32 $0x1;
	s0 =	sadd.s32 s7, s0  }
0x2c3: {  	s7 =	sadd.s32 s16, s0;
	[smem:$0x7F9] =	sst s23;
	s23 =	simm.s32 @!p0 $0x0  }
0x2c4: {  	s7 =	sadd.s32 s17, s7;
	s6 =	simm.s32 @!p1 $0x0;
	s23 =	simm.s32 @p0 $0x1  }
0x2c5: {  	s15 =	smov.u32 @p1 s3;
	[smem:$0x7FB] =	sst s23;
	s23 =	spop (v2sf)  }
0x2c6: {  	s6 =	simm.s32 @p1 $0x1;
	s15 =	smov.u32 @p2 s3;
	s5 =	sadd.f32 s5, s23  }
0x2c7: {  	[smem:$0x7FA] =	sst s6;
	s6 =	simm.s32 $0x1;
	s1 =	spop (v2sf)  }
0x2c8: {  	s6 =	simm.s32 @!p2 $0x0;
	p2 =	sle.f32 s5, s26;
	s5 =	sadd.f32 s5, s1  }
0x2c9: {  	s14 =	simm.s32 $0x1;
	s4 =	sadd.s32 s4, s7;
	s13 =	spop (v2sf)  }
0x2ca: {  	s3 =	simm.s32 $0x1;
	p5 =	sle.f32 s5, s26;
	s5 =	sadd.f32 s5, s13  }
0x2cb: {  	s12 =	simm.s32 @!p0 $0x0;
	s24 =	sld [smem:$0x7F9];
	s0 =	spop (v2sf)  }
0x2cc: {  	s4 =	sadd.s32 s6, s4;
	s6 =	simm.s32 $0x1;
	s17 =	sadd.f32 s5, s0  }
0x2cd: {  	s4 =	sadd.s32 s12, s4;
	p6 =	sle.f32 s5, s26;
	s5 =	spop (v2sf)  }
0x2ce: {  	v1 =	vld [tilespmem:$0x1180];
	p4 =	seq.s32 s24, $0x1;
	s3 =	simm.s32 @!p2 $0x0;
	s21 =	sadd.f32 s17, s5  }
0x2cf: {  	s29 =	sld [smem:$0x7FB];
	s3 =	sadd.s32 s3, s4;
	p3 =	sle.f32 s17, s26  }
0x2d0: {  	s14 =	simm.s32 @!p5 $0x0;
	p0 =	sle.f32 s21, s26;
	s26 =	sld [smem:$0x7FA]  }
0x2d1: {  	s4 =	simm.s32 $0x1;
	s3 =	sadd.s32 s14, s3;
	s6 =	simm.s32 @!p6 $0x0  }
0x2d2: {  	s3 =	sadd.s32 s6, s3;
	s4 =	simm.s32 @!p3 $0x0;
	s7 =	simm.s32 @!p0 $0x0  }
0x2d3: {  	(v2sf) =	vpush v1, $0x0;
	s3 =	sadd.s32 s4, s3;
	s7 =	simm.s32 @p0 $0x1;
	p1 =	seq.s32 s26, $0x1  }
0x2d4: {  	[smem:$0x7FC] =	sst s7;
	s7 =	simm.s32 $0x1;
	p4 =	por p1, p4  }
0x2d5: {  	s7 =	simm.s32 @!p0 $0x0;
	s22 =	smov.u32 @p4 s15;
	p0 =	seq.s32 s29, $0x1  }
0x2d6: {  	s3 =	sadd.s32 s7, s3;
	s22 =	smov.u32 @p0 s15;
	p1 =	por !p0, !p0  }
0x2d7: {  	p0 =	slt.s32 s3, $0x7CF;
	p4 =	por p4, p1;
	p1 =	slt.u32 s28, $0x8  }
0x2d8: {  	s3 =	simm.s32 @!p0 $0x7CF;
	s23 =	smov.u32 @p4 s22;
	p0 =	por !p2, !p2  }
0x2d9: {  	s3 =	simm.s32 @!p1 $0x0;
	s23 =	smov.u32 @p2 s22;
	p0 =	por p4, p0  }
0x2da: {  	p4 =	por !p5, !p5;
	s3 =	scvt.s32.f32 s3;
	s1 =	smov.u32 @p0 s23  }
0x2db: {  	v2 =	vmov s25;
	v1 =	vld [tilespmem:s19+$0x1980];
	s31 =	sld [smem:$0x7FC];
	p0 =	por p0, p4;
	s1 =	smov.u32 @p5 s23  }
0x2dc: {  	v2 =	vnsel vm0, $0x3F800000, v2;
	p5 =	por !p6, !p6;
	s3 =	smul.f32 $1.000400170e-03, s3;
	s13 =	smov.u32 @p0 s1  }
0x2dd: {  	(erf) = vrcp.f32 v2;
	p0 =	por p0, p5;
	s13 =	smov.u32 @p6 s1  }
0x2de: {  	s30 =	sadd.f32 $-9.998999830e-01, s3;
	s0 =	smov.u32 @p0 s13  }
0x2df: {  	vm1 =	veq.s32 v0, $0x0;
	p2 =	seq.s32 s31, $0x1;
	s0 =	smov.u32 @p3 s13  }
0x2e0: {  	v1 =	vsel vm1, s30, v1;
	s5 =	smov.u32 @p2 s0  }
0x2e1: {  	[tilespmem:s19+$0x1980] =	vst v1;
	s5 =	smov.u32 @p0 s0;
	v1 =	vld [tilespmem:s19+$0x1A00]  }
0x2e2: {  	s1 =	spop (v2sf);
	s0 =	smov.u32 @p3 s5  }
0x2e3: {  	s1 =	smov.u32 @p1 s0  }
0x2e4: {  	s0 =	smul.f32 s1, s20;
	_ =	sdelay $0x1  }
0x2e5: {  	v2 =	vpop (erf);
	v1 =	vsel vm1, s0, v1  }
0x2e6: {  	v1 =	vmul.f32 v1, v2;
	_ =	sdelay $0x1  }
0x2e7: {  	[tilespmem:s19+$0x1A00] =	vst v1;
	s19 =	sadd.s32 $0x1, s19  }
0x2e8: {  	p0 =	sne.s32 s19, $0x40  }
.Ltmp9:
0x2e9: {  	_ = 	snop;
	(pc) =	sbr.rel @p0 .LBB2_2-.Ltmp9, $1  }
0x2ea: {  	_ =	sdelay $0x3  }
0x2eb: {  	s0 =	simm.s32 $0x1980  }
0x2ec: {  	[hbm4b:s8+s2] =	stream.linear.scatter [tilespmem:s0], [sflag:$0x1], $0x40, $0x38;
	[tilespmem:$0x1A80] =	vst v63  }
0x2ed: {  	s18 =	sadd.s32 $0x1, s18;
	_ =	swait.ge [sflag:s11], $0x40  }
0x2ee: {  	p0 =	sne.s32 s18, s10;
	[sflag:s11] =	ssyncset.done $0x0  }
.Ltmp10:
0x2ef: {  	s31 =	simm.s32 $0x1A00;
	[sflag:s11] =	ssyncadd.s32 $0xFFFFFFC0;
	(pc) =	sbr.rel @p0 .LBB2_1-.Ltmp10, $4  }
0x2f0: {  	[hbm4b:s9+s2] =	stream.linear.scatter [tilespmem:s31], [sflag:$0x1], $0x40, $0x38;
	[tilespmem:$0x1A80] =	vst v63  }
0x2f1: {  	_ =	swait.ge [sflag:s11], $0x40  }
0x2f2: {  	[sflag:s11] =	ssyncset.done $0x0  }
0x2f3: {  	[sflag:s11] =	ssyncadd.s32 $0xFFFFFFC0  }
0x2f4: {  	_ =	sfence.sel $0x180000  }
0x2f5: {  	[bflag:$0x0] =	sbarrier.arrive $0xFFFF  }
0x2f6: {  	_ =	strace $0x90000047  }
0x2f7: {  	s0 =	stileid.u32;
	[bflag:$0x2] =	sbarrier.arrive $0xFFFF  }
0x2f8: {  	p0 =	sne.s32 s0, $0x0;
	s0 =	rddreg [dreg:$0x3]  }
0x2f9: {  	s0 =	sadd.s32 @!p0 $0x100000, s0  }
0x2fa: {  	[sflag:s0] =	ssyncadd.tile.s32 @!p0 $0x1;
	_ =	shalt  }
.Lfunc_end2:
_tile_overlayer_lowered:
.L_overlay_start_2:
0x2fb: {  	(tag) =	ssettag $0x2  }
0x2fc: {  	s0 =	rddreg [dreg:$0x0];
	s2 =	stileid.u32  }
0x2fd: {  	s1 =	rddreg [dreg:$0x1];
	p0 =	sne.s32 s2, $0x0  }
0x2fe: {  	s3 =	rddreg [dreg:$0x2];
	[bflag:$0x3] =	sbarrier.arrive $0xFFFF;
	s2 =	simm.s32 @!p0 $0x1C01  }
0x2ff: {  	[timem:s3], [sflag:s2] =	dma.local @!p0 [hbm:s0], s1  }
0x300: {  	s0 =	simm.s32 @!p0 $0x1  }
0x301: {  	_ =	swait.ge @!p0 [sflag:s0], s1  }
0x302: {  	s1 =	ssub.s32 @!p0 $0x0, s1;
	[sflag:s0] =	ssyncset.done @!p0 $0x0  }
0x303: {  	[sflag:s0] =	ssyncadd.s32 @!p0 s1  }
0x304: {  	[bflag:$0x3] =	sbarrier.arrive $0xFFFF  }
0x305: {  	_ =	shalt  }

</sc_bundles>
